<compile_context>
chip_gen: v7x
topology: tpu7x:2x2x1
jax: 0.10.2.dev20260603
libtpu: 0.0.44.dev20260713+nightly
codegen_flags: <defaults>
</compile_context>

<pallas_src>
import functools

import jax
import jax.numpy as jnp
from jax.experimental import pallas as pl
from jax.experimental.pallas import tpu as pltpu
from jax.experimental.pallas import tpu_sc as plsc

N_POINTS = 2048
K = 16
R = 512
_GW = 128


def _dot(a, b):
    return jax.lax.dot(a, b, preferred_element_type=jnp.float32)


def _bdot(a, b):
    return jax.lax.dot(a.astype(jnp.bfloat16), b.astype(jnp.bfloat16),
                       preferred_element_type=jnp.float32)



def _knn_kernel(pts_ref, ptsT_ref, gidx_ref, *, rows):
    b = pl.program_id(0)
    pts_r = pts_ref[0]
    ptsT = ptsT_ref[0]
    sq_r = jnp.sum(pts_r * pts_r, axis=1, keepdims=True)
    sq_all = jnp.sum(ptsT * ptsT, axis=0, keepdims=True)
    d2 = sq_r + sq_all - 2.0 * _dot(pts_r, ptsT)
    lane_iota = jax.lax.broadcasted_iota(jnp.int32, (rows, N_POINTS), 1)
    for j in range(K):
        m = jnp.min(d2, axis=1, keepdims=True)
        amin = jnp.min(jnp.where(d2 == m, lane_iota, N_POINTS),
                       axis=1, keepdims=True)
        d2 = jnp.where(lane_iota == amin, jnp.float32(jnp.inf), d2)
        gidx_ref[0, :, j] = amin[:, 0] + b * N_POINTS



def _sc_gather(table, gidx_flat, n_rows, n_cols):
    mesh = plsc.VectorSubcoreMesh(core_axis_name="core",
                                  subcore_axis_name="subcore")

    @functools.partial(
        pl.kernel,
        out_type=jax.ShapeDtypeStruct((n_rows, n_cols), table.dtype),
        mesh=mesh,
        compiler_params=pltpu.CompilerParams(use_tc_tiling_on_sc=False),
    )
    def gather_kernel(x_hbm, i_hbm, o_hbm):
        def body(i_vmem, o_vmem):
            pltpu.sync_copy(x_hbm.at[i_vmem.at[0]], o_vmem)

        pltpu.emit_pipeline(
            body,
            grid=(n_rows // _GW,),
            in_specs=[pl.BlockSpec((1, _GW), index_map=lambda i: (0, i))],
            out_specs=[pl.BlockSpec((_GW, n_cols),
                                    index_map=lambda i: (i, 0))],
            core_axis_name=("core", "subcore"),
            dimension_semantics=(pltpu.PARALLEL,),
        )(i_hbm, o_hbm)

    return gather_kernel(table, gidx_flat.reshape(1, n_rows))



def _stage1_kernel(npos_ref, pts_ref, w1_ref, b1_ref, w2_ref, b2_ref,
                   f1_ref):
    npos = npos_ref[0, :, :, 0:3]
    rel = npos - pts_ref[0][:, None, :]
    rel_flat = rel.reshape(R * K, 3)
    h = jnp.maximum(_bdot(rel_flat, w1_ref[...]) + b1_ref[...], 0.0)
    h = jnp.maximum(_bdot(h, w2_ref[...]) + b2_ref[...], 0.0)
    f1_ref[0] = jnp.max(h.reshape(R, K, 128), axis=1)



def _stage2_kernel(npos_ref, pts_ref, nf_ref, w3_ref, b3_ref,
                   w4_ref, b4_ref, fgeo_ref, g_ref):
    t = pl.program_id(1)
    npos = npos_ref[0, :, :, 0:3]
    rel = npos - pts_ref[0][:, None, :]
    rel_flat = rel.reshape(R * K, 3)
    nf_flat = nf_ref[0].reshape(R * K, 128)
    w3r = w3_ref[0:3, :]
    w3f = w3_ref[3:, :]
    h = _bdot(rel_flat, w3r) + _bdot(nf_flat, w3f) + b3_ref[...]
    h = jnp.maximum(h, 0.0)
    h = jnp.maximum(_bdot(h, w4_ref[...]) + b4_ref[...], 0.0)
    fgeo = jnp.max(h.reshape(R, K, 256), axis=1)
    fgeo_ref[0] = fgeo

    @pl.when(t == 0)
    def _init():
        g_ref[...] = jnp.zeros_like(g_ref)

    g_ref[0, 0] += jnp.sum(fgeo, axis=0) / N_POINTS



R_KNN = 512


def _knn(pts):
    B, N, _ = pts.shape
    ntiles = N // R_KNN
    ptsT = jnp.transpose(pts, (0, 2, 1))
    return pl.pallas_call(
        functools.partial(_knn_kernel, rows=R_KNN),
        grid=(B, ntiles),
        in_specs=[
            pl.BlockSpec((1, R_KNN, 3), lambda b, t: (b, t, 0)),
            pl.BlockSpec((1, 3, N), lambda b, t: (b, 0, 0)),
        ],
        out_specs=pl.BlockSpec((1, R_KNN, K), lambda b, t: (b, t, 0)),
        out_shape=jax.ShapeDtypeStruct((B, N, K), jnp.int32),
        compiler_params=pltpu.CompilerParams(
            dimension_semantics=("arbitrary", "parallel")),
    )(pts, ptsT)


def _pos_gather(pts, gidx):
    B, N, _ = pts.shape
    M = B * N * K
    pts8 = jnp.pad(pts.reshape(B * N, 3), ((0, 0), (0, 5)))
    return _sc_gather(pts8, gidx.reshape(M), M, 8).reshape(B, N, K, 8)


def _stage1(npos, pts, W1, b1, W2, b2):
    B, N, _ = pts.shape
    ntiles = N // R
    return pl.pallas_call(
        _stage1_kernel,
        grid=(B, ntiles),
        in_specs=[
            pl.BlockSpec((1, R, K, 8), lambda b, t: (b, t, 0, 0)),
            pl.BlockSpec((1, R, 3), lambda b, t: (b, t, 0)),
            pl.BlockSpec((3, 64), lambda b, t: (0, 0)),
            pl.BlockSpec((64,), lambda b, t: (0,)),
            pl.BlockSpec((64, 128), lambda b, t: (0, 0)),
            pl.BlockSpec((128,), lambda b, t: (0,)),
        ],
        out_specs=pl.BlockSpec((1, R, 128), lambda b, t: (b, t, 0)),
        out_shape=jax.ShapeDtypeStruct((B, N, 128), jnp.float32),
        compiler_params=pltpu.CompilerParams(
            dimension_semantics=("arbitrary", "parallel")),
    )(npos, pts, W1, b1, W2, b2)


def _f1_gather(f1p, gidx):
    B, N, _ = f1p.shape
    M = B * N * K
    nf = _sc_gather(f1p.reshape(B * N, 128), gidx.reshape(M), M, 128)
    return nf.reshape(B, N, K, 128)


def _stage2(npos, pts, nf, W3, b3, W4, b4):
    B, N, _ = pts.shape
    ntiles = N // R
    F_geo, g = pl.pallas_call(
        _stage2_kernel,
        grid=(B, ntiles),
        in_specs=[
            pl.BlockSpec((1, R, K, 8), lambda b, t: (b, t, 0, 0)),
            pl.BlockSpec((1, R, 3), lambda b, t: (b, t, 0)),
            pl.BlockSpec((1, R, K, 128), lambda b, t: (b, t, 0, 0)),
            pl.BlockSpec((3 + 128, 128), lambda b, t: (0, 0)),
            pl.BlockSpec((128,), lambda b, t: (0,)),
            pl.BlockSpec((128, 256), lambda b, t: (0, 0)),
            pl.BlockSpec((256,), lambda b, t: (0,)),
        ],
        out_specs=[
            pl.BlockSpec((1, R, 256), lambda b, t: (b, t, 0)),
            pl.BlockSpec((1, 1, 256), lambda b, t: (b, 0, 0)),
        ],
        out_shape=[
            jax.ShapeDtypeStruct((B, N, 256), jnp.float32),
            jax.ShapeDtypeStruct((B, 1, 256), jnp.float32),
        ],
    )(npos, pts, nf, W3, b3, W4, b4)

    return (F_geo, g[:, 0, :])


@jax.jit
def kernel(pts, W1, b1, W2, b2, W3, b3, W4, b4):
    B = pts.shape[0]
    halves = [pts[0:B // 2], pts[B // 2:]]
    gidx = [_knn(h) for h in halves]
    npos = [_pos_gather(h, gi) for h, gi in zip(halves, gidx)]
    f1p = [_stage1(np_, h, W1, b1, W2, b2)
           for np_, h in zip(npos, halves)]
    nf = [_f1_gather(f, gi) for f, gi in zip(f1p, gidx)]
    outs = [_stage2(np_, h, nf_, W3, b3, W4, b4)
            for np_, h, nf_ in zip(npos, halves, nf)]
    F_geo = jnp.concatenate([o[0] for o in outs], axis=0)
    g = jnp.concatenate([o[1] for o in outs], axis=0)
    return (F_geo, g)

# --- scband reference (transcript-rebuilt; emitter-appended) ---
"""Pipeline reference for scband-point-net2-encoder-81819126989015 (READ-ONLY COPY).

The authoritative reference and input builder live on the scoring server;
editing this copy changes nothing except your own understanding.
"""

import jax, jax.numpy as jnp
import numpy as np

K_NEIGHBORS = 16

def _init_linear(key, fan_in, fan_out):
    kw, kb = jax.random.split(key)
    scale = 1.0 / np.sqrt(fan_in)
    W = jax.random.uniform(kw, (fan_in, fan_out), jnp.float32, -scale, scale)
    b = jax.random.uniform(kb, (fan_out,), jnp.float32, -scale, scale)
    return W, b

def setup_inputs(seed: int = 0) -> dict:
    key = jax.random.key(seed)
    ks = jax.random.split(key, 8)
    B, N = 4, 2048
    pts = jax.random.normal(ks[0], (B, N, 3), dtype=jnp.float32)
    # PointNet++-style set-abstraction MLPs (knn grouping, shared MLP, max-pool)
    W1, b1 = _init_linear(ks[1], 3, 64)              # stage-1 MLP layer 1 (relative pos)
    W2, b2 = _init_linear(ks[2], 64, 128)            # stage-1 MLP layer 2
    W3, b3 = _init_linear(ks[3], 3 + 128, 128)       # stage-2 MLP layer 1 (rel pos + neighbor feats)
    W4, b4 = _init_linear(ks[4], 128, 256)           # stage-2 MLP layer 2 -> cgeo=256
    return {"pts": pts, "W1": W1, "b1": b1, "W2": W2, "b2": b2,
            "W3": W3, "b3": b3, "W4": W4, "b4": b4}

def _knn_idx(pos, k):
    # pos: [B, N, 3] -> idx: [B, N, k] indices of k nearest neighbors (incl. self)
    sq = jnp.sum(pos * pos, axis=-1)                      # [B, N]
    d2 = sq[:, :, None] + sq[:, None, :] - 2.0 * jnp.einsum('bnd,bmd->bnm', pos, pos)
    _, idx = jax.lax.top_k(-d2, k)                        # nearest = largest -d2
    return idx

_gather = jax.vmap(lambda a, i: a[i])  # a: [N, C], i: [N, k] -> [N, k, C]

def reference(pts, W1, b1, W2, b2, W3, b3, W4, b4):
    B, N, _ = pts.shape
    idx = _knn_idx(pts, K_NEIGHBORS)                      # [B, N, k]
    neigh_pos = _gather(pts, idx)                         # [B, N, k, 3]
    rel = neigh_pos - pts[:, :, None, :]                  # relative coordinates
    # Stage 1: shared MLP over groups + max pool (PointNetConv)
    h = jax.nn.relu(rel @ W1 + b1)
    h = jax.nn.relu(h @ W2 + b2)                          # [B, N, k, 128]
    f1 = jnp.max(h, axis=2)                               # [B, N, 128]
    # Stage 2: group neighbor features + rel pos, shared MLP + max pool
    neigh_f = _gather(f1, idx)                            # [B, N, k, 128]
    feat = jnp.concatenate([rel, neigh_f], axis=-1)       # [B, N, k, 131]
    h2 = jax.nn.relu(feat @ W3 + b3)
    h2 = jax.nn.relu(h2 @ W4 + b4)                        # [B, N, k, 256]
    F_geo = jnp.max(h2, axis=2)                           # [B, N, 256] per-point features
    g = jnp.mean(F_geo, axis=1)                           # [B, 256] global mean
    return (F_geo, g)

if __name__ == "__main__":
    import jax
    _d = setup_inputs()
    print(jax.jit(kernel)(*tuple(_d.values())))

</pallas_src>

<mosaic_0001>
#map = affine_map<(d0, d1) -> (0, 0)>
module attributes {stable_mosaic.version = 14 : i64} {
  func.func @gather_kernel(%arg0: i32, %arg1: i32, %arg2: memref<4096x8xf32, #tpu.memory_space<hbm>>, %arg3: memref<1x65536xi32, #tpu.memory_space<hbm>>, %arg4: memref<65536x8xf32, #tpu.memory_space<hbm>>) attributes {dimension_semantics = [#tpu.dimension_semantics<core_parallel>, #tpu.dimension_semantics<subcore_parallel>], iteration_bounds = array<i64: 2, 16>, scalar_prefetch = 0 : i64, scratch_operands = 0 : i64, tpu.core_type = #tpu.core_type<sc_vector_subcore>, window_params = [{transform_indices = #map}, {transform_indices = #map}, {transform_indices = #map}]} {
    %mul3A = arith.constant 1 : i32
    %mul3A_0 = arith.muli %arg1, %mul3A : i32
    %add3A = arith.constant 0 : i32
    %add3A_1 = arith.addi %add3A, %mul3A_0 : i32
    %mul3A_2 = arith.constant 16 : i32
    %mul3A_3 = arith.muli %arg0, %mul3A_2 : i32
    %add3A_4 = arith.addi %add3A_1, %mul3A_3 : i32
    %mul3A_5 = arith.constant 16 : i32
    %mul3A_6 = arith.muli %add3A_4, %mul3A_5 : i32
    "tpu.region"() ({
      %run_scoped3A = memref.alloca() : memref<2x1x128xi32, #tpu.memory_space<vmem>>
      %run_scoped3A_7 = tpu.sem_alloc : memref<2x!tpu.dma_semaphore, #tpu.memory_space<semaphore_mem>>
      %run_scoped3A_8 = memref.alloca() : memref<2x128x8xf32, #tpu.memory_space<vmem>>
      %run_scoped3A_9 = tpu.sem_alloc : memref<2x!tpu.dma_semaphore, #tpu.memory_space<semaphore_mem>>
      %add3A_10 = arith.constant 0 : i32
      %add3A_11 = arith.addi %add3A_10, %mul3A_6 : i32
      %select_n3A = arith.constant true
      %select_n3A_12 = arith.constant 0 : i32
      %select_n3A_13 = arith.constant -1 : i32
      %select_n3A_14 = arith.select %select_n3A, %select_n3A_13, %select_n3A_12 : i32
      %eq3A = arith.constant -1 : i32
      %eq3A_15 = arith.cmpi eq, %select_n3A_14, %eq3A : i32
      %select_n3A_16 = arith.constant 15 : i32
      %select_n3A_17 = arith.select %eq3A_15, %select_n3A_16, %select_n3A_14 : i32
      %add3A_18 = arith.addi %select_n3A_17, %mul3A_6 : i32
      %select_n3A_19 = arith.constant true
      %select_n3A_20 = arith.constant 0 : i32
      %select_n3A_21 = arith.constant 1 : i32
      %select_n3A_22 = arith.select %select_n3A_19, %select_n3A_21, %select_n3A_20 : i32
      %eq3A_23 = arith.constant 16 : i32
      %eq3A_24 = arith.cmpi eq, %select_n3A_22, %eq3A_23 : i32
      %select_n3A_25 = arith.constant 0 : i32
      %select_n3A_26 = arith.select %eq3A_24, %select_n3A_25, %select_n3A_22 : i32
      %add3A_27 = arith.addi %select_n3A_26, %mul3A_6 : i32
      %add3A_28 = arith.constant 1 : i32
      %add3A_29 = arith.addi %select_n3A_26, %add3A_28 : i32
      %select_n3A_30 = arith.constant true
      %select_n3A_31 = arith.select %select_n3A_30, %add3A_29, %select_n3A_26 : i32
      %eq3A_32 = arith.constant 16 : i32
      %eq3A_33 = arith.cmpi eq, %select_n3A_31, %eq3A_32 : i32
      %select_n3A_34 = arith.constant 0 : i32
      %select_n3A_35 = arith.select %eq3A_33, %select_n3A_34, %select_n3A_31 : i32
      %add3A_36 = arith.addi %select_n3A_35, %mul3A_6 : i32
      "tpu.trace_start"() <{level = 10 : i32, message = "ep_initialize_0"}> : () -> ()
      %rem3A = arith.constant 0 : i32
      %rem3A_37 = arith.constant 2 : i32
      %rem3A_38 = arith.remui %rem3A, %rem3A_37 : i32
      %mul3A_39 = arith.constant 128 : i32
      %mul3A_40 = arith.muli %mul3A_39, %add3A_11 : i32
      %dma_start3A = arith.constant 0 : i32
      %dma_start3A_41 = arith.constant 0 : i32
      %dma_start3A_42 = tpu.memref_slice %run_scoped3A[%rem3A_38, %dma_start3A, %dma_start3A_41] : memref<2x1x128xi32, #tpu.memory_space<vmem>> -> memref<1x1x128xi32, #tpu.memory_space<vmem>>
      %dma_start3A_43 = tpu.memref_squeeze %dma_start3A_42 : memref<1x1x128xi32, #tpu.memory_space<vmem>> -> memref<1x128xi32, #tpu.memory_space<vmem>>
      %dma_start3A_44 = arith.constant 0 : i32
      %dma_start3A_45 = tpu.memref_slice %arg3[%dma_start3A_44, %mul3A_40] : memref<1x65536xi32, #tpu.memory_space<hbm>> -> memref<1x128xi32, #tpu.memory_space<hbm>>
      %dma_start3A_46 = tpu.memref_slice %run_scoped3A_7[%rem3A_38] : memref<2x!tpu.dma_semaphore, #tpu.memory_space<semaphore_mem>> -> memref<1x!tpu.dma_semaphore, #tpu.memory_space<semaphore_mem>>
      %dma_start3A_47 = tpu.memref_squeeze %dma_start3A_46 : memref<1x!tpu.dma_semaphore, #tpu.memory_space<semaphore_mem>> -> memref<!tpu.dma_semaphore, #tpu.memory_space<semaphore_mem>>
      %dma_start3A_48 = arith.constant 0 : i32
      %dma_start3A_49 = arith.constant 0 : i32
      %dma_start3A_50 = tpu.memref_slice %run_scoped3A[%rem3A_38, %dma_start3A_48, %dma_start3A_49] : memref<2x1x128xi32, #tpu.memory_space<vmem>> -> memref<1x1x128xi32, #tpu.memory_space<vmem>>
      %dma_start3A_51 = tpu.memref_squeeze %dma_start3A_50 : memref<1x1x128xi32, #tpu.memory_space<vmem>> -> memref<1x128xi32, #tpu.memory_space<vmem>>
      %dma_start3A_52 = arith.constant 0 : i32
      %dma_start3A_53 = tpu.memref_slice %arg3[%dma_start3A_52, %mul3A_40] : memref<1x65536xi32, #tpu.memory_space<hbm>> -> memref<1x128xi32, #tpu.memory_space<hbm>>
      tpu.enqueue_dma source(%dma_start3A_53 : memref<1x128xi32, #tpu.memory_space<hbm>>) target(%dma_start3A_51 : memref<1x128xi32, #tpu.memory_space<vmem>>) target_semaphore(%dma_start3A_47 : memref<!tpu.dma_semaphore, #tpu.memory_space<semaphore_mem>>)
      %add3A_54 = arith.constant 0 : i32
      %add3A_55 = arith.constant 1 : i32
      %add3A_56 = arith.addi %add3A_54, %add3A_55 : i32
      %select_n3A_57 = arith.constant true
      %select_n3A_58 = arith.constant 0 : i32
      %select_n3A_59 = arith.select %select_n3A_57, %add3A_56, %select_n3A_58 : i32
      "tpu.trace_stop"() : () -> ()
      %scan3A = arith.constant 0 : i32
      %scan3A_60 = arith.constant 0 : i32
      %scan3A_61 = arith.constant 0 : i32
      %scan3A_62 = arith.constant 0 : i32
      %scan3A_63 = arith.constant 0 : i32
      %scan3A_64 = arith.constant 16 : i32
      %scan3A_65 = arith.addi %scan3A_63, %scan3A_64 : i32
      %scan3A_66 = arith.constant 1 : i32
      %scan3A_67:5 = scf.for %scan3A_121 = %scan3A_63 to %scan3A_65 step %scan3A_66 iter_args(%scan3A_122 = %select_n3A_59, %scan3A_123 = %scan3A, %scan3A_124 = %scan3A_60, %scan3A_125 = %scan3A_61, %scan3A_126 = %scan3A_62) -> (i32, i32, i32, i32, i32)  : i32 {
        %eq3A_127 = arith.constant 0 : i32
        %eq3A_128 = arith.cmpi eq, %scan3A_121, %eq3A_127 : i32
        %eq3A_129 = arith.constant 15 : i32
        %eq3A_130 = arith.cmpi eq, %scan3A_121, %eq3A_129 : i32
        %add3A_131 = arith.addi %scan3A_126, %mul3A_6 : i32
        %sub3A_132 = arith.constant 1 : i32
        %sub3A_133 = arith.subi %scan3A_126, %sub3A_132 : i32
        %select_n3A_134 = arith.constant true
        %select_n3A_135 = arith.select %select_n3A_134, %sub3A_133, %scan3A_126 : i32
        %eq3A_136 = arith.constant -1 : i32
        %eq3A_137 = arith.cmpi eq, %select_n3A_135, %eq3A_136 : i32
        %select_n3A_138 = arith.constant 15 : i32
        %select_n3A_139 = arith.select %eq3A_137, %select_n3A_138, %select_n3A_135 : i32
        %add3A_140 = arith.addi %select_n3A_139, %mul3A_6 : i32
        %add3A_141 = arith.constant 1 : i32
        %add3A_142 = arith.addi %scan3A_126, %add3A_141 : i32
        %select_n3A_143 = arith.constant true
        %select_n3A_144 = arith.select %select_n3A_143, %add3A_142, %scan3A_126 : i32
        %eq3A_145 = arith.constant 16 : i32
        %eq3A_146 = arith.cmpi eq, %select_n3A_144, %eq3A_145 : i32
        %select_n3A_147 = arith.constant 0 : i32
        %select_n3A_148 = arith.select %eq3A_146, %select_n3A_147, %select_n3A_144 : i32
        %add3A_149 = arith.addi %select_n3A_148, %mul3A_6 : i32
        %add3A_150 = arith.constant 1 : i32
        %add3A_151 = arith.addi %select_n3A_148, %add3A_150 : i32
        %select_n3A_152 = arith.constant true
        %select_n3A_153 = arith.select %select_n3A_152, %add3A_151, %select_n3A_148 : i32
        %eq3A_154 = arith.constant 16 : i32
        %eq3A_155 = arith.cmpi eq, %select_n3A_153, %eq3A_154 : i32
        %select_n3A_156 = arith.constant 0 : i32
        %select_n3A_157 = arith.select %eq3A_155, %select_n3A_156, %select_n3A_153 : i32
        %add3A_158 = arith.addi %select_n3A_157, %mul3A_6 : i32
        %ne3A = arith.cmpi ne, %add3A_131, %add3A_149 : i32
        %or3A = arith.constant false
        %or3A_159 = arith.ori %or3A, %ne3A : i1
        %ge3A = arith.constant 15 : i32
        %ge3A_160 = arith.cmpi sge, %scan3A_121, %ge3A : i32
        %not3A = arith.constant true
        %not3A_161 = arith.xori %ge3A_160, %not3A : i1
        %and3A = arith.andi %or3A_159, %not3A_161 : i1
        %convert_element_type3A = arith.extui %and3A : i1 to i32
        %cond3A = arith.constant 0 : i32
        %cond3A_162 = arith.cmpi ne, %convert_element_type3A, %cond3A : i32
        scf.if %cond3A_162 {
          "tpu.trace_start"() <{level = 10 : i32, message = "ep_copy_in"}> : () -> ()
          %rem3A_264 = arith.constant 2 : i32
          %rem3A_265 = arith.remui %scan3A_122, %rem3A_264 : i32
          %mul3A_266 = arith.constant 128 : i32
          %mul3A_267 = arith.muli %mul3A_266, %add3A_149 : i32
          %dma_start3A_268 = arith.constant 0 : i32
          %dma_start3A_269 = arith.constant 0 : i32
          %dma_start3A_270 = tpu.memref_slice %run_scoped3A[%rem3A_265, %dma_start3A_268, %dma_start3A_269] : memref<2x1x128xi32, #tpu.memory_space<vmem>> -> memref<1x1x128xi32, #tpu.memory_space<vmem>>
          %dma_start3A_271 = tpu.memref_squeeze %dma_start3A_270 : memref<1x1x128xi32, #tpu.memory_space<vmem>> -> memref<1x128xi32, #tpu.memory_space<vmem>>
          %dma_start3A_272 = arith.constant 0 : i32
          %dma_start3A_273 = tpu.memref_slice %arg3[%dma_start3A_272, %mul3A_267] : memref<1x65536xi32, #tpu.memory_space<hbm>> -> memref<1x128xi32, #tpu.memory_space<hbm>>
          %dma_start3A_274 = tpu.memref_slice %run_scoped3A_7[%rem3A_265] : memref<2x!tpu.dma_semaphore, #tpu.memory_space<semaphore_mem>> -> memref<1x!tpu.dma_semaphore, #tpu.memory_space<semaphore_mem>>
          %dma_start3A_275 = tpu.memref_squeeze %dma_start3A_274 : memref<1x!tpu.dma_semaphore, #tpu.memory_space<semaphore_mem>> -> memref<!tpu.dma_semaphore, #tpu.memory_space<semaphore_mem>>
          %dma_start3A_276 = arith.constant 0 : i32
          %dma_start3A_277 = arith.constant 0 : i32
          %dma_start3A_278 = tpu.memref_slice %run_scoped3A[%rem3A_265, %dma_start3A_276, %dma_start3A_277] : memref<2x1x128xi32, #tpu.memory_space<vmem>> -> memref<1x1x128xi32, #tpu.memory_space<vmem>>
          %dma_start3A_279 = tpu.memref_squeeze %dma_start3A_278 : memref<1x1x128xi32, #tpu.memory_space<vmem>> -> memref<1x128xi32, #tpu.memory_space<vmem>>
          %dma_start3A_280 = arith.constant 0 : i32
          %dma_start3A_281 = tpu.memref_slice %arg3[%dma_start3A_280, %mul3A_267] : memref<1x65536xi32, #tpu.memory_space<hbm>> -> memref<1x128xi32, #tpu.memory_space<hbm>>
          tpu.enqueue_dma source(%dma_start3A_281 : memref<1x128xi32, #tpu.memory_space<hbm>>) target(%dma_start3A_279 : memref<1x128xi32, #tpu.memory_space<vmem>>) target_semaphore(%dma_start3A_275 : memref<!tpu.dma_semaphore, #tpu.memory_space<semaphore_mem>>)
          "tpu.trace_stop"() : () -> ()
        } else {
        }
        %and3A_163 = arith.constant true
        %and3A_164 = arith.andi %and3A, %and3A_163 : i1
        %add3A_165 = arith.constant 1 : i32
        %add3A_166 = arith.addi %scan3A_122, %add3A_165 : i32
        %select_n3A_167 = arith.select %and3A_164, %add3A_166, %scan3A_122 : i32
        %ne3A_168 = arith.cmpi ne, %add3A_131, %add3A_149 : i32
        %or3A_169 = arith.constant false
        %or3A_170 = arith.ori %or3A_169, %ne3A_168 : i1
        %or3A_171 = arith.constant false
        %or3A_172 = arith.ori %or3A_170, %or3A_171 : i1
        %ge3A_173 = arith.constant 15 : i32
        %ge3A_174 = arith.cmpi sge, %scan3A_121, %ge3A_173 : i32
        %not3A_175 = arith.constant true
        %not3A_176 = arith.xori %ge3A_174, %not3A_175 : i1
        %and3A_177 = arith.andi %or3A_172, %not3A_176 : i1
        %ne3A_178 = arith.cmpi ne, %add3A_131, %add3A_140 : i32
        %or3A_179 = arith.constant false
        %or3A_180 = arith.ori %or3A_179, %ne3A_178 : i1
        %or3A_181 = arith.ori %or3A_180, %eq3A_128 : i1
        %convert_element_type3A_182 = arith.extui %or3A_181 : i1 to i32
        %cond3A_183 = arith.constant 0 : i32
        %cond3A_184 = arith.cmpi ne, %convert_element_type3A_182, %cond3A_183 : i32
        scf.if %cond3A_184 {
          "tpu.trace_start"() <{level = 10 : i32, message = "ep_wait_in"}> : () -> ()
          %mul3A_264 = arith.constant 128 : i32
          %mul3A_265 = arith.muli %mul3A_264, %add3A_131 : i32
          %rem3A_266 = arith.constant 2 : i32
          %rem3A_267 = arith.remui %scan3A_123, %rem3A_266 : i32
          %dma_wait3A_268 = arith.constant 0 : i32
          %dma_wait3A_269 = arith.constant 0 : i32
          %dma_wait3A_270 = tpu.memref_slice %run_scoped3A[%rem3A_267, %dma_wait3A_268, %dma_wait3A_269] : memref<2x1x128xi32, #tpu.memory_space<vmem>> -> memref<1x1x128xi32, #tpu.memory_space<vmem>>
          %dma_wait3A_271 = tpu.memref_squeeze %dma_wait3A_270 : memref<1x1x128xi32, #tpu.memory_space<vmem>> -> memref<1x128xi32, #tpu.memory_space<vmem>>
          %dma_wait3A_272 = arith.constant 0 : i32
          %dma_wait3A_273 = tpu.memref_slice %arg3[%dma_wait3A_272, %mul3A_265] : memref<1x65536xi32, #tpu.memory_space<hbm>> -> memref<1x128xi32, #tpu.memory_space<hbm>>
          %dma_wait3A_274 = tpu.memref_slice %run_scoped3A_7[%rem3A_267] : memref<2x!tpu.dma_semaphore, #tpu.memory_space<semaphore_mem>> -> memref<1x!tpu.dma_semaphore, #tpu.memory_space<semaphore_mem>>
          %dma_wait3A_275 = tpu.memref_squeeze %dma_wait3A_274 : memref<1x!tpu.dma_semaphore, #tpu.memory_space<semaphore_mem>> -> memref<!tpu.dma_semaphore, #tpu.memory_space<semaphore_mem>>
          %dma_wait3A_276 = arith.constant 0 : i32
          %dma_wait3A_277 = arith.constant 0 : i32
          %dma_wait3A_278 = tpu.memref_slice %run_scoped3A[%rem3A_267, %dma_wait3A_276, %dma_wait3A_277] : memref<2x1x128xi32, #tpu.memory_space<vmem>> -> memref<1x1x128xi32, #tpu.memory_space<vmem>>
          %dma_wait3A_279 = tpu.memref_squeeze %dma_wait3A_278 : memref<1x1x128xi32, #tpu.memory_space<vmem>> -> memref<1x128xi32, #tpu.memory_space<vmem>>
          %dma_wait3A_280 = arith.constant 0 : i32
          %dma_wait3A_281 = tpu.memref_slice %arg3[%dma_wait3A_280, %mul3A_265] : memref<1x65536xi32, #tpu.memory_space<hbm>> -> memref<1x128xi32, #tpu.memory_space<hbm>>
          tpu.wait_dma2 semaphore(%dma_wait3A_275 : memref<!tpu.dma_semaphore, #tpu.memory_space<semaphore_mem>>) src(%dma_wait3A_281 : memref<1x128xi32, #tpu.memory_space<hbm>>) dst(%dma_wait3A_279 : memref<1x128xi32, #tpu.memory_space<vmem>>)
          "tpu.trace_stop"() : () -> ()
        } else {
        }
        %ne3A_185 = arith.cmpi ne, %add3A_131, %add3A_140 : i32
        %or3A_186 = arith.constant false
        %or3A_187 = arith.ori %or3A_186, %ne3A_185 : i1
        %or3A_188 = arith.constant false
        %or3A_189 = arith.ori %or3A_187, %or3A_188 : i1
        %or3A_190 = arith.ori %or3A_189, %eq3A_128 : i1
        %convert_element_type3A_191 = arith.extui %or3A_190 : i1 to i32
        %cond3A_192 = arith.constant 0 : i32
        %cond3A_193 = arith.cmpi ne, %convert_element_type3A_191, %cond3A_192 : i32
        scf.if %cond3A_193 {
        } else {
        }
        %rem3A_194 = arith.constant 2 : i32
        %rem3A_195 = arith.remui %scan3A_123, %rem3A_194 : i32
        %rem3A_196 = arith.constant 2 : i32
        %rem3A_197 = arith.remui %scan3A_124, %rem3A_196 : i32
        %run_scoped3A_198 = arith.constant 0 : i32
        "tpu.trace_start"() <{level = 10 : i32, message = "ep_run_kernel"}> : () -> ()
        "tpu.region"() ({
          %run_scoped3A_264 = tpu.sem_alloc : memref<!tpu.dma_semaphore, #tpu.memory_space<semaphore_mem>>
          %dma_start3A_265 = arith.constant 0 : i32
          %dma_start3A_266 = arith.constant 0 : i32
          %dma_start3A_267 = tpu.memref_slice %run_scoped3A_8[%rem3A_197, %dma_start3A_265, %dma_start3A_266] : memref<2x128x8xf32, #tpu.memory_space<vmem>> -> memref<1x128x8xf32, #tpu.memory_space<vmem>>
          %dma_start3A_268 = tpu.memref_squeeze %dma_start3A_267 : memref<1x128x8xf32, #tpu.memory_space<vmem>> -> memref<128x8xf32, #tpu.memory_space<vmem>>
          %dma_start3A_269 = arith.constant 0 : i32
          %dma_start3A_270 = arith.constant 0 : i32
          %dma_start3A_271 = tpu.memref_slice %run_scoped3A[%rem3A_195, %dma_start3A_269, %dma_start3A_270] : memref<2x1x128xi32, #tpu.memory_space<vmem>> -> memref<1x1x128xi32, #tpu.memory_space<vmem>>
          %dma_start3A_272 = tpu.memref_squeeze %dma_start3A_271 : memref<1x1x128xi32, #tpu.memory_space<vmem>> -> memref<1x128xi32, #tpu.memory_space<vmem>>
          %dma_start3A_273 = arith.constant 0 : i32
          %dma_start3A_274 = tpu.memref_slice %dma_start3A_272[%run_scoped3A_198, %dma_start3A_273] : memref<1x128xi32, #tpu.memory_space<vmem>> -> memref<1x128xi32, #tpu.memory_space<vmem>>
          %dma_start3A_275 = tpu.memref_squeeze %dma_start3A_274 : memref<1x128xi32, #tpu.memory_space<vmem>> -> memref<128xi32, #tpu.memory_space<vmem>>
          %dma_start3A_276 = arith.constant 0 : i32
          %dma_start3A_277 = arith.constant 0 : i32
          %dma_start3A_278 = tpu.memref_slice %arg2[%dma_start3A_276, %dma_start3A_277] : memref<4096x8xf32, #tpu.memory_space<hbm>> -> memref<4096x8xf32, #tpu.memory_space<hbm>>
          tpu.enqueue_indirect_dma source(%dma_start3A_278 : memref<4096x8xf32, #tpu.memory_space<hbm>>) target(%dma_start3A_268 : memref<128x8xf32, #tpu.memory_space<vmem>>) offsets(%dma_start3A_275 : memref<128xi32, #tpu.memory_space<vmem>>) semaphore(%run_scoped3A_264 : memref<!tpu.dma_semaphore, #tpu.memory_space<semaphore_mem>>)
          %dma_wait3A_279 = arith.constant 0 : i32
          %dma_wait3A_280 = arith.constant 0 : i32
          %dma_wait3A_281 = tpu.memref_slice %run_scoped3A_8[%rem3A_197, %dma_wait3A_279, %dma_wait3A_280] : memref<2x128x8xf32, #tpu.memory_space<vmem>> -> memref<1x128x8xf32, #tpu.memory_space<vmem>>
          %dma_wait3A_282 = tpu.memref_squeeze %dma_wait3A_281 : memref<1x128x8xf32, #tpu.memory_space<vmem>> -> memref<128x8xf32, #tpu.memory_space<vmem>>
          %dma_wait3A_283 = arith.constant 0 : i32
          %dma_wait3A_284 = arith.constant 0 : i32
          %dma_wait3A_285 = tpu.memref_slice %run_scoped3A[%rem3A_195, %dma_wait3A_283, %dma_wait3A_284] : memref<2x1x128xi32, #tpu.memory_space<vmem>> -> memref<1x1x128xi32, #tpu.memory_space<vmem>>
          %dma_wait3A_286 = tpu.memref_squeeze %dma_wait3A_285 : memref<1x1x128xi32, #tpu.memory_space<vmem>> -> memref<1x128xi32, #tpu.memory_space<vmem>>
          %dma_wait3A_287 = arith.constant 0 : i32
          %dma_wait3A_288 = tpu.memref_slice %dma_wait3A_286[%run_scoped3A_198, %dma_wait3A_287] : memref<1x128xi32, #tpu.memory_space<vmem>> -> memref<1x128xi32, #tpu.memory_space<vmem>>
          %dma_wait3A_289 = tpu.memref_squeeze %dma_wait3A_288 : memref<1x128xi32, #tpu.memory_space<vmem>> -> memref<128xi32, #tpu.memory_space<vmem>>
          %dma_wait3A_290 = arith.constant 0 : i32
          %dma_wait3A_291 = arith.constant 0 : i32
          %dma_wait3A_292 = tpu.memref_slice %arg2[%dma_wait3A_290, %dma_wait3A_291] : memref<4096x8xf32, #tpu.memory_space<hbm>> -> memref<4096x8xf32, #tpu.memory_space<hbm>>
          tpu.wait_indirect_dma semaphore(%run_scoped3A_264 : memref<!tpu.dma_semaphore, #tpu.memory_space<semaphore_mem>>) src(%dma_wait3A_292 : memref<4096x8xf32, #tpu.memory_space<hbm>>) dst(%dma_wait3A_282 : memref<128x8xf32, #tpu.memory_space<vmem>>)
          tpu.yield
        }) : () -> ()
        "tpu.trace_stop"() : () -> ()
        %ne3A_199 = arith.cmpi ne, %add3A_131, %add3A_149 : i32
        %or3A_200 = arith.constant false
        %or3A_201 = arith.ori %or3A_200, %ne3A_199 : i1
        %or3A_202 = arith.ori %or3A_201, %eq3A_130 : i1
        %convert_element_type3A_203 = arith.extui %or3A_202 : i1 to i32
        %cond3A_204 = arith.constant 0 : i32
        %cond3A_205 = arith.cmpi ne, %convert_element_type3A_203, %cond3A_204 : i32
        scf.if %cond3A_205 {
        } else {
        }
        %and3A_206 = arith.constant false
        %and3A_207 = arith.andi %or3A_202, %and3A_206 : i1
        %ne3A_208 = arith.cmpi ne, %add3A_131, %add3A_149 : i32
        %or3A_209 = arith.constant false
        %or3A_210 = arith.ori %or3A_209, %ne3A_208 : i1
        %or3A_211 = arith.constant false
        %or3A_212 = arith.ori %or3A_210, %or3A_211 : i1
        %or3A_213 = arith.ori %or3A_212, %eq3A_130 : i1
        %convert_element_type3A_214 = arith.extui %or3A_213 : i1 to i32
        %cond3A_215 = arith.constant 0 : i32
        %cond3A_216 = arith.cmpi ne, %convert_element_type3A_214, %cond3A_215 : i32
        scf.if %cond3A_216 {
          "tpu.trace_start"() <{level = 10 : i32, message = "ep_copy_out"}> : () -> ()
          %rem3A_264 = arith.constant 2 : i32
          %rem3A_265 = arith.remui %scan3A_124, %rem3A_264 : i32
          %mul3A_266 = arith.constant 128 : i32
          %mul3A_267 = arith.muli %mul3A_266, %add3A_131 : i32
          %dma_start3A_268 = arith.constant 0 : i32
          %dma_start3A_269 = arith.constant 0 : i32
          %dma_start3A_270 = tpu.memref_slice %run_scoped3A_8[%rem3A_265, %dma_start3A_268, %dma_start3A_269] : memref<2x128x8xf32, #tpu.memory_space<vmem>> -> memref<1x128x8xf32, #tpu.memory_space<vmem>>
          %dma_start3A_271 = tpu.memref_squeeze %dma_start3A_270 : memref<1x128x8xf32, #tpu.memory_space<vmem>> -> memref<128x8xf32, #tpu.memory_space<vmem>>
          %dma_start3A_272 = arith.constant 0 : i32
          %dma_start3A_273 = tpu.memref_slice %arg4[%mul3A_267, %dma_start3A_272] : memref<65536x8xf32, #tpu.memory_space<hbm>> -> memref<128x8xf32, #tpu.memory_space<hbm>>
          %dma_start3A_274 = tpu.memref_slice %run_scoped3A_9[%rem3A_265] : memref<2x!tpu.dma_semaphore, #tpu.memory_space<semaphore_mem>> -> memref<1x!tpu.dma_semaphore, #tpu.memory_space<semaphore_mem>>
          %dma_start3A_275 = tpu.memref_squeeze %dma_start3A_274 : memref<1x!tpu.dma_semaphore, #tpu.memory_space<semaphore_mem>> -> memref<!tpu.dma_semaphore, #tpu.memory_space<semaphore_mem>>
          %dma_start3A_276 = arith.constant 0 : i32
          %dma_start3A_277 = tpu.memref_slice %arg4[%mul3A_267, %dma_start3A_276] : memref<65536x8xf32, #tpu.memory_space<hbm>> -> memref<128x8xf32, #tpu.memory_space<hbm>>
          %dma_start3A_278 = arith.constant 0 : i32
          %dma_start3A_279 = arith.constant 0 : i32
          %dma_start3A_280 = tpu.memref_slice %run_scoped3A_8[%rem3A_265, %dma_start3A_278, %dma_start3A_279] : memref<2x128x8xf32, #tpu.memory_space<vmem>> -> memref<1x128x8xf32, #tpu.memory_space<vmem>>
          %dma_start3A_281 = tpu.memref_squeeze %dma_start3A_280 : memref<1x128x8xf32, #tpu.memory_space<vmem>> -> memref<128x8xf32, #tpu.memory_space<vmem>>
          tpu.enqueue_dma source(%dma_start3A_281 : memref<128x8xf32, #tpu.memory_space<vmem>>) target(%dma_start3A_277 : memref<128x8xf32, #tpu.memory_space<hbm>>) target_semaphore(%dma_start3A_275 : memref<!tpu.dma_semaphore, #tpu.memory_space<semaphore_mem>>)
          "tpu.trace_stop"() : () -> ()
        } else {
        }
        %and3A_217 = arith.constant true
        %and3A_218 = arith.andi %or3A_213, %and3A_217 : i1
        %add3A_219 = arith.constant 1 : i32
        %add3A_220 = arith.addi %scan3A_124, %add3A_219 : i32
        %select_n3A_221 = arith.select %and3A_218, %add3A_220, %scan3A_124 : i32
        %ne3A_222 = arith.cmpi ne, %add3A_131, %add3A_140 : i32
        %or3A_223 = arith.constant false
        %or3A_224 = arith.ori %or3A_223, %ne3A_222 : i1
        %not3A_225 = arith.constant true
        %not3A_226 = arith.xori %eq3A_128, %not3A_225 : i1
        %and3A_227 = arith.andi %or3A_224, %not3A_226 : i1
        %convert_element_type3A_228 = arith.extui %and3A_227 : i1 to i32
        %cond3A_229 = arith.constant 0 : i32
        %cond3A_230 = arith.cmpi ne, %convert_element_type3A_228, %cond3A_229 : i32
        scf.if %cond3A_230 {
        } else {
        }
        %and3A_231 = arith.constant false
        %and3A_232 = arith.andi %and3A_227, %and3A_231 : i1
        %ne3A_233 = arith.cmpi ne, %add3A_131, %add3A_140 : i32
        %or3A_234 = arith.constant false
        %or3A_235 = arith.ori %or3A_234, %ne3A_233 : i1
        %or3A_236 = arith.constant false
        %or3A_237 = arith.ori %or3A_235, %or3A_236 : i1
        %not3A_238 = arith.constant true
        %not3A_239 = arith.xori %eq3A_128, %not3A_238 : i1
        %and3A_240 = arith.andi %or3A_237, %not3A_239 : i1
        %convert_element_type3A_241 = arith.extui %and3A_240 : i1 to i32
        %cond3A_242 = arith.constant 0 : i32
        %cond3A_243 = arith.cmpi ne, %convert_element_type3A_241, %cond3A_242 : i32
        scf.if %cond3A_243 {
          "tpu.trace_start"() <{level = 10 : i32, message = "ep_wait_out"}> : () -> ()
          %rem3A_264 = arith.constant 2 : i32
          %rem3A_265 = arith.remui %scan3A_125, %rem3A_264 : i32
          %mul3A_266 = arith.constant 128 : i32
          %mul3A_267 = arith.muli %mul3A_266, %add3A_140 : i32
          %dma_wait3A_268 = arith.constant 0 : i32
          %dma_wait3A_269 = arith.constant 0 : i32
          %dma_wait3A_270 = tpu.memref_slice %run_scoped3A_8[%rem3A_265, %dma_wait3A_268, %dma_wait3A_269] : memref<2x128x8xf32, #tpu.memory_space<vmem>> -> memref<1x128x8xf32, #tpu.memory_space<vmem>>
          %dma_wait3A_271 = tpu.memref_squeeze %dma_wait3A_270 : memref<1x128x8xf32, #tpu.memory_space<vmem>> -> memref<128x8xf32, #tpu.memory_space<vmem>>
          %dma_wait3A_272 = arith.constant 0 : i32
          %dma_wait3A_273 = tpu.memref_slice %arg4[%mul3A_267, %dma_wait3A_272] : memref<65536x8xf32, #tpu.memory_space<hbm>> -> memref<128x8xf32, #tpu.memory_space<hbm>>
          %dma_wait3A_274 = tpu.memref_slice %run_scoped3A_9[%rem3A_265] : memref<2x!tpu.dma_semaphore, #tpu.memory_space<semaphore_mem>> -> memref<1x!tpu.dma_semaphore, #tpu.memory_space<semaphore_mem>>
          %dma_wait3A_275 = tpu.memref_squeeze %dma_wait3A_274 : memref<1x!tpu.dma_semaphore, #tpu.memory_space<semaphore_mem>> -> memref<!tpu.dma_semaphore, #tpu.memory_space<semaphore_mem>>
          %dma_wait3A_276 = arith.constant 0 : i32
          %dma_wait3A_277 = tpu.memref_slice %arg4[%mul3A_267, %dma_wait3A_276] : memref<65536x8xf32, #tpu.memory_space<hbm>> -> memref<128x8xf32, #tpu.memory_space<hbm>>
          %dma_wait3A_278 = arith.constant 0 : i32
          %dma_wait3A_279 = arith.constant 0 : i32
          %dma_wait3A_280 = tpu.memref_slice %run_scoped3A_8[%rem3A_265, %dma_wait3A_278, %dma_wait3A_279] : memref<2x128x8xf32, #tpu.memory_space<vmem>> -> memref<1x128x8xf32, #tpu.memory_space<vmem>>
          %dma_wait3A_281 = tpu.memref_squeeze %dma_wait3A_280 : memref<1x128x8xf32, #tpu.memory_space<vmem>> -> memref<128x8xf32, #tpu.memory_space<vmem>>
          tpu.wait_dma2 semaphore(%dma_wait3A_275 : memref<!tpu.dma_semaphore, #tpu.memory_space<semaphore_mem>>) src(%dma_wait3A_281 : memref<128x8xf32, #tpu.memory_space<vmem>>) dst(%dma_wait3A_277 : memref<128x8xf32, #tpu.memory_space<hbm>>)
          "tpu.trace_stop"() : () -> ()
        } else {
        }
        %and3A_244 = arith.constant true
        %and3A_245 = arith.andi %and3A_240, %and3A_244 : i1
        %add3A_246 = arith.constant 1 : i32
        %add3A_247 = arith.addi %scan3A_125, %add3A_246 : i32
        %select_n3A_248 = arith.select %and3A_245, %add3A_247, %scan3A_125 : i32
        %ne3A_249 = arith.cmpi ne, %add3A_131, %add3A_149 : i32
        %or3A_250 = arith.constant false
        %or3A_251 = arith.ori %or3A_250, %ne3A_249 : i1
        %or3A_252 = arith.ori %or3A_251, %eq3A_130 : i1
        %add3A_253 = arith.constant 1 : i32
        %add3A_254 = arith.addi %scan3A_123, %add3A_253 : i32
        %select_n3A_255 = arith.select %or3A_252, %add3A_254, %scan3A_123 : i32
        %add3A_256 = arith.constant 1 : i32
        %add3A_257 = arith.addi %scan3A_126, %add3A_256 : i32
        %select_n3A_258 = arith.constant true
        %select_n3A_259 = arith.select %select_n3A_258, %add3A_257, %scan3A_126 : i32
        %eq3A_260 = arith.constant 16 : i32
        %eq3A_261 = arith.cmpi eq, %select_n3A_259, %eq3A_260 : i32
        %select_n3A_262 = arith.constant 0 : i32
        %select_n3A_263 = arith.select %eq3A_261, %select_n3A_262, %select_n3A_259 : i32
        scf.yield %select_n3A_167, %select_n3A_255, %select_n3A_221, %select_n3A_248, %select_n3A_263 : i32, i32, i32, i32, i32
      }
      %scan3A_68 = arith.constant 16 : i32
      %sub3A = arith.constant 1 : i32
      %sub3A_69 = arith.subi %scan3A_67#4, %sub3A : i32
      %select_n3A_70 = arith.constant true
      %select_n3A_71 = arith.select %select_n3A_70, %sub3A_69, %scan3A_67#4 : i32
      %eq3A_72 = arith.constant -1 : i32
      %eq3A_73 = arith.cmpi eq, %select_n3A_71, %eq3A_72 : i32
      %select_n3A_74 = arith.constant 15 : i32
      %select_n3A_75 = arith.select %eq3A_73, %select_n3A_74, %select_n3A_71 : i32
      %add3A_76 = arith.addi %select_n3A_75, %mul3A_6 : i32
      %sub3A_77 = arith.constant 1 : i32
      %sub3A_78 = arith.subi %select_n3A_75, %sub3A_77 : i32
      %select_n3A_79 = arith.constant true
      %select_n3A_80 = arith.select %select_n3A_79, %sub3A_78, %select_n3A_75 : i32
      %eq3A_81 = arith.constant -1 : i32
      %eq3A_82 = arith.cmpi eq, %select_n3A_80, %eq3A_81 : i32
      %select_n3A_83 = arith.constant 15 : i32
      %select_n3A_84 = arith.select %eq3A_82, %select_n3A_83, %select_n3A_80 : i32
      %add3A_85 = arith.addi %select_n3A_84, %mul3A_6 : i32
      %add3A_86 = arith.constant 1 : i32
      %add3A_87 = arith.addi %select_n3A_75, %add3A_86 : i32
      %select_n3A_88 = arith.constant true
      %select_n3A_89 = arith.select %select_n3A_88, %add3A_87, %select_n3A_75 : i32
      %eq3A_90 = arith.constant 16 : i32
      %eq3A_91 = arith.cmpi eq, %select_n3A_89, %eq3A_90 : i32
      %select_n3A_92 = arith.constant 0 : i32
      %select_n3A_93 = arith.select %eq3A_91, %select_n3A_92, %select_n3A_89 : i32
      %add3A_94 = arith.addi %select_n3A_93, %mul3A_6 : i32
      %add3A_95 = arith.constant 1 : i32
      %add3A_96 = arith.addi %select_n3A_93, %add3A_95 : i32
      %select_n3A_97 = arith.constant true
      %select_n3A_98 = arith.select %select_n3A_97, %add3A_96, %select_n3A_93 : i32
      %eq3A_99 = arith.constant 16 : i32
      %eq3A_100 = arith.cmpi eq, %select_n3A_98, %eq3A_99 : i32
      %select_n3A_101 = arith.constant 0 : i32
      %select_n3A_102 = arith.select %eq3A_100, %select_n3A_101, %select_n3A_98 : i32
      %add3A_103 = arith.addi %select_n3A_102, %mul3A_6 : i32
      "tpu.trace_start"() <{level = 10 : i32, message = "ep_finalize"}> : () -> ()
      %rem3A_104 = arith.constant 2 : i32
      %rem3A_105 = arith.remui %scan3A_67#3, %rem3A_104 : i32
      %mul3A_106 = arith.constant 128 : i32
      %mul3A_107 = arith.muli %mul3A_106, %add3A_76 : i32
      %dma_wait3A = arith.constant 0 : i32
      %dma_wait3A_108 = arith.constant 0 : i32
      %dma_wait3A_109 = tpu.memref_slice %run_scoped3A_8[%rem3A_105, %dma_wait3A, %dma_wait3A_108] : memref<2x128x8xf32, #tpu.memory_space<vmem>> -> memref<1x128x8xf32, #tpu.memory_space<vmem>>
      %dma_wait3A_110 = tpu.memref_squeeze %dma_wait3A_109 : memref<1x128x8xf32, #tpu.memory_space<vmem>> -> memref<128x8xf32, #tpu.memory_space<vmem>>
      %dma_wait3A_111 = arith.constant 0 : i32
      %dma_wait3A_112 = tpu.memref_slice %arg4[%mul3A_107, %dma_wait3A_111] : memref<65536x8xf32, #tpu.memory_space<hbm>> -> memref<128x8xf32, #tpu.memory_space<hbm>>
      %dma_wait3A_113 = tpu.memref_slice %run_scoped3A_9[%rem3A_105] : memref<2x!tpu.dma_semaphore, #tpu.memory_space<semaphore_mem>> -> memref<1x!tpu.dma_semaphore, #tpu.memory_space<semaphore_mem>>
      %dma_wait3A_114 = tpu.memref_squeeze %dma_wait3A_113 : memref<1x!tpu.dma_semaphore, #tpu.memory_space<semaphore_mem>> -> memref<!tpu.dma_semaphore, #tpu.memory_space<semaphore_mem>>
      %dma_wait3A_115 = arith.constant 0 : i32
      %dma_wait3A_116 = tpu.memref_slice %arg4[%mul3A_107, %dma_wait3A_115] : memref<65536x8xf32, #tpu.memory_space<hbm>> -> memref<128x8xf32, #tpu.memory_space<hbm>>
      %dma_wait3A_117 = arith.constant 0 : i32
      %dma_wait3A_118 = arith.constant 0 : i32
      %dma_wait3A_119 = tpu.memref_slice %run_scoped3A_8[%rem3A_105, %dma_wait3A_117, %dma_wait3A_118] : memref<2x128x8xf32, #tpu.memory_space<vmem>> -> memref<1x128x8xf32, #tpu.memory_space<vmem>>
      %dma_wait3A_120 = tpu.memref_squeeze %dma_wait3A_119 : memref<1x128x8xf32, #tpu.memory_space<vmem>> -> memref<128x8xf32, #tpu.memory_space<vmem>>
      tpu.wait_dma2 semaphore(%dma_wait3A_114 : memref<!tpu.dma_semaphore, #tpu.memory_space<semaphore_mem>>) src(%dma_wait3A_120 : memref<128x8xf32, #tpu.memory_space<vmem>>) dst(%dma_wait3A_116 : memref<128x8xf32, #tpu.memory_space<hbm>>)
      "tpu.trace_stop"() : () -> ()
      tpu.yield
    }) : () -> ()
    return
  }
}

#map = affine_map<(d0, d1) -> (0, 0)>
module attributes {stable_mosaic.version = 14 : i64} {
  func.func @gather_kernel(%arg0: i32, %arg1: i32, %arg2: memref<4096x128xf32, #tpu.memory_space<hbm>>, %arg3: memref<1x65536xi32, #tpu.memory_space<hbm>>, %arg4: memref<65536x128xf32, #tpu.memory_space<hbm>>) attributes {dimension_semantics = [#tpu.dimension_semantics<core_parallel>, #tpu.dimension_semantics<subcore_parallel>], iteration_bounds = array<i64: 2, 16>, scalar_prefetch = 0 : i64, scratch_operands = 0 : i64, tpu.core_type = #tpu.core_type<sc_vector_subcore>, window_params = [{transform_indices = #map}, {transform_indices = #map}, {transform_indices = #map}]} {
    %mul3A = arith.constant 1 : i32
    %mul3A_0 = arith.muli %arg1, %mul3A : i32
    %add3A = arith.constant 0 : i32
    %add3A_1 = arith.addi %add3A, %mul3A_0 : i32
    %mul3A_2 = arith.constant 16 : i32
    %mul3A_3 = arith.muli %arg0, %mul3A_2 : i32
    %add3A_4 = arith.addi %add3A_1, %mul3A_3 : i32
    %mul3A_5 = arith.constant 16 : i32
    %mul3A_6 = arith.muli %add3A_4, %mul3A_5 : i32
    "tpu.region"() ({
      %run_scoped3A = memref.alloca() : memref<2x1x128xi32, #tpu.memory_space<vmem>>
      %run_scoped3A_7 = tpu.sem_alloc : memref<2x!tpu.dma_semaphore, #tpu.memory_space<semaphore_mem>>
      %run_scoped3A_8 = memref.alloca() : memref<2x128x128xf32, #tpu.memory_space<vmem>>
      %run_scoped3A_9 = tpu.sem_alloc : memref<2x!tpu.dma_semaphore, #tpu.memory_space<semaphore_mem>>
      %add3A_10 = arith.constant 0 : i32
      %add3A_11 = arith.addi %add3A_10, %mul3A_6 : i32
      %select_n3A = arith.constant true
      %select_n3A_12 = arith.constant 0 : i32
      %select_n3A_13 = arith.constant -1 : i32
      %select_n3A_14 = arith.select %select_n3A, %select_n3A_13, %select_n3A_12 : i32
      %eq3A = arith.constant -1 : i32
      %eq3A_15 = arith.cmpi eq, %select_n3A_14, %eq3A : i32
      %select_n3A_16 = arith.constant 15 : i32
      %select_n3A_17 = arith.select %eq3A_15, %select_n3A_16, %select_n3A_14 : i32
      %add3A_18 = arith.addi %select_n3A_17, %mul3A_6 : i32
      %select_n3A_19 = arith.constant true
      %select_n3A_20 = arith.constant 0 : i32
      %select_n3A_21 = arith.constant 1 : i32
      %select_n3A_22 = arith.select %select_n3A_19, %select_n3A_21, %select_n3A_20 : i32
      %eq3A_23 = arith.constant 16 : i32
      %eq3A_24 = arith.cmpi eq, %select_n3A_22, %eq3A_23 : i32
      %select_n3A_25 = arith.constant 0 : i32
      %select_n3A_26 = arith.select %eq3A_24, %select_n3A_25, %select_n3A_22 : i32
      %add3A_27 = arith.addi %select_n3A_26, %mul3A_6 : i32
      %add3A_28 = arith.constant 1 : i32
      %add3A_29 = arith.addi %select_n3A_26, %add3A_28 : i32
      %select_n3A_30 = arith.constant true
      %select_n3A_31 = arith.select %select_n3A_30, %add3A_29, %select_n3A_26 : i32
      %eq3A_32 = arith.constant 16 : i32
      %eq3A_33 = arith.cmpi eq, %select_n3A_31, %eq3A_32 : i32
      %select_n3A_34 = arith.constant 0 : i32
      %select_n3A_35 = arith.select %eq3A_33, %select_n3A_34, %select_n3A_31 : i32
      %add3A_36 = arith.addi %select_n3A_35, %mul3A_6 : i32
      "tpu.trace_start"() <{level = 10 : i32, message = "ep_initialize_0"}> : () -> ()
      %rem3A = arith.constant 0 : i32
      %rem3A_37 = arith.constant 2 : i32
      %rem3A_38 = arith.remui %rem3A, %rem3A_37 : i32
      %mul3A_39 = arith.constant 128 : i32
      %mul3A_40 = arith.muli %mul3A_39, %add3A_11 : i32
      %dma_start3A = arith.constant 0 : i32
      %dma_start3A_41 = arith.constant 0 : i32
      %dma_start3A_42 = tpu.memref_slice %run_scoped3A[%rem3A_38, %dma_start3A, %dma_start3A_41] : memref<2x1x128xi32, #tpu.memory_space<vmem>> -> memref<1x1x128xi32, #tpu.memory_space<vmem>>
      %dma_start3A_43 = tpu.memref_squeeze %dma_start3A_42 : memref<1x1x128xi32, #tpu.memory_space<vmem>> -> memref<1x128xi32, #tpu.memory_space<vmem>>
      %dma_start3A_44 = arith.constant 0 : i32
      %dma_start3A_45 = tpu.memref_slice %arg3[%dma_start3A_44, %mul3A_40] : memref<1x65536xi32, #tpu.memory_space<hbm>> -> memref<1x128xi32, #tpu.memory_space<hbm>>
      %dma_start3A_46 = tpu.memref_slice %run_scoped3A_7[%rem3A_38] : memref<2x!tpu.dma_semaphore, #tpu.memory_space<semaphore_mem>> -> memref<1x!tpu.dma_semaphore, #tpu.memory_space<semaphore_mem>>
      %dma_start3A_47 = tpu.memref_squeeze %dma_start3A_46 : memref<1x!tpu.dma_semaphore, #tpu.memory_space<semaphore_mem>> -> memref<!tpu.dma_semaphore, #tpu.memory_space<semaphore_mem>>
      %dma_start3A_48 = arith.constant 0 : i32
      %dma_start3A_49 = arith.constant 0 : i32
      %dma_start3A_50 = tpu.memref_slice %run_scoped3A[%rem3A_38, %dma_start3A_48, %dma_start3A_49] : memref<2x1x128xi32, #tpu.memory_space<vmem>> -> memref<1x1x128xi32, #tpu.memory_space<vmem>>
      %dma_start3A_51 = tpu.memref_squeeze %dma_start3A_50 : memref<1x1x128xi32, #tpu.memory_space<vmem>> -> memref<1x128xi32, #tpu.memory_space<vmem>>
      %dma_start3A_52 = arith.constant 0 : i32
      %dma_start3A_53 = tpu.memref_slice %arg3[%dma_start3A_52, %mul3A_40] : memref<1x65536xi32, #tpu.memory_space<hbm>> -> memref<1x128xi32, #tpu.memory_space<hbm>>
      tpu.enqueue_dma source(%dma_start3A_53 : memref<1x128xi32, #tpu.memory_space<hbm>>) target(%dma_start3A_51 : memref<1x128xi32, #tpu.memory_space<vmem>>) target_semaphore(%dma_start3A_47 : memref<!tpu.dma_semaphore, #tpu.memory_space<semaphore_mem>>)
      %add3A_54 = arith.constant 0 : i32
      %add3A_55 = arith.constant 1 : i32
      %add3A_56 = arith.addi %add3A_54, %add3A_55 : i32
      %select_n3A_57 = arith.constant true
      %select_n3A_58 = arith.constant 0 : i32
      %select_n3A_59 = arith.select %select_n3A_57, %add3A_56, %select_n3A_58 : i32
      "tpu.trace_stop"() : () -> ()
      %scan3A = arith.constant 0 : i32
      %scan3A_60 = arith.constant 0 : i32
      %scan3A_61 = arith.constant 0 : i32
      %scan3A_62 = arith.constant 0 : i32
      %scan3A_63 = arith.constant 0 : i32
      %scan3A_64 = arith.constant 16 : i32
      %scan3A_65 = arith.addi %scan3A_63, %scan3A_64 : i32
      %scan3A_66 = arith.constant 1 : i32
      %scan3A_67:5 = scf.for %scan3A_121 = %scan3A_63 to %scan3A_65 step %scan3A_66 iter_args(%scan3A_122 = %select_n3A_59, %scan3A_123 = %scan3A, %scan3A_124 = %scan3A_60, %scan3A_125 = %scan3A_61, %scan3A_126 = %scan3A_62) -> (i32, i32, i32, i32, i32)  : i32 {
        %eq3A_127 = arith.constant 0 : i32
        %eq3A_128 = arith.cmpi eq, %scan3A_121, %eq3A_127 : i32
        %eq3A_129 = arith.constant 15 : i32
        %eq3A_130 = arith.cmpi eq, %scan3A_121, %eq3A_129 : i32
        %add3A_131 = arith.addi %scan3A_126, %mul3A_6 : i32
        %sub3A_132 = arith.constant 1 : i32
        %sub3A_133 = arith.subi %scan3A_126, %sub3A_132 : i32
        %select_n3A_134 = arith.constant true
        %select_n3A_135 = arith.select %select_n3A_134, %sub3A_133, %scan3A_126 : i32
        %eq3A_136 = arith.constant -1 : i32
        %eq3A_137 = arith.cmpi eq, %select_n3A_135, %eq3A_136 : i32
        %select_n3A_138 = arith.constant 15 : i32
        %select_n3A_139 = arith.select %eq3A_137, %select_n3A_138, %select_n3A_135 : i32
        %add3A_140 = arith.addi %select_n3A_139, %mul3A_6 : i32
        %add3A_141 = arith.constant 1 : i32
        %add3A_142 = arith.addi %scan3A_126, %add3A_141 : i32
        %select_n3A_143 = arith.constant true
        %select_n3A_144 = arith.select %select_n3A_143, %add3A_142, %scan3A_126 : i32
        %eq3A_145 = arith.constant 16 : i32
        %eq3A_146 = arith.cmpi eq, %select_n3A_144, %eq3A_145 : i32
        %select_n3A_147 = arith.constant 0 : i32
        %select_n3A_148 = arith.select %eq3A_146, %select_n3A_147, %select_n3A_144 : i32
        %add3A_149 = arith.addi %select_n3A_148, %mul3A_6 : i32
        %add3A_150 = arith.constant 1 : i32
        %add3A_151 = arith.addi %select_n3A_148, %add3A_150 : i32
        %select_n3A_152 = arith.constant true
        %select_n3A_153 = arith.select %select_n3A_152, %add3A_151, %select_n3A_148 : i32
        %eq3A_154 = arith.constant 16 : i32
        %eq3A_155 = arith.cmpi eq, %select_n3A_153, %eq3A_154 : i32
        %select_n3A_156 = arith.constant 0 : i32
        %select_n3A_157 = arith.select %eq3A_155, %select_n3A_156, %select_n3A_153 : i32
        %add3A_158 = arith.addi %select_n3A_157, %mul3A_6 : i32
        %ne3A = arith.cmpi ne, %add3A_131, %add3A_149 : i32
        %or3A = arith.constant false
        %or3A_159 = arith.ori %or3A, %ne3A : i1
        %ge3A = arith.constant 15 : i32
        %ge3A_160 = arith.cmpi sge, %scan3A_121, %ge3A : i32
        %not3A = arith.constant true
        %not3A_161 = arith.xori %ge3A_160, %not3A : i1
        %and3A = arith.andi %or3A_159, %not3A_161 : i1
        %convert_element_type3A = arith.extui %and3A : i1 to i32
        %cond3A = arith.constant 0 : i32
        %cond3A_162 = arith.cmpi ne, %convert_element_type3A, %cond3A : i32
        scf.if %cond3A_162 {
          "tpu.trace_start"() <{level = 10 : i32, message = "ep_copy_in"}> : () -> ()
          %rem3A_264 = arith.constant 2 : i32
          %rem3A_265 = arith.remui %scan3A_122, %rem3A_264 : i32
          %mul3A_266 = arith.constant 128 : i32
          %mul3A_267 = arith.muli %mul3A_266, %add3A_149 : i32
          %dma_start3A_268 = arith.constant 0 : i32
          %dma_start3A_269 = arith.constant 0 : i32
          %dma_start3A_270 = tpu.memref_slice %run_scoped3A[%rem3A_265, %dma_start3A_268, %dma_start3A_269] : memref<2x1x128xi32, #tpu.memory_space<vmem>> -> memref<1x1x128xi32, #tpu.memory_space<vmem>>
          %dma_start3A_271 = tpu.memref_squeeze %dma_start3A_270 : memref<1x1x128xi32, #tpu.memory_space<vmem>> -> memref<1x128xi32, #tpu.memory_space<vmem>>
          %dma_start3A_272 = arith.constant 0 : i32
          %dma_start3A_273 = tpu.memref_slice %arg3[%dma_start3A_272, %mul3A_267] : memref<1x65536xi32, #tpu.memory_space<hbm>> -> memref<1x128xi32, #tpu.memory_space<hbm>>
          %dma_start3A_274 = tpu.memref_slice %run_scoped3A_7[%rem3A_265] : memref<2x!tpu.dma_semaphore, #tpu.memory_space<semaphore_mem>> -> memref<1x!tpu.dma_semaphore, #tpu.memory_space<semaphore_mem>>
          %dma_start3A_275 = tpu.memref_squeeze %dma_start3A_274 : memref<1x!tpu.dma_semaphore, #tpu.memory_space<semaphore_mem>> -> memref<!tpu.dma_semaphore, #tpu.memory_space<semaphore_mem>>
          %dma_start3A_276 = arith.constant 0 : i32
          %dma_start3A_277 = arith.constant 0 : i32
          %dma_start3A_278 = tpu.memref_slice %run_scoped3A[%rem3A_265, %dma_start3A_276, %dma_start3A_277] : memref<2x1x128xi32, #tpu.memory_space<vmem>> -> memref<1x1x128xi32, #tpu.memory_space<vmem>>
          %dma_start3A_279 = tpu.memref_squeeze %dma_start3A_278 : memref<1x1x128xi32, #tpu.memory_space<vmem>> -> memref<1x128xi32, #tpu.memory_space<vmem>>
          %dma_start3A_280 = arith.constant 0 : i32
          %dma_start3A_281 = tpu.memref_slice %arg3[%dma_start3A_280, %mul3A_267] : memref<1x65536xi32, #tpu.memory_space<hbm>> -> memref<1x128xi32, #tpu.memory_space<hbm>>
          tpu.enqueue_dma source(%dma_start3A_281 : memref<1x128xi32, #tpu.memory_space<hbm>>) target(%dma_start3A_279 : memref<1x128xi32, #tpu.memory_space<vmem>>) target_semaphore(%dma_start3A_275 : memref<!tpu.dma_semaphore, #tpu.memory_space<semaphore_mem>>)
          "tpu.trace_stop"() : () -> ()
        } else {
        }
        %and3A_163 = arith.constant true
        %and3A_164 = arith.andi %and3A, %and3A_163 : i1
        %add3A_165 = arith.constant 1 : i32
        %add3A_166 = arith.addi %scan3A_122, %add3A_165 : i32
        %select_n3A_167 = arith.select %and3A_164, %add3A_166, %scan3A_122 : i32
        %ne3A_168 = arith.cmpi ne, %add3A_131, %add3A_149 : i32
        %or3A_169 = arith.constant false
        %or3A_170 = arith.ori %or3A_169, %ne3A_168 : i1
        %or3A_171 = arith.constant false
        %or3A_172 = arith.ori %or3A_170, %or3A_171 : i1
        %ge3A_173 = arith.constant 15 : i32
        %ge3A_174 = arith.cmpi sge, %scan3A_121, %ge3A_173 : i32
        %not3A_175 = arith.constant true
        %not3A_176 = arith.xori %ge3A_174, %not3A_175 : i1
        %and3A_177 = arith.andi %or3A_172, %not3A_176 : i1
        %ne3A_178 = arith.cmpi ne, %add3A_131, %add3A_140 : i32
        %or3A_179 = arith.constant false
        %or3A_180 = arith.ori %or3A_179, %ne3A_178 : i1
        %or3A_181 = arith.ori %or3A_180, %eq3A_128 : i1
        %convert_element_type3A_182 = arith.extui %or3A_181 : i1 to i32
        %cond3A_183 = arith.constant 0 : i32
        %cond3A_184 = arith.cmpi ne, %convert_element_type3A_182, %cond3A_183 : i32
        scf.if %cond3A_184 {
          "tpu.trace_start"() <{level = 10 : i32, message = "ep_wait_in"}> : () -> ()
          %mul3A_264 = arith.constant 128 : i32
          %mul3A_265 = arith.muli %mul3A_264, %add3A_131 : i32
          %rem3A_266 = arith.constant 2 : i32
          %rem3A_267 = arith.remui %scan3A_123, %rem3A_266 : i32
          %dma_wait3A_268 = arith.constant 0 : i32
          %dma_wait3A_269 = arith.constant 0 : i32
          %dma_wait3A_270 = tpu.memref_slice %run_scoped3A[%rem3A_267, %dma_wait3A_268, %dma_wait3A_269] : memref<2x1x128xi32, #tpu.memory_space<vmem>> -> memref<1x1x128xi32, #tpu.memory_space<vmem>>
          %dma_wait3A_271 = tpu.memref_squeeze %dma_wait3A_270 : memref<1x1x128xi32, #tpu.memory_space<vmem>> -> memref<1x128xi32, #tpu.memory_space<vmem>>
          %dma_wait3A_272 = arith.constant 0 : i32
          %dma_wait3A_273 = tpu.memref_slice %arg3[%dma_wait3A_272, %mul3A_265] : memref<1x65536xi32, #tpu.memory_space<hbm>> -> memref<1x128xi32, #tpu.memory_space<hbm>>
          %dma_wait3A_274 = tpu.memref_slice %run_scoped3A_7[%rem3A_267] : memref<2x!tpu.dma_semaphore, #tpu.memory_space<semaphore_mem>> -> memref<1x!tpu.dma_semaphore, #tpu.memory_space<semaphore_mem>>
          %dma_wait3A_275 = tpu.memref_squeeze %dma_wait3A_274 : memref<1x!tpu.dma_semaphore, #tpu.memory_space<semaphore_mem>> -> memref<!tpu.dma_semaphore, #tpu.memory_space<semaphore_mem>>
          %dma_wait3A_276 = arith.constant 0 : i32
          %dma_wait3A_277 = arith.constant 0 : i32
          %dma_wait3A_278 = tpu.memref_slice %run_scoped3A[%rem3A_267, %dma_wait3A_276, %dma_wait3A_277] : memref<2x1x128xi32, #tpu.memory_space<vmem>> -> memref<1x1x128xi32, #tpu.memory_space<vmem>>
          %dma_wait3A_279 = tpu.memref_squeeze %dma_wait3A_278 : memref<1x1x128xi32, #tpu.memory_space<vmem>> -> memref<1x128xi32, #tpu.memory_space<vmem>>
          %dma_wait3A_280 = arith.constant 0 : i32
          %dma_wait3A_281 = tpu.memref_slice %arg3[%dma_wait3A_280, %mul3A_265] : memref<1x65536xi32, #tpu.memory_space<hbm>> -> memref<1x128xi32, #tpu.memory_space<hbm>>
          tpu.wait_dma2 semaphore(%dma_wait3A_275 : memref<!tpu.dma_semaphore, #tpu.memory_space<semaphore_mem>>) src(%dma_wait3A_281 : memref<1x128xi32, #tpu.memory_space<hbm>>) dst(%dma_wait3A_279 : memref<1x128xi32, #tpu.memory_space<vmem>>)
          "tpu.trace_stop"() : () -> ()
        } else {
        }
        %ne3A_185 = arith.cmpi ne, %add3A_131, %add3A_140 : i32
        %or3A_186 = arith.constant false
        %or3A_187 = arith.ori %or3A_186, %ne3A_185 : i1
        %or3A_188 = arith.constant false
        %or3A_189 = arith.ori %or3A_187, %or3A_188 : i1
        %or3A_190 = arith.ori %or3A_189, %eq3A_128 : i1
        %convert_element_type3A_191 = arith.extui %or3A_190 : i1 to i32
        %cond3A_192 = arith.constant 0 : i32
        %cond3A_193 = arith.cmpi ne, %convert_element_type3A_191, %cond3A_192 : i32
        scf.if %cond3A_193 {
        } else {
        }
        %rem3A_194 = arith.constant 2 : i32
        %rem3A_195 = arith.remui %scan3A_123, %rem3A_194 : i32
        %rem3A_196 = arith.constant 2 : i32
        %rem3A_197 = arith.remui %scan3A_124, %rem3A_196 : i32
        %run_scoped3A_198 = arith.constant 0 : i32
        "tpu.trace_start"() <{level = 10 : i32, message = "ep_run_kernel"}> : () -> ()
        "tpu.region"() ({
          %run_scoped3A_264 = tpu.sem_alloc : memref<!tpu.dma_semaphore, #tpu.memory_space<semaphore_mem>>
          %dma_start3A_265 = arith.constant 0 : i32
          %dma_start3A_266 = arith.constant 0 : i32
          %dma_start3A_267 = tpu.memref_slice %run_scoped3A_8[%rem3A_197, %dma_start3A_265, %dma_start3A_266] : memref<2x128x128xf32, #tpu.memory_space<vmem>> -> memref<1x128x128xf32, #tpu.memory_space<vmem>>
          %dma_start3A_268 = tpu.memref_squeeze %dma_start3A_267 : memref<1x128x128xf32, #tpu.memory_space<vmem>> -> memref<128x128xf32, #tpu.memory_space<vmem>>
          %dma_start3A_269 = arith.constant 0 : i32
          %dma_start3A_270 = arith.constant 0 : i32
          %dma_start3A_271 = tpu.memref_slice %run_scoped3A[%rem3A_195, %dma_start3A_269, %dma_start3A_270] : memref<2x1x128xi32, #tpu.memory_space<vmem>> -> memref<1x1x128xi32, #tpu.memory_space<vmem>>
          %dma_start3A_272 = tpu.memref_squeeze %dma_start3A_271 : memref<1x1x128xi32, #tpu.memory_space<vmem>> -> memref<1x128xi32, #tpu.memory_space<vmem>>
          %dma_start3A_273 = arith.constant 0 : i32
          %dma_start3A_274 = tpu.memref_slice %dma_start3A_272[%run_scoped3A_198, %dma_start3A_273] : memref<1x128xi32, #tpu.memory_space<vmem>> -> memref<1x128xi32, #tpu.memory_space<vmem>>
          %dma_start3A_275 = tpu.memref_squeeze %dma_start3A_274 : memref<1x128xi32, #tpu.memory_space<vmem>> -> memref<128xi32, #tpu.memory_space<vmem>>
          %dma_start3A_276 = arith.constant 0 : i32
          %dma_start3A_277 = arith.constant 0 : i32
          %dma_start3A_278 = tpu.memref_slice %arg2[%dma_start3A_276, %dma_start3A_277] : memref<4096x128xf32, #tpu.memory_space<hbm>> -> memref<4096x128xf32, #tpu.memory_space<hbm>>
          tpu.enqueue_indirect_dma source(%dma_start3A_278 : memref<4096x128xf32, #tpu.memory_space<hbm>>) target(%dma_start3A_268 : memref<128x128xf32, #tpu.memory_space<vmem>>) offsets(%dma_start3A_275 : memref<128xi32, #tpu.memory_space<vmem>>) semaphore(%run_scoped3A_264 : memref<!tpu.dma_semaphore, #tpu.memory_space<semaphore_mem>>)
          %dma_wait3A_279 = arith.constant 0 : i32
          %dma_wait3A_280 = arith.constant 0 : i32
          %dma_wait3A_281 = tpu.memref_slice %run_scoped3A_8[%rem3A_197, %dma_wait3A_279, %dma_wait3A_280] : memref<2x128x128xf32, #tpu.memory_space<vmem>> -> memref<1x128x128xf32, #tpu.memory_space<vmem>>
          %dma_wait3A_282 = tpu.memref_squeeze %dma_wait3A_281 : memref<1x128x128xf32, #tpu.memory_space<vmem>> -> memref<128x128xf32, #tpu.memory_space<vmem>>
          %dma_wait3A_283 = arith.constant 0 : i32
          %dma_wait3A_284 = arith.constant 0 : i32
          %dma_wait3A_285 = tpu.memref_slice %run_scoped3A[%rem3A_195, %dma_wait3A_283, %dma_wait3A_284] : memref<2x1x128xi32, #tpu.memory_space<vmem>> -> memref<1x1x128xi32, #tpu.memory_space<vmem>>
          %dma_wait3A_286 = tpu.memref_squeeze %dma_wait3A_285 : memref<1x1x128xi32, #tpu.memory_space<vmem>> -> memref<1x128xi32, #tpu.memory_space<vmem>>
          %dma_wait3A_287 = arith.constant 0 : i32
          %dma_wait3A_288 = tpu.memref_slice %dma_wait3A_286[%run_scoped3A_198, %dma_wait3A_287] : memref<1x128xi32, #tpu.memory_space<vmem>> -> memref<1x128xi32, #tpu.memory_space<vmem>>
          %dma_wait3A_289 = tpu.memref_squeeze %dma_wait3A_288 : memref<1x128xi32, #tpu.memory_space<vmem>> -> memref<128xi32, #tpu.memory_space<vmem>>
          %dma_wait3A_290 = arith.constant 0 : i32
          %dma_wait3A_291 = arith.constant 0 : i32
          %dma_wait3A_292 = tpu.memref_slice %arg2[%dma_wait3A_290, %dma_wait3A_291] : memref<4096x128xf32, #tpu.memory_space<hbm>> -> memref<4096x128xf32, #tpu.memory_space<hbm>>
          tpu.wait_indirect_dma semaphore(%run_scoped3A_264 : memref<!tpu.dma_semaphore, #tpu.memory_space<semaphore_mem>>) src(%dma_wait3A_292 : memref<4096x128xf32, #tpu.memory_space<hbm>>) dst(%dma_wait3A_282 : memref<128x128xf32, #tpu.memory_space<vmem>>)
          tpu.yield
        }) : () -> ()
        "tpu.trace_stop"() : () -> ()
        %ne3A_199 = arith.cmpi ne, %add3A_131, %add3A_149 : i32
        %or3A_200 = arith.constant false
        %or3A_201 = arith.ori %or3A_200, %ne3A_199 : i1
        %or3A_202 = arith.ori %or3A_201, %eq3A_130 : i1
        %convert_element_type3A_203 = arith.extui %or3A_202 : i1 to i32
        %cond3A_204 = arith.constant 0 : i32
        %cond3A_205 = arith.cmpi ne, %convert_element_type3A_203, %cond3A_204 : i32
        scf.if %cond3A_205 {
        } else {
        }
        %and3A_206 = arith.constant false
        %and3A_207 = arith.andi %or3A_202, %and3A_206 : i1
        %ne3A_208 = arith.cmpi ne, %add3A_131, %add3A_149 : i32
        %or3A_209 = arith.constant false
        %or3A_210 = arith.ori %or3A_209, %ne3A_208 : i1
        %or3A_211 = arith.constant false
        %or3A_212 = arith.ori %or3A_210, %or3A_211 : i1
        %or3A_213 = arith.ori %or3A_212, %eq3A_130 : i1
        %convert_element_type3A_214 = arith.extui %or3A_213 : i1 to i32
        %cond3A_215 = arith.constant 0 : i32
        %cond3A_216 = arith.cmpi ne, %convert_element_type3A_214, %cond3A_215 : i32
        scf.if %cond3A_216 {
          "tpu.trace_start"() <{level = 10 : i32, message = "ep_copy_out"}> : () -> ()
          %rem3A_264 = arith.constant 2 : i32
          %rem3A_265 = arith.remui %scan3A_124, %rem3A_264 : i32
          %mul3A_266 = arith.constant 128 : i32
          %mul3A_267 = arith.muli %mul3A_266, %add3A_131 : i32
          %dma_start3A_268 = arith.constant 0 : i32
          %dma_start3A_269 = arith.constant 0 : i32
          %dma_start3A_270 = tpu.memref_slice %run_scoped3A_8[%rem3A_265, %dma_start3A_268, %dma_start3A_269] : memref<2x128x128xf32, #tpu.memory_space<vmem>> -> memref<1x128x128xf32, #tpu.memory_space<vmem>>
          %dma_start3A_271 = tpu.memref_squeeze %dma_start3A_270 : memref<1x128x128xf32, #tpu.memory_space<vmem>> -> memref<128x128xf32, #tpu.memory_space<vmem>>
          %dma_start3A_272 = arith.constant 0 : i32
          %dma_start3A_273 = tpu.memref_slice %arg4[%mul3A_267, %dma_start3A_272] : memref<65536x128xf32, #tpu.memory_space<hbm>> -> memref<128x128xf32, #tpu.memory_space<hbm>>
          %dma_start3A_274 = tpu.memref_slice %run_scoped3A_9[%rem3A_265] : memref<2x!tpu.dma_semaphore, #tpu.memory_space<semaphore_mem>> -> memref<1x!tpu.dma_semaphore, #tpu.memory_space<semaphore_mem>>
          %dma_start3A_275 = tpu.memref_squeeze %dma_start3A_274 : memref<1x!tpu.dma_semaphore, #tpu.memory_space<semaphore_mem>> -> memref<!tpu.dma_semaphore, #tpu.memory_space<semaphore_mem>>
          %dma_start3A_276 = arith.constant 0 : i32
          %dma_start3A_277 = tpu.memref_slice %arg4[%mul3A_267, %dma_start3A_276] : memref<65536x128xf32, #tpu.memory_space<hbm>> -> memref<128x128xf32, #tpu.memory_space<hbm>>
          %dma_start3A_278 = arith.constant 0 : i32
          %dma_start3A_279 = arith.constant 0 : i32
          %dma_start3A_280 = tpu.memref_slice %run_scoped3A_8[%rem3A_265, %dma_start3A_278, %dma_start3A_279] : memref<2x128x128xf32, #tpu.memory_space<vmem>> -> memref<1x128x128xf32, #tpu.memory_space<vmem>>
          %dma_start3A_281 = tpu.memref_squeeze %dma_start3A_280 : memref<1x128x128xf32, #tpu.memory_space<vmem>> -> memref<128x128xf32, #tpu.memory_space<vmem>>
          tpu.enqueue_dma source(%dma_start3A_281 : memref<128x128xf32, #tpu.memory_space<vmem>>) target(%dma_start3A_277 : memref<128x128xf32, #tpu.memory_space<hbm>>) target_semaphore(%dma_start3A_275 : memref<!tpu.dma_semaphore, #tpu.memory_space<semaphore_mem>>)
          "tpu.trace_stop"() : () -> ()
        } else {
        }
        %and3A_217 = arith.constant true
        %and3A_218 = arith.andi %or3A_213, %and3A_217 : i1
        %add3A_219 = arith.constant 1 : i32
        %add3A_220 = arith.addi %scan3A_124, %add3A_219 : i32
        %select_n3A_221 = arith.select %and3A_218, %add3A_220, %scan3A_124 : i32
        %ne3A_222 = arith.cmpi ne, %add3A_131, %add3A_140 : i32
        %or3A_223 = arith.constant false
        %or3A_224 = arith.ori %or3A_223, %ne3A_222 : i1
        %not3A_225 = arith.constant true
        %not3A_226 = arith.xori %eq3A_128, %not3A_225 : i1
        %and3A_227 = arith.andi %or3A_224, %not3A_226 : i1
        %convert_element_type3A_228 = arith.extui %and3A_227 : i1 to i32
        %cond3A_229 = arith.constant 0 : i32
        %cond3A_230 = arith.cmpi ne, %convert_element_type3A_228, %cond3A_229 : i32
        scf.if %cond3A_230 {
        } else {
        }
        %and3A_231 = arith.constant false
        %and3A_232 = arith.andi %and3A_227, %and3A_231 : i1
        %ne3A_233 = arith.cmpi ne, %add3A_131, %add3A_140 : i32
        %or3A_234 = arith.constant false
        %or3A_235 = arith.ori %or3A_234, %ne3A_233 : i1
        %or3A_236 = arith.constant false
        %or3A_237 = arith.ori %or3A_235, %or3A_236 : i1
        %not3A_238 = arith.constant true
        %not3A_239 = arith.xori %eq3A_128, %not3A_238 : i1
        %and3A_240 = arith.andi %or3A_237, %not3A_239 : i1
        %convert_element_type3A_241 = arith.extui %and3A_240 : i1 to i32
        %cond3A_242 = arith.constant 0 : i32
        %cond3A_243 = arith.cmpi ne, %convert_element_type3A_241, %cond3A_242 : i32
        scf.if %cond3A_243 {
          "tpu.trace_start"() <{level = 10 : i32, message = "ep_wait_out"}> : () -> ()
          %rem3A_264 = arith.constant 2 : i32
          %rem3A_265 = arith.remui %scan3A_125, %rem3A_264 : i32
          %mul3A_266 = arith.constant 128 : i32
          %mul3A_267 = arith.muli %mul3A_266, %add3A_140 : i32
          %dma_wait3A_268 = arith.constant 0 : i32
          %dma_wait3A_269 = arith.constant 0 : i32
          %dma_wait3A_270 = tpu.memref_slice %run_scoped3A_8[%rem3A_265, %dma_wait3A_268, %dma_wait3A_269] : memref<2x128x128xf32, #tpu.memory_space<vmem>> -> memref<1x128x128xf32, #tpu.memory_space<vmem>>
          %dma_wait3A_271 = tpu.memref_squeeze %dma_wait3A_270 : memref<1x128x128xf32, #tpu.memory_space<vmem>> -> memref<128x128xf32, #tpu.memory_space<vmem>>
          %dma_wait3A_272 = arith.constant 0 : i32
          %dma_wait3A_273 = tpu.memref_slice %arg4[%mul3A_267, %dma_wait3A_272] : memref<65536x128xf32, #tpu.memory_space<hbm>> -> memref<128x128xf32, #tpu.memory_space<hbm>>
          %dma_wait3A_274 = tpu.memref_slice %run_scoped3A_9[%rem3A_265] : memref<2x!tpu.dma_semaphore, #tpu.memory_space<semaphore_mem>> -> memref<1x!tpu.dma_semaphore, #tpu.memory_space<semaphore_mem>>
          %dma_wait3A_275 = tpu.memref_squeeze %dma_wait3A_274 : memref<1x!tpu.dma_semaphore, #tpu.memory_space<semaphore_mem>> -> memref<!tpu.dma_semaphore, #tpu.memory_space<semaphore_mem>>
          %dma_wait3A_276 = arith.constant 0 : i32
          %dma_wait3A_277 = tpu.memref_slice %arg4[%mul3A_267, %dma_wait3A_276] : memref<65536x128xf32, #tpu.memory_space<hbm>> -> memref<128x128xf32, #tpu.memory_space<hbm>>
          %dma_wait3A_278 = arith.constant 0 : i32
          %dma_wait3A_279 = arith.constant 0 : i32
          %dma_wait3A_280 = tpu.memref_slice %run_scoped3A_8[%rem3A_265, %dma_wait3A_278, %dma_wait3A_279] : memref<2x128x128xf32, #tpu.memory_space<vmem>> -> memref<1x128x128xf32, #tpu.memory_space<vmem>>
          %dma_wait3A_281 = tpu.memref_squeeze %dma_wait3A_280 : memref<1x128x128xf32, #tpu.memory_space<vmem>> -> memref<128x128xf32, #tpu.memory_space<vmem>>
          tpu.wait_dma2 semaphore(%dma_wait3A_275 : memref<!tpu.dma_semaphore, #tpu.memory_space<semaphore_mem>>) src(%dma_wait3A_281 : memref<128x128xf32, #tpu.memory_space<vmem>>) dst(%dma_wait3A_277 : memref<128x128xf32, #tpu.memory_space<hbm>>)
          "tpu.trace_stop"() : () -> ()
        } else {
        }
        %and3A_244 = arith.constant true
        %and3A_245 = arith.andi %and3A_240, %and3A_244 : i1
        %add3A_246 = arith.constant 1 : i32
        %add3A_247 = arith.addi %scan3A_125, %add3A_246 : i32
        %select_n3A_248 = arith.select %and3A_245, %add3A_247, %scan3A_125 : i32
        %ne3A_249 = arith.cmpi ne, %add3A_131, %add3A_149 : i32
        %or3A_250 = arith.constant false
        %or3A_251 = arith.ori %or3A_250, %ne3A_249 : i1
        %or3A_252 = arith.ori %or3A_251, %eq3A_130 : i1
        %add3A_253 = arith.constant 1 : i32
        %add3A_254 = arith.addi %scan3A_123, %add3A_253 : i32
        %select_n3A_255 = arith.select %or3A_252, %add3A_254, %scan3A_123 : i32
        %add3A_256 = arith.constant 1 : i32
        %add3A_257 = arith.addi %scan3A_126, %add3A_256 : i32
        %select_n3A_258 = arith.constant true
        %select_n3A_259 = arith.select %select_n3A_258, %add3A_257, %scan3A_126 : i32
        %eq3A_260 = arith.constant 16 : i32
        %eq3A_261 = arith.cmpi eq, %select_n3A_259, %eq3A_260 : i32
        %select_n3A_262 = arith.constant 0 : i32
        %select_n3A_263 = arith.select %eq3A_261, %select_n3A_262, %select_n3A_259 : i32
        scf.yield %select_n3A_167, %select_n3A_255, %select_n3A_221, %select_n3A_248, %select_n3A_263 : i32, i32, i32, i32, i32
      }
      %scan3A_68 = arith.constant 16 : i32
      %sub3A = arith.constant 1 : i32
      %sub3A_69 = arith.subi %scan3A_67#4, %sub3A : i32
      %select_n3A_70 = arith.constant true
      %select_n3A_71 = arith.select %select_n3A_70, %sub3A_69, %scan3A_67#4 : i32
      %eq3A_72 = arith.constant -1 : i32
      %eq3A_73 = arith.cmpi eq, %select_n3A_71, %eq3A_72 : i32
      %select_n3A_74 = arith.constant 15 : i32
      %select_n3A_75 = arith.select %eq3A_73, %select_n3A_74, %select_n3A_71 : i32
      %add3A_76 = arith.addi %select_n3A_75, %mul3A_6 : i32
      %sub3A_77 = arith.constant 1 : i32
      %sub3A_78 = arith.subi %select_n3A_75, %sub3A_77 : i32
      %select_n3A_79 = arith.constant true
      %select_n3A_80 = arith.select %select_n3A_79, %sub3A_78, %select_n3A_75 : i32
      %eq3A_81 = arith.constant -1 : i32
      %eq3A_82 = arith.cmpi eq, %select_n3A_80, %eq3A_81 : i32
      %select_n3A_83 = arith.constant 15 : i32
      %select_n3A_84 = arith.select %eq3A_82, %select_n3A_83, %select_n3A_80 : i32
      %add3A_85 = arith.addi %select_n3A_84, %mul3A_6 : i32
      %add3A_86 = arith.constant 1 : i32
      %add3A_87 = arith.addi %select_n3A_75, %add3A_86 : i32
      %select_n3A_88 = arith.constant true
      %select_n3A_89 = arith.select %select_n3A_88, %add3A_87, %select_n3A_75 : i32
      %eq3A_90 = arith.constant 16 : i32
      %eq3A_91 = arith.cmpi eq, %select_n3A_89, %eq3A_90 : i32
      %select_n3A_92 = arith.constant 0 : i32
      %select_n3A_93 = arith.select %eq3A_91, %select_n3A_92, %select_n3A_89 : i32
      %add3A_94 = arith.addi %select_n3A_93, %mul3A_6 : i32
      %add3A_95 = arith.constant 1 : i32
      %add3A_96 = arith.addi %select_n3A_93, %add3A_95 : i32
      %select_n3A_97 = arith.constant true
      %select_n3A_98 = arith.select %select_n3A_97, %add3A_96, %select_n3A_93 : i32
      %eq3A_99 = arith.constant 16 : i32
      %eq3A_100 = arith.cmpi eq, %select_n3A_98, %eq3A_99 : i32
      %select_n3A_101 = arith.constant 0 : i32
      %select_n3A_102 = arith.select %eq3A_100, %select_n3A_101, %select_n3A_98 : i32
      %add3A_103 = arith.addi %select_n3A_102, %mul3A_6 : i32
      "tpu.trace_start"() <{level = 10 : i32, message = "ep_finalize"}> : () -> ()
      %rem3A_104 = arith.constant 2 : i32
      %rem3A_105 = arith.remui %scan3A_67#3, %rem3A_104 : i32
      %mul3A_106 = arith.constant 128 : i32
      %mul3A_107 = arith.muli %mul3A_106, %add3A_76 : i32
      %dma_wait3A = arith.constant 0 : i32
      %dma_wait3A_108 = arith.constant 0 : i32
      %dma_wait3A_109 = tpu.memref_slice %run_scoped3A_8[%rem3A_105, %dma_wait3A, %dma_wait3A_108] : memref<2x128x128xf32, #tpu.memory_space<vmem>> -> memref<1x128x128xf32, #tpu.memory_space<vmem>>
      %dma_wait3A_110 = tpu.memref_squeeze %dma_wait3A_109 : memref<1x128x128xf32, #tpu.memory_space<vmem>> -> memref<128x128xf32, #tpu.memory_space<vmem>>
      %dma_wait3A_111 = arith.constant 0 : i32
      %dma_wait3A_112 = tpu.memref_slice %arg4[%mul3A_107, %dma_wait3A_111] : memref<65536x128xf32, #tpu.memory_space<hbm>> -> memref<128x128xf32, #tpu.memory_space<hbm>>
      %dma_wait3A_113 = tpu.memref_slice %run_scoped3A_9[%rem3A_105] : memref<2x!tpu.dma_semaphore, #tpu.memory_space<semaphore_mem>> -> memref<1x!tpu.dma_semaphore, #tpu.memory_space<semaphore_mem>>
      %dma_wait3A_114 = tpu.memref_squeeze %dma_wait3A_113 : memref<1x!tpu.dma_semaphore, #tpu.memory_space<semaphore_mem>> -> memref<!tpu.dma_semaphore, #tpu.memory_space<semaphore_mem>>
      %dma_wait3A_115 = arith.constant 0 : i32
      %dma_wait3A_116 = tpu.memref_slice %arg4[%mul3A_107, %dma_wait3A_115] : memref<65536x128xf32, #tpu.memory_space<hbm>> -> memref<128x128xf32, #tpu.memory_space<hbm>>
      %dma_wait3A_117 = arith.constant 0 : i32
      %dma_wait3A_118 = arith.constant 0 : i32
      %dma_wait3A_119 = tpu.memref_slice %run_scoped3A_8[%rem3A_105, %dma_wait3A_117, %dma_wait3A_118] : memref<2x128x128xf32, #tpu.memory_space<vmem>> -> memref<1x128x128xf32, #tpu.memory_space<vmem>>
      %dma_wait3A_120 = tpu.memref_squeeze %dma_wait3A_119 : memref<1x128x128xf32, #tpu.memory_space<vmem>> -> memref<128x128xf32, #tpu.memory_space<vmem>>
      tpu.wait_dma2 semaphore(%dma_wait3A_114 : memref<!tpu.dma_semaphore, #tpu.memory_space<semaphore_mem>>) src(%dma_wait3A_120 : memref<128x128xf32, #tpu.memory_space<vmem>>) dst(%dma_wait3A_116 : memref<128x128xf32, #tpu.memory_space<hbm>>)
      "tpu.trace_stop"() : () -> ()
      tpu.yield
    }) : () -> ()
    return
  }
}

#map = affine_map<(d0, d1) -> (0, 0)>
module attributes {stable_mosaic.version = 14 : i64} {
  func.func @gather_kernel(%arg0: i32, %arg1: i32, %arg2: memref<4096x128xf32, #tpu.memory_space<hbm>>, %arg3: memref<1x65536xi32, #tpu.memory_space<hbm>>, %arg4: memref<65536x128xf32, #tpu.memory_space<hbm>>) attributes {dimension_semantics = [#tpu.dimension_semantics<core_parallel>, #tpu.dimension_semantics<subcore_parallel>], iteration_bounds = array<i64: 2, 16>, scalar_prefetch = 0 : i64, scratch_operands = 0 : i64, tpu.core_type = #tpu.core_type<sc_vector_subcore>, window_params = [{transform_indices = #map}, {transform_indices = #map}, {transform_indices = #map}]} {
    %mul3A = arith.constant 1 : i32
    %mul3A_0 = arith.muli %arg1, %mul3A : i32
    %add3A = arith.constant 0 : i32
    %add3A_1 = arith.addi %add3A, %mul3A_0 : i32
    %mul3A_2 = arith.constant 16 : i32
    %mul3A_3 = arith.muli %arg0, %mul3A_2 : i32
    %add3A_4 = arith.addi %add3A_1, %mul3A_3 : i32
    %mul3A_5 = arith.constant 16 : i32
    %mul3A_6 = arith.muli %add3A_4, %mul3A_5 : i32
    "tpu.region"() ({
      %run_scoped3A = memref.alloca() : memref<2x1x128xi32, #tpu.memory_space<vmem>>
      %run_scoped3A_7 = tpu.sem_alloc : memref<2x!tpu.dma_semaphore, #tpu.memory_space<semaphore_mem>>
      %run_scoped3A_8 = memref.alloca() : memref<2x128x128xf32, #tpu.memory_space<vmem>>
      %run_scoped3A_9 = tpu.sem_alloc : memref<2x!tpu.dma_semaphore, #tpu.memory_space<semaphore_mem>>
      %add3A_10 = arith.constant 0 : i32
      %add3A_11 = arith.addi %add3A_10, %mul3A_6 : i32
      %select_n3A = arith.constant true
      %select_n3A_12 = arith.constant 0 : i32
      %select_n3A_13 = arith.constant -1 : i32
      %select_n3A_14 = arith.select %select_n3A, %select_n3A_13, %select_n3A_12 : i32
      %eq3A = arith.constant -1 : i32
      %eq3A_15 = arith.cmpi eq, %select_n3A_14, %eq3A : i32
      %select_n3A_16 = arith.constant 15 : i32
      %select_n3A_17 = arith.select %eq3A_15, %select_n3A_16, %select_n3A_14 : i32
      %add3A_18 = arith.addi %select_n3A_17, %mul3A_6 : i32
      %select_n3A_19 = arith.constant true
      %select_n3A_20 = arith.constant 0 : i32
      %select_n3A_21 = arith.constant 1 : i32
      %select_n3A_22 = arith.select %select_n3A_19, %select_n3A_21, %select_n3A_20 : i32
      %eq3A_23 = arith.constant 16 : i32
      %eq3A_24 = arith.cmpi eq, %select_n3A_22, %eq3A_23 : i32
      %select_n3A_25 = arith.constant 0 : i32
      %select_n3A_26 = arith.select %eq3A_24, %select_n3A_25, %select_n3A_22 : i32
      %add3A_27 = arith.addi %select_n3A_26, %mul3A_6 : i32
      %add3A_28 = arith.constant 1 : i32
      %add3A_29 = arith.addi %select_n3A_26, %add3A_28 : i32
      %select_n3A_30 = arith.constant true
      %select_n3A_31 = arith.select %select_n3A_30, %add3A_29, %select_n3A_26 : i32
      %eq3A_32 = arith.constant 16 : i32
      %eq3A_33 = arith.cmpi eq, %select_n3A_31, %eq3A_32 : i32
      %select_n3A_34 = arith.constant 0 : i32
      %select_n3A_35 = arith.select %eq3A_33, %select_n3A_34, %select_n3A_31 : i32
      %add3A_36 = arith.addi %select_n3A_35, %mul3A_6 : i32
      "tpu.trace_start"() <{level = 10 : i32, message = "ep_initialize_0"}> : () -> ()
      %rem3A = arith.constant 0 : i32
      %rem3A_37 = arith.constant 2 : i32
      %rem3A_38 = arith.remui %rem3A, %rem3A_37 : i32
      %mul3A_39 = arith.constant 128 : i32
      %mul3A_40 = arith.muli %mul3A_39, %add3A_11 : i32
      %dma_start3A = arith.constant 0 : i32
      %dma_start3A_41 = arith.constant 0 : i32
      %dma_start3A_42 = tpu.memref_slice %run_scoped3A[%rem3A_38, %dma_start3A, %dma_start3A_41] : memref<2x1x128xi32, #tpu.memory_space<vmem>> -> memref<1x1x128xi32, #tpu.memory_space<vmem>>
      %dma_start3A_43 = tpu.memref_squeeze %dma_start3A_42 : memref<1x1x128xi32, #tpu.memory_space<vmem>> -> memref<1x128xi32, #tpu.memory_space<vmem>>
      %dma_start3A_44 = arith.constant 0 : i32
      %dma_start3A_45 = tpu.memref_slice %arg3[%dma_start3A_44, %mul3A_40] : memref<1x65536xi32, #tpu.memory_space<hbm>> -> memref<1x128xi32, #tpu.memory_space<hbm>>
      %dma_start3A_46 = tpu.memref_slice %run_scoped3A_7[%rem3A_38] : memref<2x!tpu.dma_semaphore, #tpu.memory_space<semaphore_mem>> -> memref<1x!tpu.dma_semaphore, #tpu.memory_space<semaphore_mem>>
      %dma_start3A_47 = tpu.memref_squeeze %dma_start3A_46 : memref<1x!tpu.dma_semaphore, #tpu.memory_space<semaphore_mem>> -> memref<!tpu.dma_semaphore, #tpu.memory_space<semaphore_mem>>
      %dma_start3A_48 = arith.constant 0 : i32
      %dma_start3A_49 = arith.constant 0 : i32
      %dma_start3A_50 = tpu.memref_slice %run_scoped3A[%rem3A_38, %dma_start3A_48, %dma_start3A_49] : memref<2x1x128xi32, #tpu.memory_space<vmem>> -> memref<1x1x128xi32, #tpu.memory_space<vmem>>
      %dma_start3A_51 = tpu.memref_squeeze %dma_start3A_50 : memref<1x1x128xi32, #tpu.memory_space<vmem>> -> memref<1x128xi32, #tpu.memory_space<vmem>>
      %dma_start3A_52 = arith.constant 0 : i32
      %dma_start3A_53 = tpu.memref_slice %arg3[%dma_start3A_52, %mul3A_40] : memref<1x65536xi32, #tpu.memory_space<hbm>> -> memref<1x128xi32, #tpu.memory_space<hbm>>
      tpu.enqueue_dma source(%dma_start3A_53 : memref<1x128xi32, #tpu.memory_space<hbm>>) target(%dma_start3A_51 : memref<1x128xi32, #tpu.memory_space<vmem>>) target_semaphore(%dma_start3A_47 : memref<!tpu.dma_semaphore, #tpu.memory_space<semaphore_mem>>)
      %add3A_54 = arith.constant 0 : i32
      %add3A_55 = arith.constant 1 : i32
      %add3A_56 = arith.addi %add3A_54, %add3A_55 : i32
      %select_n3A_57 = arith.constant true
      %select_n3A_58 = arith.constant 0 : i32
      %select_n3A_59 = arith.select %select_n3A_57, %add3A_56, %select_n3A_58 : i32
      "tpu.trace_stop"() : () -> ()
      %scan3A = arith.constant 0 : i32
      %scan3A_60 = arith.constant 0 : i32
      %scan3A_61 = arith.constant 0 : i32
      %scan3A_62 = arith.constant 0 : i32
      %scan3A_63 = arith.constant 0 : i32
      %scan3A_64 = arith.constant 16 : i32
      %scan3A_65 = arith.addi %scan3A_63, %scan3A_64 : i32
      %scan3A_66 = arith.constant 1 : i32
      %scan3A_67:5 = scf.for %scan3A_121 = %scan3A_63 to %scan3A_65 step %scan3A_66 iter_args(%scan3A_122 = %select_n3A_59, %scan3A_123 = %scan3A, %scan3A_124 = %scan3A_60, %scan3A_125 = %scan3A_61, %scan3A_126 = %scan3A_62) -> (i32, i32, i32, i32, i32)  : i32 {
        %eq3A_127 = arith.constant 0 : i32
        %eq3A_128 = arith.cmpi eq, %scan3A_121, %eq3A_127 : i32
        %eq3A_129 = arith.constant 15 : i32
        %eq3A_130 = arith.cmpi eq, %scan3A_121, %eq3A_129 : i32
        %add3A_131 = arith.addi %scan3A_126, %mul3A_6 : i32
        %sub3A_132 = arith.constant 1 : i32
        %sub3A_133 = arith.subi %scan3A_126, %sub3A_132 : i32
        %select_n3A_134 = arith.constant true
        %select_n3A_135 = arith.select %select_n3A_134, %sub3A_133, %scan3A_126 : i32
        %eq3A_136 = arith.constant -1 : i32
        %eq3A_137 = arith.cmpi eq, %select_n3A_135, %eq3A_136 : i32
        %select_n3A_138 = arith.constant 15 : i32
        %select_n3A_139 = arith.select %eq3A_137, %select_n3A_138, %select_n3A_135 : i32
        %add3A_140 = arith.addi %select_n3A_139, %mul3A_6 : i32
        %add3A_141 = arith.constant 1 : i32
        %add3A_142 = arith.addi %scan3A_126, %add3A_141 : i32
        %select_n3A_143 = arith.constant true
        %select_n3A_144 = arith.select %select_n3A_143, %add3A_142, %scan3A_126 : i32
        %eq3A_145 = arith.constant 16 : i32
        %eq3A_146 = arith.cmpi eq, %select_n3A_144, %eq3A_145 : i32
        %select_n3A_147 = arith.constant 0 : i32
        %select_n3A_148 = arith.select %eq3A_146, %select_n3A_147, %select_n3A_144 : i32
        %add3A_149 = arith.addi %select_n3A_148, %mul3A_6 : i32
        %add3A_150 = arith.constant 1 : i32
        %add3A_151 = arith.addi %select_n3A_148, %add3A_150 : i32
        %select_n3A_152 = arith.constant true
        %select_n3A_153 = arith.select %select_n3A_152, %add3A_151, %select_n3A_148 : i32
        %eq3A_154 = arith.constant 16 : i32
        %eq3A_155 = arith.cmpi eq, %select_n3A_153, %eq3A_154 : i32
        %select_n3A_156 = arith.constant 0 : i32
        %select_n3A_157 = arith.select %eq3A_155, %select_n3A_156, %select_n3A_153 : i32
        %add3A_158 = arith.addi %select_n3A_157, %mul3A_6 : i32
        %ne3A = arith.cmpi ne, %add3A_131, %add3A_149 : i32
        %or3A = arith.constant false
        %or3A_159 = arith.ori %or3A, %ne3A : i1
        %ge3A = arith.constant 15 : i32
        %ge3A_160 = arith.cmpi sge, %scan3A_121, %ge3A : i32
        %not3A = arith.constant true
        %not3A_161 = arith.xori %ge3A_160, %not3A : i1
        %and3A = arith.andi %or3A_159, %not3A_161 : i1
        %convert_element_type3A = arith.extui %and3A : i1 to i32
        %cond3A = arith.constant 0 : i32
        %cond3A_162 = arith.cmpi ne, %convert_element_type3A, %cond3A : i32
        scf.if %cond3A_162 {
          "tpu.trace_start"() <{level = 10 : i32, message = "ep_copy_in"}> : () -> ()
          %rem3A_264 = arith.constant 2 : i32
          %rem3A_265 = arith.remui %scan3A_122, %rem3A_264 : i32
          %mul3A_266 = arith.constant 128 : i32
          %mul3A_267 = arith.muli %mul3A_266, %add3A_149 : i32
          %dma_start3A_268 = arith.constant 0 : i32
          %dma_start3A_269 = arith.constant 0 : i32
          %dma_start3A_270 = tpu.memref_slice %run_scoped3A[%rem3A_265, %dma_start3A_268, %dma_start3A_269] : memref<2x1x128xi32, #tpu.memory_space<vmem>> -> memref<1x1x128xi32, #tpu.memory_space<vmem>>
          %dma_start3A_271 = tpu.memref_squeeze %dma_start3A_270 : memref<1x1x128xi32, #tpu.memory_space<vmem>> -> memref<1x128xi32, #tpu.memory_space<vmem>>
          %dma_start3A_272 = arith.constant 0 : i32
          %dma_start3A_273 = tpu.memref_slice %arg3[%dma_start3A_272, %mul3A_267] : memref<1x65536xi32, #tpu.memory_space<hbm>> -> memref<1x128xi32, #tpu.memory_space<hbm>>
          %dma_start3A_274 = tpu.memref_slice %run_scoped3A_7[%rem3A_265] : memref<2x!tpu.dma_semaphore, #tpu.memory_space<semaphore_mem>> -> memref<1x!tpu.dma_semaphore, #tpu.memory_space<semaphore_mem>>
          %dma_start3A_275 = tpu.memref_squeeze %dma_start3A_274 : memref<1x!tpu.dma_semaphore, #tpu.memory_space<semaphore_mem>> -> memref<!tpu.dma_semaphore, #tpu.memory_space<semaphore_mem>>
          %dma_start3A_276 = arith.constant 0 : i32
          %dma_start3A_277 = arith.constant 0 : i32
          %dma_start3A_278 = tpu.memref_slice %run_scoped3A[%rem3A_265, %dma_start3A_276, %dma_start3A_277] : memref<2x1x128xi32, #tpu.memory_space<vmem>> -> memref<1x1x128xi32, #tpu.memory_space<vmem>>
          %dma_start3A_279 = tpu.memref_squeeze %dma_start3A_278 : memref<1x1x128xi32, #tpu.memory_space<vmem>> -> memref<1x128xi32, #tpu.memory_space<vmem>>
          %dma_start3A_280 = arith.constant 0 : i32
          %dma_start3A_281 = tpu.memref_slice %arg3[%dma_start3A_280, %mul3A_267] : memref<1x65536xi32, #tpu.memory_space<hbm>> -> memref<1x128xi32, #tpu.memory_space<hbm>>
          tpu.enqueue_dma source(%dma_start3A_281 : memref<1x128xi32, #tpu.memory_space<hbm>>) target(%dma_start3A_279 : memref<1x128xi32, #tpu.memory_space<vmem>>) target_semaphore(%dma_start3A_275 : memref<!tpu.dma_semaphore, #tpu.memory_space<semaphore_mem>>)
          "tpu.trace_stop"() : () -> ()
        } else {
        }
        %and3A_163 = arith.constant true
        %and3A_164 = arith.andi %and3A, %and3A_163 : i1
        %add3A_165 = arith.constant 1 : i32
        %add3A_166 = arith.addi %scan3A_122, %add3A_165 : i32
        %select_n3A_167 = arith.select %and3A_164, %add3A_166, %scan3A_122 : i32
        %ne3A_168 = arith.cmpi ne, %add3A_131, %add3A_149 : i32
        %or3A_169 = arith.constant false
        %or3A_170 = arith.ori %or3A_169, %ne3A_168 : i1
        %or3A_171 = arith.constant false
        %or3A_172 = arith.ori %or3A_170, %or3A_171 : i1
        %ge3A_173 = arith.constant 15 : i32
        %ge3A_174 = arith.cmpi sge, %scan3A_121, %ge3A_173 : i32
        %not3A_175 = arith.constant true
        %not3A_176 = arith.xori %ge3A_174, %not3A_175 : i1
        %and3A_177 = arith.andi %or3A_172, %not3A_176 : i1
        %ne3A_178 = arith.cmpi ne, %add3A_131, %add3A_140 : i32
        %or3A_179 = arith.constant false
        %or3A_180 = arith.ori %or3A_179, %ne3A_178 : i1
        %or3A_181 = arith.ori %or3A_180, %eq3A_128 : i1
        %convert_element_type3A_182 = arith.extui %or3A_181 : i1 to i32
        %cond3A_183 = arith.constant 0 : i32
        %cond3A_184 = arith.cmpi ne, %convert_element_type3A_182, %cond3A_183 : i32
        scf.if %cond3A_184 {
          "tpu.trace_start"() <{level = 10 : i32, message = "ep_wait_in"}> : () -> ()
          %mul3A_264 = arith.constant 128 : i32
          %mul3A_265 = arith.muli %mul3A_264, %add3A_131 : i32
          %rem3A_266 = arith.constant 2 : i32
          %rem3A_267 = arith.remui %scan3A_123, %rem3A_266 : i32
          %dma_wait3A_268 = arith.constant 0 : i32
          %dma_wait3A_269 = arith.constant 0 : i32
          %dma_wait3A_270 = tpu.memref_slice %run_scoped3A[%rem3A_267, %dma_wait3A_268, %dma_wait3A_269] : memref<2x1x128xi32, #tpu.memory_space<vmem>> -> memref<1x1x128xi32, #tpu.memory_space<vmem>>
          %dma_wait3A_271 = tpu.memref_squeeze %dma_wait3A_270 : memref<1x1x128xi32, #tpu.memory_space<vmem>> -> memref<1x128xi32, #tpu.memory_space<vmem>>
          %dma_wait3A_272 = arith.constant 0 : i32
          %dma_wait3A_273 = tpu.memref_slice %arg3[%dma_wait3A_272, %mul3A_265] : memref<1x65536xi32, #tpu.memory_space<hbm>> -> memref<1x128xi32, #tpu.memory_space<hbm>>
          %dma_wait3A_274 = tpu.memref_slice %run_scoped3A_7[%rem3A_267] : memref<2x!tpu.dma_semaphore, #tpu.memory_space<semaphore_mem>> -> memref<1x!tpu.dma_semaphore, #tpu.memory_space<semaphore_mem>>
          %dma_wait3A_275 = tpu.memref_squeeze %dma_wait3A_274 : memref<1x!tpu.dma_semaphore, #tpu.memory_space<semaphore_mem>> -> memref<!tpu.dma_semaphore, #tpu.memory_space<semaphore_mem>>
          %dma_wait3A_276 = arith.constant 0 : i32
          %dma_wait3A_277 = arith.constant 0 : i32
          %dma_wait3A_278 = tpu.memref_slice %run_scoped3A[%rem3A_267, %dma_wait3A_276, %dma_wait3A_277] : memref<2x1x128xi32, #tpu.memory_space<vmem>> -> memref<1x1x128xi32, #tpu.memory_space<vmem>>
          %dma_wait3A_279 = tpu.memref_squeeze %dma_wait3A_278 : memref<1x1x128xi32, #tpu.memory_space<vmem>> -> memref<1x128xi32, #tpu.memory_space<vmem>>
          %dma_wait3A_280 = arith.constant 0 : i32
          %dma_wait3A_281 = tpu.memref_slice %arg3[%dma_wait3A_280, %mul3A_265] : memref<1x65536xi32, #tpu.memory_space<hbm>> -> memref<1x128xi32, #tpu.memory_space<hbm>>
          tpu.wait_dma2 semaphore(%dma_wait3A_275 : memref<!tpu.dma_semaphore, #tpu.memory_space<semaphore_mem>>) src(%dma_wait3A_281 : memref<1x128xi32, #tpu.memory_space<hbm>>) dst(%dma_wait3A_279 : memref<1x128xi32, #tpu.memory_space<vmem>>)
          "tpu.trace_stop"() : () -> ()
        } else {
        }
        %ne3A_185 = arith.cmpi ne, %add3A_131, %add3A_140 : i32
        %or3A_186 = arith.constant false
        %or3A_187 = arith.ori %or3A_186, %ne3A_185 : i1
        %or3A_188 = arith.constant false
        %or3A_189 = arith.ori %or3A_187, %or3A_188 : i1
        %or3A_190 = arith.ori %or3A_189, %eq3A_128 : i1
        %convert_element_type3A_191 = arith.extui %or3A_190 : i1 to i32
        %cond3A_192 = arith.constant 0 : i32
        %cond3A_193 = arith.cmpi ne, %convert_element_type3A_191, %cond3A_192 : i32
        scf.if %cond3A_193 {
        } else {
        }
        %rem3A_194 = arith.constant 2 : i32
        %rem3A_195 = arith.remui %scan3A_123, %rem3A_194 : i32
        %rem3A_196 = arith.constant 2 : i32
        %rem3A_197 = arith.remui %scan3A_124, %rem3A_196 : i32
        %run_scoped3A_198 = arith.constant 0 : i32
        "tpu.trace_start"() <{level = 10 : i32, message = "ep_run_kernel"}> : () -> ()
        "tpu.region"() ({
          %run_scoped3A_264 = tpu.sem_alloc : memref<!tpu.dma_semaphore, #tpu.memory_space<semaphore_mem>>
          %dma_start3A_265 = arith.constant 0 : i32
          %dma_start3A_266 = arith.constant 0 : i32
          %dma_start3A_267 = tpu.memref_slice %run_scoped3A_8[%rem3A_197, %dma_start3A_265, %dma_start3A_266] : memref<2x128x128xf32, #tpu.memory_space<vmem>> -> memref<1x128x128xf32, #tpu.memory_space<vmem>>
          %dma_start3A_268 = tpu.memref_squeeze %dma_start3A_267 : memref<1x128x128xf32, #tpu.memory_space<vmem>> -> memref<128x128xf32, #tpu.memory_space<vmem>>
          %dma_start3A_269 = arith.constant 0 : i32
          %dma_start3A_270 = arith.constant 0 : i32
          %dma_start3A_271 = tpu.memref_slice %run_scoped3A[%rem3A_195, %dma_start3A_269, %dma_start3A_270] : memref<2x1x128xi32, #tpu.memory_space<vmem>> -> memref<1x1x128xi32, #tpu.memory_space<vmem>>
          %dma_start3A_272 = tpu.memref_squeeze %dma_start3A_271 : memref<1x1x128xi32, #tpu.memory_space<vmem>> -> memref<1x128xi32, #tpu.memory_space<vmem>>
          %dma_start3A_273 = arith.constant 0 : i32
          %dma_start3A_274 = tpu.memref_slice %dma_start3A_272[%run_scoped3A_198, %dma_start3A_273] : memref<1x128xi32, #tpu.memory_space<vmem>> -> memref<1x128xi32, #tpu.memory_space<vmem>>
          %dma_start3A_275 = tpu.memref_squeeze %dma_start3A_274 : memref<1x128xi32, #tpu.memory_space<vmem>> -> memref<128xi32, #tpu.memory_space<vmem>>
          %dma_start3A_276 = arith.constant 0 : i32
          %dma_start3A_277 = arith.constant 0 : i32
          %dma_start3A_278 = tpu.memref_slice %arg2[%dma_start3A_276, %dma_start3A_277] : memref<4096x128xf32, #tpu.memory_space<hbm>> -> memref<4096x128xf32, #tpu.memory_space<hbm>>
          tpu.enqueue_indirect_dma source(%dma_start3A_278 : memref<4096x128xf32, #tpu.memory_space<hbm>>) target(%dma_start3A_268 : memref<128x128xf32, #tpu.memory_space<vmem>>) offsets(%dma_start3A_275 : memref<128xi32, #tpu.memory_space<vmem>>) semaphore(%run_scoped3A_264 : memref<!tpu.dma_semaphore, #tpu.memory_space<semaphore_mem>>)
          %dma_wait3A_279 = arith.constant 0 : i32
          %dma_wait3A_280 = arith.constant 0 : i32
          %dma_wait3A_281 = tpu.memref_slice %run_scoped3A_8[%rem3A_197, %dma_wait3A_279, %dma_wait3A_280] : memref<2x128x128xf32, #tpu.memory_space<vmem>> -> memref<1x128x128xf32, #tpu.memory_space<vmem>>
          %dma_wait3A_282 = tpu.memref_squeeze %dma_wait3A_281 : memref<1x128x128xf32, #tpu.memory_space<vmem>> -> memref<128x128xf32, #tpu.memory_space<vmem>>
          %dma_wait3A_283 = arith.constant 0 : i32
          %dma_wait3A_284 = arith.constant 0 : i32
          %dma_wait3A_285 = tpu.memref_slice %run_scoped3A[%rem3A_195, %dma_wait3A_283, %dma_wait3A_284] : memref<2x1x128xi32, #tpu.memory_space<vmem>> -> memref<1x1x128xi32, #tpu.memory_space<vmem>>
          %dma_wait3A_286 = tpu.memref_squeeze %dma_wait3A_285 : memref<1x1x128xi32, #tpu.memory_space<vmem>> -> memref<1x128xi32, #tpu.memory_space<vmem>>
          %dma_wait3A_287 = arith.constant 0 : i32
          %dma_wait3A_288 = tpu.memref_slice %dma_wait3A_286[%run_scoped3A_198, %dma_wait3A_287] : memref<1x128xi32, #tpu.memory_space<vmem>> -> memref<1x128xi32, #tpu.memory_space<vmem>>
          %dma_wait3A_289 = tpu.memref_squeeze %dma_wait3A_288 : memref<1x128xi32, #tpu.memory_space<vmem>> -> memref<128xi32, #tpu.memory_space<vmem>>
          %dma_wait3A_290 = arith.constant 0 : i32
          %dma_wait3A_291 = arith.constant 0 : i32
          %dma_wait3A_292 = tpu.memref_slice %arg2[%dma_wait3A_290, %dma_wait3A_291] : memref<4096x128xf32, #tpu.memory_space<hbm>> -> memref<4096x128xf32, #tpu.memory_space<hbm>>
          tpu.wait_indirect_dma semaphore(%run_scoped3A_264 : memref<!tpu.dma_semaphore, #tpu.memory_space<semaphore_mem>>) src(%dma_wait3A_292 : memref<4096x128xf32, #tpu.memory_space<hbm>>) dst(%dma_wait3A_282 : memref<128x128xf32, #tpu.memory_space<vmem>>)
          tpu.yield
        }) : () -> ()
        "tpu.trace_stop"() : () -> ()
        %ne3A_199 = arith.cmpi ne, %add3A_131, %add3A_149 : i32
        %or3A_200 = arith.constant false
        %or3A_201 = arith.ori %or3A_200, %ne3A_199 : i1
        %or3A_202 = arith.ori %or3A_201, %eq3A_130 : i1
        %convert_element_type3A_203 = arith.extui %or3A_202 : i1 to i32
        %cond3A_204 = arith.constant 0 : i32
        %cond3A_205 = arith.cmpi ne, %convert_element_type3A_203, %cond3A_204 : i32
        scf.if %cond3A_205 {
        } else {
        }
        %and3A_206 = arith.constant false
        %and3A_207 = arith.andi %or3A_202, %and3A_206 : i1
        %ne3A_208 = arith.cmpi ne, %add3A_131, %add3A_149 : i32
        %or3A_209 = arith.constant false
        %or3A_210 = arith.ori %or3A_209, %ne3A_208 : i1
        %or3A_211 = arith.constant false
        %or3A_212 = arith.ori %or3A_210, %or3A_211 : i1
        %or3A_213 = arith.ori %or3A_212, %eq3A_130 : i1
        %convert_element_type3A_214 = arith.extui %or3A_213 : i1 to i32
        %cond3A_215 = arith.constant 0 : i32
        %cond3A_216 = arith.cmpi ne, %convert_element_type3A_214, %cond3A_215 : i32
        scf.if %cond3A_216 {
          "tpu.trace_start"() <{level = 10 : i32, message = "ep_copy_out"}> : () -> ()
          %rem3A_264 = arith.constant 2 : i32
          %rem3A_265 = arith.remui %scan3A_124, %rem3A_264 : i32
          %mul3A_266 = arith.constant 128 : i32
          %mul3A_267 = arith.muli %mul3A_266, %add3A_131 : i32
          %dma_start3A_268 = arith.constant 0 : i32
          %dma_start3A_269 = arith.constant 0 : i32
          %dma_start3A_270 = tpu.memref_slice %run_scoped3A_8[%rem3A_265, %dma_start3A_268, %dma_start3A_269] : memref<2x128x128xf32, #tpu.memory_space<vmem>> -> memref<1x128x128xf32, #tpu.memory_space<vmem>>
          %dma_start3A_271 = tpu.memref_squeeze %dma_start3A_270 : memref<1x128x128xf32, #tpu.memory_space<vmem>> -> memref<128x128xf32, #tpu.memory_space<vmem>>
          %dma_start3A_272 = arith.constant 0 : i32
          %dma_start3A_273 = tpu.memref_slice %arg4[%mul3A_267, %dma_start3A_272] : memref<65536x128xf32, #tpu.memory_space<hbm>> -> memref<128x128xf32, #tpu.memory_space<hbm>>
          %dma_start3A_274 = tpu.memref_slice %run_scoped3A_9[%rem3A_265] : memref<2x!tpu.dma_semaphore, #tpu.memory_space<semaphore_mem>> -> memref<1x!tpu.dma_semaphore, #tpu.memory_space<semaphore_mem>>
          %dma_start3A_275 = tpu.memref_squeeze %dma_start3A_274 : memref<1x!tpu.dma_semaphore, #tpu.memory_space<semaphore_mem>> -> memref<!tpu.dma_semaphore, #tpu.memory_space<semaphore_mem>>
          %dma_start3A_276 = arith.constant 0 : i32
          %dma_start3A_277 = tpu.memref_slice %arg4[%mul3A_267, %dma_start3A_276] : memref<65536x128xf32, #tpu.memory_space<hbm>> -> memref<128x128xf32, #tpu.memory_space<hbm>>
          %dma_start3A_278 = arith.constant 0 : i32
          %dma_start3A_279 = arith.constant 0 : i32
          %dma_start3A_280 = tpu.memref_slice %run_scoped3A_8[%rem3A_265, %dma_start3A_278, %dma_start3A_279] : memref<2x128x128xf32, #tpu.memory_space<vmem>> -> memref<1x128x128xf32, #tpu.memory_space<vmem>>
          %dma_start3A_281 = tpu.memref_squeeze %dma_start3A_280 : memref<1x128x128xf32, #tpu.memory_space<vmem>> -> memref<128x128xf32, #tpu.memory_space<vmem>>
          tpu.enqueue_dma source(%dma_start3A_281 : memref<128x128xf32, #tpu.memory_space<vmem>>) target(%dma_start3A_277 : memref<128x128xf32, #tpu.memory_space<hbm>>) target_semaphore(%dma_start3A_275 : memref<!tpu.dma_semaphore, #tpu.memory_space<semaphore_mem>>)
          "tpu.trace_stop"() : () -> ()
        } else {
        }
        %and3A_217 = arith.constant true
        %and3A_218 = arith.andi %or3A_213, %and3A_217 : i1
        %add3A_219 = arith.constant 1 : i32
        %add3A_220 = arith.addi %scan3A_124, %add3A_219 : i32
        %select_n3A_221 = arith.select %and3A_218, %add3A_220, %scan3A_124 : i32
        %ne3A_222 = arith.cmpi ne, %add3A_131, %add3A_140 : i32
        %or3A_223 = arith.constant false
        %or3A_224 = arith.ori %or3A_223, %ne3A_222 : i1
        %not3A_225 = arith.constant true
        %not3A_226 = arith.xori %eq3A_128, %not3A_225 : i1
        %and3A_227 = arith.andi %or3A_224, %not3A_226 : i1
        %convert_element_type3A_228 = arith.extui %and3A_227 : i1 to i32
        %cond3A_229 = arith.constant 0 : i32
        %cond3A_230 = arith.cmpi ne, %convert_element_type3A_228, %cond3A_229 : i32
        scf.if %cond3A_230 {
        } else {
        }
        %and3A_231 = arith.constant false
        %and3A_232 = arith.andi %and3A_227, %and3A_231 : i1
        %ne3A_233 = arith.cmpi ne, %add3A_131, %add3A_140 : i32
        %or3A_234 = arith.constant false
        %or3A_235 = arith.ori %or3A_234, %ne3A_233 : i1
        %or3A_236 = arith.constant false
        %or3A_237 = arith.ori %or3A_235, %or3A_236 : i1
        %not3A_238 = arith.constant true
        %not3A_239 = arith.xori %eq3A_128, %not3A_238 : i1
        %and3A_240 = arith.andi %or3A_237, %not3A_239 : i1
        %convert_element_type3A_241 = arith.extui %and3A_240 : i1 to i32
        %cond3A_242 = arith.constant 0 : i32
        %cond3A_243 = arith.cmpi ne, %convert_element_type3A_241, %cond3A_242 : i32
        scf.if %cond3A_243 {
          "tpu.trace_start"() <{level = 10 : i32, message = "ep_wait_out"}> : () -> ()
          %rem3A_264 = arith.constant 2 : i32
          %rem3A_265 = arith.remui %scan3A_125, %rem3A_264 : i32
          %mul3A_266 = arith.constant 128 : i32
          %mul3A_267 = arith.muli %mul3A_266, %add3A_140 : i32
          %dma_wait3A_268 = arith.constant 0 : i32
          %dma_wait3A_269 = arith.constant 0 : i32
          %dma_wait3A_270 = tpu.memref_slice %run_scoped3A_8[%rem3A_265, %dma_wait3A_268, %dma_wait3A_269] : memref<2x128x128xf32, #tpu.memory_space<vmem>> -> memref<1x128x128xf32, #tpu.memory_space<vmem>>
          %dma_wait3A_271 = tpu.memref_squeeze %dma_wait3A_270 : memref<1x128x128xf32, #tpu.memory_space<vmem>> -> memref<128x128xf32, #tpu.memory_space<vmem>>
          %dma_wait3A_272 = arith.constant 0 : i32
          %dma_wait3A_273 = tpu.memref_slice %arg4[%mul3A_267, %dma_wait3A_272] : memref<65536x128xf32, #tpu.memory_space<hbm>> -> memref<128x128xf32, #tpu.memory_space<hbm>>
          %dma_wait3A_274 = tpu.memref_slice %run_scoped3A_9[%rem3A_265] : memref<2x!tpu.dma_semaphore, #tpu.memory_space<semaphore_mem>> -> memref<1x!tpu.dma_semaphore, #tpu.memory_space<semaphore_mem>>
          %dma_wait3A_275 = tpu.memref_squeeze %dma_wait3A_274 : memref<1x!tpu.dma_semaphore, #tpu.memory_space<semaphore_mem>> -> memref<!tpu.dma_semaphore, #tpu.memory_space<semaphore_mem>>
          %dma_wait3A_276 = arith.constant 0 : i32
          %dma_wait3A_277 = tpu.memref_slice %arg4[%mul3A_267, %dma_wait3A_276] : memref<65536x128xf32, #tpu.memory_space<hbm>> -> memref<128x128xf32, #tpu.memory_space<hbm>>
          %dma_wait3A_278 = arith.constant 0 : i32
          %dma_wait3A_279 = arith.constant 0 : i32
          %dma_wait3A_280 = tpu.memref_slice %run_scoped3A_8[%rem3A_265, %dma_wait3A_278, %dma_wait3A_279] : memref<2x128x128xf32, #tpu.memory_space<vmem>> -> memref<1x128x128xf32, #tpu.memory_space<vmem>>
          %dma_wait3A_281 = tpu.memref_squeeze %dma_wait3A_280 : memref<1x128x128xf32, #tpu.memory_space<vmem>> -> memref<128x128xf32, #tpu.memory_space<vmem>>
          tpu.wait_dma2 semaphore(%dma_wait3A_275 : memref<!tpu.dma_semaphore, #tpu.memory_space<semaphore_mem>>) src(%dma_wait3A_281 : memref<128x128xf32, #tpu.memory_space<vmem>>) dst(%dma_wait3A_277 : memref<128x128xf32, #tpu.memory_space<hbm>>)
          "tpu.trace_stop"() : () -> ()
        } else {
        }
        %and3A_244 = arith.constant true
        %and3A_245 = arith.andi %and3A_240, %and3A_244 : i1
        %add3A_246 = arith.constant 1 : i32
        %add3A_247 = arith.addi %scan3A_125, %add3A_246 : i32
        %select_n3A_248 = arith.select %and3A_245, %add3A_247, %scan3A_125 : i32
        %ne3A_249 = arith.cmpi ne, %add3A_131, %add3A_149 : i32
        %or3A_250 = arith.constant false
        %or3A_251 = arith.ori %or3A_250, %ne3A_249 : i1
        %or3A_252 = arith.ori %or3A_251, %eq3A_130 : i1
        %add3A_253 = arith.constant 1 : i32
        %add3A_254 = arith.addi %scan3A_123, %add3A_253 : i32
        %select_n3A_255 = arith.select %or3A_252, %add3A_254, %scan3A_123 : i32
        %add3A_256 = arith.constant 1 : i32
        %add3A_257 = arith.addi %scan3A_126, %add3A_256 : i32
        %select_n3A_258 = arith.constant true
        %select_n3A_259 = arith.select %select_n3A_258, %add3A_257, %scan3A_126 : i32
        %eq3A_260 = arith.constant 16 : i32
        %eq3A_261 = arith.cmpi eq, %select_n3A_259, %eq3A_260 : i32
        %select_n3A_262 = arith.constant 0 : i32
        %select_n3A_263 = arith.select %eq3A_261, %select_n3A_262, %select_n3A_259 : i32
        scf.yield %select_n3A_167, %select_n3A_255, %select_n3A_221, %select_n3A_248, %select_n3A_263 : i32, i32, i32, i32, i32
      }
      %scan3A_68 = arith.constant 16 : i32
      %sub3A = arith.constant 1 : i32
      %sub3A_69 = arith.subi %scan3A_67#4, %sub3A : i32
      %select_n3A_70 = arith.constant true
      %select_n3A_71 = arith.select %select_n3A_70, %sub3A_69, %scan3A_67#4 : i32
      %eq3A_72 = arith.constant -1 : i32
      %eq3A_73 = arith.cmpi eq, %select_n3A_71, %eq3A_72 : i32
      %select_n3A_74 = arith.constant 15 : i32
      %select_n3A_75 = arith.select %eq3A_73, %select_n3A_74, %select_n3A_71 : i32
      %add3A_76 = arith.addi %select_n3A_75, %mul3A_6 : i32
      %sub3A_77 = arith.constant 1 : i32
      %sub3A_78 = arith.subi %select_n3A_75, %sub3A_77 : i32
      %select_n3A_79 = arith.constant true
      %select_n3A_80 = arith.select %select_n3A_79, %sub3A_78, %select_n3A_75 : i32
      %eq3A_81 = arith.constant -1 : i32
      %eq3A_82 = arith.cmpi eq, %select_n3A_80, %eq3A_81 : i32
      %select_n3A_83 = arith.constant 15 : i32
      %select_n3A_84 = arith.select %eq3A_82, %select_n3A_83, %select_n3A_80 : i32
      %add3A_85 = arith.addi %select_n3A_84, %mul3A_6 : i32
      %add3A_86 = arith.constant 1 : i32
      %add3A_87 = arith.addi %select_n3A_75, %add3A_86 : i32
      %select_n3A_88 = arith.constant true
      %select_n3A_89 = arith.select %select_n3A_88, %add3A_87, %select_n3A_75 : i32
      %eq3A_90 = arith.constant 16 : i32
      %eq3A_91 = arith.cmpi eq, %select_n3A_89, %eq3A_90 : i32
      %select_n3A_92 = arith.constant 0 : i32
      %select_n3A_93 = arith.select %eq3A_91, %select_n3A_92, %select_n3A_89 : i32
      %add3A_94 = arith.addi %select_n3A_93, %mul3A_6 : i32
      %add3A_95 = arith.constant 1 : i32
      %add3A_96 = arith.addi %select_n3A_93, %add3A_95 : i32
      %select_n3A_97 = arith.constant true
      %select_n3A_98 = arith.select %select_n3A_97, %add3A_96, %select_n3A_93 : i32
      %eq3A_99 = arith.constant 16 : i32
      %eq3A_100 = arith.cmpi eq, %select_n3A_98, %eq3A_99 : i32
      %select_n3A_101 = arith.constant 0 : i32
      %select_n3A_102 = arith.select %eq3A_100, %select_n3A_101, %select_n3A_98 : i32
      %add3A_103 = arith.addi %select_n3A_102, %mul3A_6 : i32
      "tpu.trace_start"() <{level = 10 : i32, message = "ep_finalize"}> : () -> ()
      %rem3A_104 = arith.constant 2 : i32
      %rem3A_105 = arith.remui %scan3A_67#3, %rem3A_104 : i32
      %mul3A_106 = arith.constant 128 : i32
      %mul3A_107 = arith.muli %mul3A_106, %add3A_76 : i32
      %dma_wait3A = arith.constant 0 : i32
      %dma_wait3A_108 = arith.constant 0 : i32
      %dma_wait3A_109 = tpu.memref_slice %run_scoped3A_8[%rem3A_105, %dma_wait3A, %dma_wait3A_108] : memref<2x128x128xf32, #tpu.memory_space<vmem>> -> memref<1x128x128xf32, #tpu.memory_space<vmem>>
      %dma_wait3A_110 = tpu.memref_squeeze %dma_wait3A_109 : memref<1x128x128xf32, #tpu.memory_space<vmem>> -> memref<128x128xf32, #tpu.memory_space<vmem>>
      %dma_wait3A_111 = arith.constant 0 : i32
      %dma_wait3A_112 = tpu.memref_slice %arg4[%mul3A_107, %dma_wait3A_111] : memref<65536x128xf32, #tpu.memory_space<hbm>> -> memref<128x128xf32, #tpu.memory_space<hbm>>
      %dma_wait3A_113 = tpu.memref_slice %run_scoped3A_9[%rem3A_105] : memref<2x!tpu.dma_semaphore, #tpu.memory_space<semaphore_mem>> -> memref<1x!tpu.dma_semaphore, #tpu.memory_space<semaphore_mem>>
      %dma_wait3A_114 = tpu.memref_squeeze %dma_wait3A_113 : memref<1x!tpu.dma_semaphore, #tpu.memory_space<semaphore_mem>> -> memref<!tpu.dma_semaphore, #tpu.memory_space<semaphore_mem>>
      %dma_wait3A_115 = arith.constant 0 : i32
      %dma_wait3A_116 = tpu.memref_slice %arg4[%mul3A_107, %dma_wait3A_115] : memref<65536x128xf32, #tpu.memory_space<hbm>> -> memref<128x128xf32, #tpu.memory_space<hbm>>
      %dma_wait3A_117 = arith.constant 0 : i32
      %dma_wait3A_118 = arith.constant 0 : i32
      %dma_wait3A_119 = tpu.memref_slice %run_scoped3A_8[%rem3A_105, %dma_wait3A_117, %dma_wait3A_118] : memref<2x128x128xf32, #tpu.memory_space<vmem>> -> memref<1x128x128xf32, #tpu.memory_space<vmem>>
      %dma_wait3A_120 = tpu.memref_squeeze %dma_wait3A_119 : memref<1x128x128xf32, #tpu.memory_space<vmem>> -> memref<128x128xf32, #tpu.memory_space<vmem>>
      tpu.wait_dma2 semaphore(%dma_wait3A_114 : memref<!tpu.dma_semaphore, #tpu.memory_space<semaphore_mem>>) src(%dma_wait3A_120 : memref<128x128xf32, #tpu.memory_space<vmem>>) dst(%dma_wait3A_116 : memref<128x128xf32, #tpu.memory_space<hbm>>)
      "tpu.trace_stop"() : () -> ()
      tpu.yield
    }) : () -> ()
    return
  }
}

#map = affine_map<(d0, d1) -> (0, 0)>
module attributes {stable_mosaic.version = 14 : i64} {
  func.func @gather_kernel(%arg0: i32, %arg1: i32, %arg2: memref<4096x8xf32, #tpu.memory_space<hbm>>, %arg3: memref<1x65536xi32, #tpu.memory_space<hbm>>, %arg4: memref<65536x8xf32, #tpu.memory_space<hbm>>) attributes {dimension_semantics = [#tpu.dimension_semantics<core_parallel>, #tpu.dimension_semantics<subcore_parallel>], iteration_bounds = array<i64: 2, 16>, scalar_prefetch = 0 : i64, scratch_operands = 0 : i64, tpu.core_type = #tpu.core_type<sc_vector_subcore>, window_params = [{transform_indices = #map}, {transform_indices = #map}, {transform_indices = #map}]} {
    %mul3A = arith.constant 1 : i32
    %mul3A_0 = arith.muli %arg1, %mul3A : i32
    %add3A = arith.constant 0 : i32
    %add3A_1 = arith.addi %add3A, %mul3A_0 : i32
    %mul3A_2 = arith.constant 16 : i32
    %mul3A_3 = arith.muli %arg0, %mul3A_2 : i32
    %add3A_4 = arith.addi %add3A_1, %mul3A_3 : i32
    %mul3A_5 = arith.constant 16 : i32
    %mul3A_6 = arith.muli %add3A_4, %mul3A_5 : i32
    "tpu.region"() ({
      %run_scoped3A = memref.alloca() : memref<2x1x128xi32, #tpu.memory_space<vmem>>
      %run_scoped3A_7 = tpu.sem_alloc : memref<2x!tpu.dma_semaphore, #tpu.memory_space<semaphore_mem>>
      %run_scoped3A_8 = memref.alloca() : memref<2x128x8xf32, #tpu.memory_space<vmem>>
      %run_scoped3A_9 = tpu.sem_alloc : memref<2x!tpu.dma_semaphore, #tpu.memory_space<semaphore_mem>>
      %add3A_10 = arith.constant 0 : i32
      %add3A_11 = arith.addi %add3A_10, %mul3A_6 : i32
      %select_n3A = arith.constant true
      %select_n3A_12 = arith.constant 0 : i32
      %select_n3A_13 = arith.constant -1 : i32
      %select_n3A_14 = arith.select %select_n3A, %select_n3A_13, %select_n3A_12 : i32
      %eq3A = arith.constant -1 : i32
      %eq3A_15 = arith.cmpi eq, %select_n3A_14, %eq3A : i32
      %select_n3A_16 = arith.constant 15 : i32
      %select_n3A_17 = arith.select %eq3A_15, %select_n3A_16, %select_n3A_14 : i32
      %add3A_18 = arith.addi %select_n3A_17, %mul3A_6 : i32
      %select_n3A_19 = arith.constant true
      %select_n3A_20 = arith.constant 0 : i32
      %select_n3A_21 = arith.constant 1 : i32
      %select_n3A_22 = arith.select %select_n3A_19, %select_n3A_21, %select_n3A_20 : i32
      %eq3A_23 = arith.constant 16 : i32
      %eq3A_24 = arith.cmpi eq, %select_n3A_22, %eq3A_23 : i32
      %select_n3A_25 = arith.constant 0 : i32
      %select_n3A_26 = arith.select %eq3A_24, %select_n3A_25, %select_n3A_22 : i32
      %add3A_27 = arith.addi %select_n3A_26, %mul3A_6 : i32
      %add3A_28 = arith.constant 1 : i32
      %add3A_29 = arith.addi %select_n3A_26, %add3A_28 : i32
      %select_n3A_30 = arith.constant true
      %select_n3A_31 = arith.select %select_n3A_30, %add3A_29, %select_n3A_26 : i32
      %eq3A_32 = arith.constant 16 : i32
      %eq3A_33 = arith.cmpi eq, %select_n3A_31, %eq3A_32 : i32
      %select_n3A_34 = arith.constant 0 : i32
      %select_n3A_35 = arith.select %eq3A_33, %select_n3A_34, %select_n3A_31 : i32
      %add3A_36 = arith.addi %select_n3A_35, %mul3A_6 : i32
      "tpu.trace_start"() <{level = 10 : i32, message = "ep_initialize_0"}> : () -> ()
      %rem3A = arith.constant 0 : i32
      %rem3A_37 = arith.constant 2 : i32
      %rem3A_38 = arith.remui %rem3A, %rem3A_37 : i32
      %mul3A_39 = arith.constant 128 : i32
      %mul3A_40 = arith.muli %mul3A_39, %add3A_11 : i32
      %dma_start3A = arith.constant 0 : i32
      %dma_start3A_41 = arith.constant 0 : i32
      %dma_start3A_42 = tpu.memref_slice %run_scoped3A[%rem3A_38, %dma_start3A, %dma_start3A_41] : memref<2x1x128xi32, #tpu.memory_space<vmem>> -> memref<1x1x128xi32, #tpu.memory_space<vmem>>
      %dma_start3A_43 = tpu.memref_squeeze %dma_start3A_42 : memref<1x1x128xi32, #tpu.memory_space<vmem>> -> memref<1x128xi32, #tpu.memory_space<vmem>>
      %dma_start3A_44 = arith.constant 0 : i32
      %dma_start3A_45 = tpu.memref_slice %arg3[%dma_start3A_44, %mul3A_40] : memref<1x65536xi32, #tpu.memory_space<hbm>> -> memref<1x128xi32, #tpu.memory_space<hbm>>
      %dma_start3A_46 = tpu.memref_slice %run_scoped3A_7[%rem3A_38] : memref<2x!tpu.dma_semaphore, #tpu.memory_space<semaphore_mem>> -> memref<1x!tpu.dma_semaphore, #tpu.memory_space<semaphore_mem>>
      %dma_start3A_47 = tpu.memref_squeeze %dma_start3A_46 : memref<1x!tpu.dma_semaphore, #tpu.memory_space<semaphore_mem>> -> memref<!tpu.dma_semaphore, #tpu.memory_space<semaphore_mem>>
      %dma_start3A_48 = arith.constant 0 : i32
      %dma_start3A_49 = arith.constant 0 : i32
      %dma_start3A_50 = tpu.memref_slice %run_scoped3A[%rem3A_38, %dma_start3A_48, %dma_start3A_49] : memref<2x1x128xi32, #tpu.memory_space<vmem>> -> memref<1x1x128xi32, #tpu.memory_space<vmem>>
      %dma_start3A_51 = tpu.memref_squeeze %dma_start3A_50 : memref<1x1x128xi32, #tpu.memory_space<vmem>> -> memref<1x128xi32, #tpu.memory_space<vmem>>
      %dma_start3A_52 = arith.constant 0 : i32
      %dma_start3A_53 = tpu.memref_slice %arg3[%dma_start3A_52, %mul3A_40] : memref<1x65536xi32, #tpu.memory_space<hbm>> -> memref<1x128xi32, #tpu.memory_space<hbm>>
      tpu.enqueue_dma source(%dma_start3A_53 : memref<1x128xi32, #tpu.memory_space<hbm>>) target(%dma_start3A_51 : memref<1x128xi32, #tpu.memory_space<vmem>>) target_semaphore(%dma_start3A_47 : memref<!tpu.dma_semaphore, #tpu.memory_space<semaphore_mem>>)
      %add3A_54 = arith.constant 0 : i32
      %add3A_55 = arith.constant 1 : i32
      %add3A_56 = arith.addi %add3A_54, %add3A_55 : i32
      %select_n3A_57 = arith.constant true
      %select_n3A_58 = arith.constant 0 : i32
      %select_n3A_59 = arith.select %select_n3A_57, %add3A_56, %select_n3A_58 : i32
      "tpu.trace_stop"() : () -> ()
      %scan3A = arith.constant 0 : i32
      %scan3A_60 = arith.constant 0 : i32
      %scan3A_61 = arith.constant 0 : i32
      %scan3A_62 = arith.constant 0 : i32
      %scan3A_63 = arith.constant 0 : i32
      %scan3A_64 = arith.constant 16 : i32
      %scan3A_65 = arith.addi %scan3A_63, %scan3A_64 : i32
      %scan3A_66 = arith.constant 1 : i32
      %scan3A_67:5 = scf.for %scan3A_121 = %scan3A_63 to %scan3A_65 step %scan3A_66 iter_args(%scan3A_122 = %select_n3A_59, %scan3A_123 = %scan3A, %scan3A_124 = %scan3A_60, %scan3A_125 = %scan3A_61, %scan3A_126 = %scan3A_62) -> (i32, i32, i32, i32, i32)  : i32 {
        %eq3A_127 = arith.constant 0 : i32
        %eq3A_128 = arith.cmpi eq, %scan3A_121, %eq3A_127 : i32
        %eq3A_129 = arith.constant 15 : i32
        %eq3A_130 = arith.cmpi eq, %scan3A_121, %eq3A_129 : i32
        %add3A_131 = arith.addi %scan3A_126, %mul3A_6 : i32
        %sub3A_132 = arith.constant 1 : i32
        %sub3A_133 = arith.subi %scan3A_126, %sub3A_132 : i32
        %select_n3A_134 = arith.constant true
        %select_n3A_135 = arith.select %select_n3A_134, %sub3A_133, %scan3A_126 : i32
        %eq3A_136 = arith.constant -1 : i32
        %eq3A_137 = arith.cmpi eq, %select_n3A_135, %eq3A_136 : i32
        %select_n3A_138 = arith.constant 15 : i32
        %select_n3A_139 = arith.select %eq3A_137, %select_n3A_138, %select_n3A_135 : i32
        %add3A_140 = arith.addi %select_n3A_139, %mul3A_6 : i32
        %add3A_141 = arith.constant 1 : i32
        %add3A_142 = arith.addi %scan3A_126, %add3A_141 : i32
        %select_n3A_143 = arith.constant true
        %select_n3A_144 = arith.select %select_n3A_143, %add3A_142, %scan3A_126 : i32
        %eq3A_145 = arith.constant 16 : i32
        %eq3A_146 = arith.cmpi eq, %select_n3A_144, %eq3A_145 : i32
        %select_n3A_147 = arith.constant 0 : i32
        %select_n3A_148 = arith.select %eq3A_146, %select_n3A_147, %select_n3A_144 : i32
        %add3A_149 = arith.addi %select_n3A_148, %mul3A_6 : i32
        %add3A_150 = arith.constant 1 : i32
        %add3A_151 = arith.addi %select_n3A_148, %add3A_150 : i32
        %select_n3A_152 = arith.constant true
        %select_n3A_153 = arith.select %select_n3A_152, %add3A_151, %select_n3A_148 : i32
        %eq3A_154 = arith.constant 16 : i32
        %eq3A_155 = arith.cmpi eq, %select_n3A_153, %eq3A_154 : i32
        %select_n3A_156 = arith.constant 0 : i32
        %select_n3A_157 = arith.select %eq3A_155, %select_n3A_156, %select_n3A_153 : i32
        %add3A_158 = arith.addi %select_n3A_157, %mul3A_6 : i32
        %ne3A = arith.cmpi ne, %add3A_131, %add3A_149 : i32
        %or3A = arith.constant false
        %or3A_159 = arith.ori %or3A, %ne3A : i1
        %ge3A = arith.constant 15 : i32
        %ge3A_160 = arith.cmpi sge, %scan3A_121, %ge3A : i32
        %not3A = arith.constant true
        %not3A_161 = arith.xori %ge3A_160, %not3A : i1
        %and3A = arith.andi %or3A_159, %not3A_161 : i1
        %convert_element_type3A = arith.extui %and3A : i1 to i32
        %cond3A = arith.constant 0 : i32
        %cond3A_162 = arith.cmpi ne, %convert_element_type3A, %cond3A : i32
        scf.if %cond3A_162 {
          "tpu.trace_start"() <{level = 10 : i32, message = "ep_copy_in"}> : () -> ()
          %rem3A_264 = arith.constant 2 : i32
          %rem3A_265 = arith.remui %scan3A_122, %rem3A_264 : i32
          %mul3A_266 = arith.constant 128 : i32
          %mul3A_267 = arith.muli %mul3A_266, %add3A_149 : i32
          %dma_start3A_268 = arith.constant 0 : i32
          %dma_start3A_269 = arith.constant 0 : i32
          %dma_start3A_270 = tpu.memref_slice %run_scoped3A[%rem3A_265, %dma_start3A_268, %dma_start3A_269] : memref<2x1x128xi32, #tpu.memory_space<vmem>> -> memref<1x1x128xi32, #tpu.memory_space<vmem>>
          %dma_start3A_271 = tpu.memref_squeeze %dma_start3A_270 : memref<1x1x128xi32, #tpu.memory_space<vmem>> -> memref<1x128xi32, #tpu.memory_space<vmem>>
          %dma_start3A_272 = arith.constant 0 : i32
          %dma_start3A_273 = tpu.memref_slice %arg3[%dma_start3A_272, %mul3A_267] : memref<1x65536xi32, #tpu.memory_space<hbm>> -> memref<1x128xi32, #tpu.memory_space<hbm>>
          %dma_start3A_274 = tpu.memref_slice %run_scoped3A_7[%rem3A_265] : memref<2x!tpu.dma_semaphore, #tpu.memory_space<semaphore_mem>> -> memref<1x!tpu.dma_semaphore, #tpu.memory_space<semaphore_mem>>
          %dma_start3A_275 = tpu.memref_squeeze %dma_start3A_274 : memref<1x!tpu.dma_semaphore, #tpu.memory_space<semaphore_mem>> -> memref<!tpu.dma_semaphore, #tpu.memory_space<semaphore_mem>>
          %dma_start3A_276 = arith.constant 0 : i32
          %dma_start3A_277 = arith.constant 0 : i32
          %dma_start3A_278 = tpu.memref_slice %run_scoped3A[%rem3A_265, %dma_start3A_276, %dma_start3A_277] : memref<2x1x128xi32, #tpu.memory_space<vmem>> -> memref<1x1x128xi32, #tpu.memory_space<vmem>>
          %dma_start3A_279 = tpu.memref_squeeze %dma_start3A_278 : memref<1x1x128xi32, #tpu.memory_space<vmem>> -> memref<1x128xi32, #tpu.memory_space<vmem>>
          %dma_start3A_280 = arith.constant 0 : i32
          %dma_start3A_281 = tpu.memref_slice %arg3[%dma_start3A_280, %mul3A_267] : memref<1x65536xi32, #tpu.memory_space<hbm>> -> memref<1x128xi32, #tpu.memory_space<hbm>>
          tpu.enqueue_dma source(%dma_start3A_281 : memref<1x128xi32, #tpu.memory_space<hbm>>) target(%dma_start3A_279 : memref<1x128xi32, #tpu.memory_space<vmem>>) target_semaphore(%dma_start3A_275 : memref<!tpu.dma_semaphore, #tpu.memory_space<semaphore_mem>>)
          "tpu.trace_stop"() : () -> ()
        } else {
        }
        %and3A_163 = arith.constant true
        %and3A_164 = arith.andi %and3A, %and3A_163 : i1
        %add3A_165 = arith.constant 1 : i32
        %add3A_166 = arith.addi %scan3A_122, %add3A_165 : i32
        %select_n3A_167 = arith.select %and3A_164, %add3A_166, %scan3A_122 : i32
        %ne3A_168 = arith.cmpi ne, %add3A_131, %add3A_149 : i32
        %or3A_169 = arith.constant false
        %or3A_170 = arith.ori %or3A_169, %ne3A_168 : i1
        %or3A_171 = arith.constant false
        %or3A_172 = arith.ori %or3A_170, %or3A_171 : i1
        %ge3A_173 = arith.constant 15 : i32
        %ge3A_174 = arith.cmpi sge, %scan3A_121, %ge3A_173 : i32
        %not3A_175 = arith.constant true
        %not3A_176 = arith.xori %ge3A_174, %not3A_175 : i1
        %and3A_177 = arith.andi %or3A_172, %not3A_176 : i1
        %ne3A_178 = arith.cmpi ne, %add3A_131, %add3A_140 : i32
        %or3A_179 = arith.constant false
        %or3A_180 = arith.ori %or3A_179, %ne3A_178 : i1
        %or3A_181 = arith.ori %or3A_180, %eq3A_128 : i1
        %convert_element_type3A_182 = arith.extui %or3A_181 : i1 to i32
        %cond3A_183 = arith.constant 0 : i32
        %cond3A_184 = arith.cmpi ne, %convert_element_type3A_182, %cond3A_183 : i32
        scf.if %cond3A_184 {
          "tpu.trace_start"() <{level = 10 : i32, message = "ep_wait_in"}> : () -> ()
          %mul3A_264 = arith.constant 128 : i32
          %mul3A_265 = arith.muli %mul3A_264, %add3A_131 : i32
          %rem3A_266 = arith.constant 2 : i32
          %rem3A_267 = arith.remui %scan3A_123, %rem3A_266 : i32
          %dma_wait3A_268 = arith.constant 0 : i32
          %dma_wait3A_269 = arith.constant 0 : i32
          %dma_wait3A_270 = tpu.memref_slice %run_scoped3A[%rem3A_267, %dma_wait3A_268, %dma_wait3A_269] : memref<2x1x128xi32, #tpu.memory_space<vmem>> -> memref<1x1x128xi32, #tpu.memory_space<vmem>>
          %dma_wait3A_271 = tpu.memref_squeeze %dma_wait3A_270 : memref<1x1x128xi32, #tpu.memory_space<vmem>> -> memref<1x128xi32, #tpu.memory_space<vmem>>
          %dma_wait3A_272 = arith.constant 0 : i32
          %dma_wait3A_273 = tpu.memref_slice %arg3[%dma_wait3A_272, %mul3A_265] : memref<1x65536xi32, #tpu.memory_space<hbm>> -> memref<1x128xi32, #tpu.memory_space<hbm>>
          %dma_wait3A_274 = tpu.memref_slice %run_scoped3A_7[%rem3A_267] : memref<2x!tpu.dma_semaphore, #tpu.memory_space<semaphore_mem>> -> memref<1x!tpu.dma_semaphore, #tpu.memory_space<semaphore_mem>>
          %dma_wait3A_275 = tpu.memref_squeeze %dma_wait3A_274 : memref<1x!tpu.dma_semaphore, #tpu.memory_space<semaphore_mem>> -> memref<!tpu.dma_semaphore, #tpu.memory_space<semaphore_mem>>
          %dma_wait3A_276 = arith.constant 0 : i32
          %dma_wait3A_277 = arith.constant 0 : i32
          %dma_wait3A_278 = tpu.memref_slice %run_scoped3A[%rem3A_267, %dma_wait3A_276, %dma_wait3A_277] : memref<2x1x128xi32, #tpu.memory_space<vmem>> -> memref<1x1x128xi32, #tpu.memory_space<vmem>>
          %dma_wait3A_279 = tpu.memref_squeeze %dma_wait3A_278 : memref<1x1x128xi32, #tpu.memory_space<vmem>> -> memref<1x128xi32, #tpu.memory_space<vmem>>
          %dma_wait3A_280 = arith.constant 0 : i32
          %dma_wait3A_281 = tpu.memref_slice %arg3[%dma_wait3A_280, %mul3A_265] : memref<1x65536xi32, #tpu.memory_space<hbm>> -> memref<1x128xi32, #tpu.memory_space<hbm>>
          tpu.wait_dma2 semaphore(%dma_wait3A_275 : memref<!tpu.dma_semaphore, #tpu.memory_space<semaphore_mem>>) src(%dma_wait3A_281 : memref<1x128xi32, #tpu.memory_space<hbm>>) dst(%dma_wait3A_279 : memref<1x128xi32, #tpu.memory_space<vmem>>)
          "tpu.trace_stop"() : () -> ()
        } else {
        }
        %ne3A_185 = arith.cmpi ne, %add3A_131, %add3A_140 : i32
        %or3A_186 = arith.constant false
        %or3A_187 = arith.ori %or3A_186, %ne3A_185 : i1
        %or3A_188 = arith.constant false
        %or3A_189 = arith.ori %or3A_187, %or3A_188 : i1
        %or3A_190 = arith.ori %or3A_189, %eq3A_128 : i1
        %convert_element_type3A_191 = arith.extui %or3A_190 : i1 to i32
        %cond3A_192 = arith.constant 0 : i32
        %cond3A_193 = arith.cmpi ne, %convert_element_type3A_191, %cond3A_192 : i32
        scf.if %cond3A_193 {
        } else {
        }
        %rem3A_194 = arith.constant 2 : i32
        %rem3A_195 = arith.remui %scan3A_123, %rem3A_194 : i32
        %rem3A_196 = arith.constant 2 : i32
        %rem3A_197 = arith.remui %scan3A_124, %rem3A_196 : i32
        %run_scoped3A_198 = arith.constant 0 : i32
        "tpu.trace_start"() <{level = 10 : i32, message = "ep_run_kernel"}> : () -> ()
        "tpu.region"() ({
          %run_scoped3A_264 = tpu.sem_alloc : memref<!tpu.dma_semaphore, #tpu.memory_space<semaphore_mem>>
          %dma_start3A_265 = arith.constant 0 : i32
          %dma_start3A_266 = arith.constant 0 : i32
          %dma_start3A_267 = tpu.memref_slice %run_scoped3A_8[%rem3A_197, %dma_start3A_265, %dma_start3A_266] : memref<2x128x8xf32, #tpu.memory_space<vmem>> -> memref<1x128x8xf32, #tpu.memory_space<vmem>>
          %dma_start3A_268 = tpu.memref_squeeze %dma_start3A_267 : memref<1x128x8xf32, #tpu.memory_space<vmem>> -> memref<128x8xf32, #tpu.memory_space<vmem>>
          %dma_start3A_269 = arith.constant 0 : i32
          %dma_start3A_270 = arith.constant 0 : i32
          %dma_start3A_271 = tpu.memref_slice %run_scoped3A[%rem3A_195, %dma_start3A_269, %dma_start3A_270] : memref<2x1x128xi32, #tpu.memory_space<vmem>> -> memref<1x1x128xi32, #tpu.memory_space<vmem>>
          %dma_start3A_272 = tpu.memref_squeeze %dma_start3A_271 : memref<1x1x128xi32, #tpu.memory_space<vmem>> -> memref<1x128xi32, #tpu.memory_space<vmem>>
          %dma_start3A_273 = arith.constant 0 : i32
          %dma_start3A_274 = tpu.memref_slice %dma_start3A_272[%run_scoped3A_198, %dma_start3A_273] : memref<1x128xi32, #tpu.memory_space<vmem>> -> memref<1x128xi32, #tpu.memory_space<vmem>>
          %dma_start3A_275 = tpu.memref_squeeze %dma_start3A_274 : memref<1x128xi32, #tpu.memory_space<vmem>> -> memref<128xi32, #tpu.memory_space<vmem>>
          %dma_start3A_276 = arith.constant 0 : i32
          %dma_start3A_277 = arith.constant 0 : i32
          %dma_start3A_278 = tpu.memref_slice %arg2[%dma_start3A_276, %dma_start3A_277] : memref<4096x8xf32, #tpu.memory_space<hbm>> -> memref<4096x8xf32, #tpu.memory_space<hbm>>
          tpu.enqueue_indirect_dma source(%dma_start3A_278 : memref<4096x8xf32, #tpu.memory_space<hbm>>) target(%dma_start3A_268 : memref<128x8xf32, #tpu.memory_space<vmem>>) offsets(%dma_start3A_275 : memref<128xi32, #tpu.memory_space<vmem>>) semaphore(%run_scoped3A_264 : memref<!tpu.dma_semaphore, #tpu.memory_space<semaphore_mem>>)
          %dma_wait3A_279 = arith.constant 0 : i32
          %dma_wait3A_280 = arith.constant 0 : i32
          %dma_wait3A_281 = tpu.memref_slice %run_scoped3A_8[%rem3A_197, %dma_wait3A_279, %dma_wait3A_280] : memref<2x128x8xf32, #tpu.memory_space<vmem>> -> memref<1x128x8xf32, #tpu.memory_space<vmem>>
          %dma_wait3A_282 = tpu.memref_squeeze %dma_wait3A_281 : memref<1x128x8xf32, #tpu.memory_space<vmem>> -> memref<128x8xf32, #tpu.memory_space<vmem>>
          %dma_wait3A_283 = arith.constant 0 : i32
          %dma_wait3A_284 = arith.constant 0 : i32
          %dma_wait3A_285 = tpu.memref_slice %run_scoped3A[%rem3A_195, %dma_wait3A_283, %dma_wait3A_284] : memref<2x1x128xi32, #tpu.memory_space<vmem>> -> memref<1x1x128xi32, #tpu.memory_space<vmem>>
          %dma_wait3A_286 = tpu.memref_squeeze %dma_wait3A_285 : memref<1x1x128xi32, #tpu.memory_space<vmem>> -> memref<1x128xi32, #tpu.memory_space<vmem>>
          %dma_wait3A_287 = arith.constant 0 : i32
          %dma_wait3A_288 = tpu.memref_slice %dma_wait3A_286[%run_scoped3A_198, %dma_wait3A_287] : memref<1x128xi32, #tpu.memory_space<vmem>> -> memref<1x128xi32, #tpu.memory_space<vmem>>
          %dma_wait3A_289 = tpu.memref_squeeze %dma_wait3A_288 : memref<1x128xi32, #tpu.memory_space<vmem>> -> memref<128xi32, #tpu.memory_space<vmem>>
          %dma_wait3A_290 = arith.constant 0 : i32
          %dma_wait3A_291 = arith.constant 0 : i32
          %dma_wait3A_292 = tpu.memref_slice %arg2[%dma_wait3A_290, %dma_wait3A_291] : memref<4096x8xf32, #tpu.memory_space<hbm>> -> memref<4096x8xf32, #tpu.memory_space<hbm>>
          tpu.wait_indirect_dma semaphore(%run_scoped3A_264 : memref<!tpu.dma_semaphore, #tpu.memory_space<semaphore_mem>>) src(%dma_wait3A_292 : memref<4096x8xf32, #tpu.memory_space<hbm>>) dst(%dma_wait3A_282 : memref<128x8xf32, #tpu.memory_space<vmem>>)
          tpu.yield
        }) : () -> ()
        "tpu.trace_stop"() : () -> ()
        %ne3A_199 = arith.cmpi ne, %add3A_131, %add3A_149 : i32
        %or3A_200 = arith.constant false
        %or3A_201 = arith.ori %or3A_200, %ne3A_199 : i1
        %or3A_202 = arith.ori %or3A_201, %eq3A_130 : i1
        %convert_element_type3A_203 = arith.extui %or3A_202 : i1 to i32
        %cond3A_204 = arith.constant 0 : i32
        %cond3A_205 = arith.cmpi ne, %convert_element_type3A_203, %cond3A_204 : i32
        scf.if %cond3A_205 {
        } else {
        }
        %and3A_206 = arith.constant false
        %and3A_207 = arith.andi %or3A_202, %and3A_206 : i1
        %ne3A_208 = arith.cmpi ne, %add3A_131, %add3A_149 : i32
        %or3A_209 = arith.constant false
        %or3A_210 = arith.ori %or3A_209, %ne3A_208 : i1
        %or3A_211 = arith.constant false
        %or3A_212 = arith.ori %or3A_210, %or3A_211 : i1
        %or3A_213 = arith.ori %or3A_212, %eq3A_130 : i1
        %convert_element_type3A_214 = arith.extui %or3A_213 : i1 to i32
        %cond3A_215 = arith.constant 0 : i32
        %cond3A_216 = arith.cmpi ne, %convert_element_type3A_214, %cond3A_215 : i32
        scf.if %cond3A_216 {
          "tpu.trace_start"() <{level = 10 : i32, message = "ep_copy_out"}> : () -> ()
          %rem3A_264 = arith.constant 2 : i32
          %rem3A_265 = arith.remui %scan3A_124, %rem3A_264 : i32
          %mul3A_266 = arith.constant 128 : i32
          %mul3A_267 = arith.muli %mul3A_266, %add3A_131 : i32
          %dma_start3A_268 = arith.constant 0 : i32
          %dma_start3A_269 = arith.constant 0 : i32
          %dma_start3A_270 = tpu.memref_slice %run_scoped3A_8[%rem3A_265, %dma_start3A_268, %dma_start3A_269] : memref<2x128x8xf32, #tpu.memory_space<vmem>> -> memref<1x128x8xf32, #tpu.memory_space<vmem>>
          %dma_start3A_271 = tpu.memref_squeeze %dma_start3A_270 : memref<1x128x8xf32, #tpu.memory_space<vmem>> -> memref<128x8xf32, #tpu.memory_space<vmem>>
          %dma_start3A_272 = arith.constant 0 : i32
          %dma_start3A_273 = tpu.memref_slice %arg4[%mul3A_267, %dma_start3A_272] : memref<65536x8xf32, #tpu.memory_space<hbm>> -> memref<128x8xf32, #tpu.memory_space<hbm>>
          %dma_start3A_274 = tpu.memref_slice %run_scoped3A_9[%rem3A_265] : memref<2x!tpu.dma_semaphore, #tpu.memory_space<semaphore_mem>> -> memref<1x!tpu.dma_semaphore, #tpu.memory_space<semaphore_mem>>
          %dma_start3A_275 = tpu.memref_squeeze %dma_start3A_274 : memref<1x!tpu.dma_semaphore, #tpu.memory_space<semaphore_mem>> -> memref<!tpu.dma_semaphore, #tpu.memory_space<semaphore_mem>>
          %dma_start3A_276 = arith.constant 0 : i32
          %dma_start3A_277 = tpu.memref_slice %arg4[%mul3A_267, %dma_start3A_276] : memref<65536x8xf32, #tpu.memory_space<hbm>> -> memref<128x8xf32, #tpu.memory_space<hbm>>
          %dma_start3A_278 = arith.constant 0 : i32
          %dma_start3A_279 = arith.constant 0 : i32
          %dma_start3A_280 = tpu.memref_slice %run_scoped3A_8[%rem3A_265, %dma_start3A_278, %dma_start3A_279] : memref<2x128x8xf32, #tpu.memory_space<vmem>> -> memref<1x128x8xf32, #tpu.memory_space<vmem>>
          %dma_start3A_281 = tpu.memref_squeeze %dma_start3A_280 : memref<1x128x8xf32, #tpu.memory_space<vmem>> -> memref<128x8xf32, #tpu.memory_space<vmem>>
          tpu.enqueue_dma source(%dma_start3A_281 : memref<128x8xf32, #tpu.memory_space<vmem>>) target(%dma_start3A_277 : memref<128x8xf32, #tpu.memory_space<hbm>>) target_semaphore(%dma_start3A_275 : memref<!tpu.dma_semaphore, #tpu.memory_space<semaphore_mem>>)
          "tpu.trace_stop"() : () -> ()
        } else {
        }
        %and3A_217 = arith.constant true
        %and3A_218 = arith.andi %or3A_213, %and3A_217 : i1
        %add3A_219 = arith.constant 1 : i32
        %add3A_220 = arith.addi %scan3A_124, %add3A_219 : i32
        %select_n3A_221 = arith.select %and3A_218, %add3A_220, %scan3A_124 : i32
        %ne3A_222 = arith.cmpi ne, %add3A_131, %add3A_140 : i32
        %or3A_223 = arith.constant false
        %or3A_224 = arith.ori %or3A_223, %ne3A_222 : i1
        %not3A_225 = arith.constant true
        %not3A_226 = arith.xori %eq3A_128, %not3A_225 : i1
        %and3A_227 = arith.andi %or3A_224, %not3A_226 : i1
        %convert_element_type3A_228 = arith.extui %and3A_227 : i1 to i32
        %cond3A_229 = arith.constant 0 : i32
        %cond3A_230 = arith.cmpi ne, %convert_element_type3A_228, %cond3A_229 : i32
        scf.if %cond3A_230 {
        } else {
        }
        %and3A_231 = arith.constant false
        %and3A_232 = arith.andi %and3A_227, %and3A_231 : i1
        %ne3A_233 = arith.cmpi ne, %add3A_131, %add3A_140 : i32
        %or3A_234 = arith.constant false
        %or3A_235 = arith.ori %or3A_234, %ne3A_233 : i1
        %or3A_236 = arith.constant false
        %or3A_237 = arith.ori %or3A_235, %or3A_236 : i1
        %not3A_238 = arith.constant true
        %not3A_239 = arith.xori %eq3A_128, %not3A_238 : i1
        %and3A_240 = arith.andi %or3A_237, %not3A_239 : i1
        %convert_element_type3A_241 = arith.extui %and3A_240 : i1 to i32
        %cond3A_242 = arith.constant 0 : i32
        %cond3A_243 = arith.cmpi ne, %convert_element_type3A_241, %cond3A_242 : i32
        scf.if %cond3A_243 {
          "tpu.trace_start"() <{level = 10 : i32, message = "ep_wait_out"}> : () -> ()
          %rem3A_264 = arith.constant 2 : i32
          %rem3A_265 = arith.remui %scan3A_125, %rem3A_264 : i32
          %mul3A_266 = arith.constant 128 : i32
          %mul3A_267 = arith.muli %mul3A_266, %add3A_140 : i32
          %dma_wait3A_268 = arith.constant 0 : i32
          %dma_wait3A_269 = arith.constant 0 : i32
          %dma_wait3A_270 = tpu.memref_slice %run_scoped3A_8[%rem3A_265, %dma_wait3A_268, %dma_wait3A_269] : memref<2x128x8xf32, #tpu.memory_space<vmem>> -> memref<1x128x8xf32, #tpu.memory_space<vmem>>
          %dma_wait3A_271 = tpu.memref_squeeze %dma_wait3A_270 : memref<1x128x8xf32, #tpu.memory_space<vmem>> -> memref<128x8xf32, #tpu.memory_space<vmem>>
          %dma_wait3A_272 = arith.constant 0 : i32
          %dma_wait3A_273 = tpu.memref_slice %arg4[%mul3A_267, %dma_wait3A_272] : memref<65536x8xf32, #tpu.memory_space<hbm>> -> memref<128x8xf32, #tpu.memory_space<hbm>>
          %dma_wait3A_274 = tpu.memref_slice %run_scoped3A_9[%rem3A_265] : memref<2x!tpu.dma_semaphore, #tpu.memory_space<semaphore_mem>> -> memref<1x!tpu.dma_semaphore, #tpu.memory_space<semaphore_mem>>
          %dma_wait3A_275 = tpu.memref_squeeze %dma_wait3A_274 : memref<1x!tpu.dma_semaphore, #tpu.memory_space<semaphore_mem>> -> memref<!tpu.dma_semaphore, #tpu.memory_space<semaphore_mem>>
          %dma_wait3A_276 = arith.constant 0 : i32
          %dma_wait3A_277 = tpu.memref_slice %arg4[%mul3A_267, %dma_wait3A_276] : memref<65536x8xf32, #tpu.memory_space<hbm>> -> memref<128x8xf32, #tpu.memory_space<hbm>>
          %dma_wait3A_278 = arith.constant 0 : i32
          %dma_wait3A_279 = arith.constant 0 : i32
          %dma_wait3A_280 = tpu.memref_slice %run_scoped3A_8[%rem3A_265, %dma_wait3A_278, %dma_wait3A_279] : memref<2x128x8xf32, #tpu.memory_space<vmem>> -> memref<1x128x8xf32, #tpu.memory_space<vmem>>
          %dma_wait3A_281 = tpu.memref_squeeze %dma_wait3A_280 : memref<1x128x8xf32, #tpu.memory_space<vmem>> -> memref<128x8xf32, #tpu.memory_space<vmem>>
          tpu.wait_dma2 semaphore(%dma_wait3A_275 : memref<!tpu.dma_semaphore, #tpu.memory_space<semaphore_mem>>) src(%dma_wait3A_281 : memref<128x8xf32, #tpu.memory_space<vmem>>) dst(%dma_wait3A_277 : memref<128x8xf32, #tpu.memory_space<hbm>>)
          "tpu.trace_stop"() : () -> ()
        } else {
        }
        %and3A_244 = arith.constant true
        %and3A_245 = arith.andi %and3A_240, %and3A_244 : i1
        %add3A_246 = arith.constant 1 : i32
        %add3A_247 = arith.addi %scan3A_125, %add3A_246 : i32
        %select_n3A_248 = arith.select %and3A_245, %add3A_247, %scan3A_125 : i32
        %ne3A_249 = arith.cmpi ne, %add3A_131, %add3A_149 : i32
        %or3A_250 = arith.constant false
        %or3A_251 = arith.ori %or3A_250, %ne3A_249 : i1
        %or3A_252 = arith.ori %or3A_251, %eq3A_130 : i1
        %add3A_253 = arith.constant 1 : i32
        %add3A_254 = arith.addi %scan3A_123, %add3A_253 : i32
        %select_n3A_255 = arith.select %or3A_252, %add3A_254, %scan3A_123 : i32
        %add3A_256 = arith.constant 1 : i32
        %add3A_257 = arith.addi %scan3A_126, %add3A_256 : i32
        %select_n3A_258 = arith.constant true
        %select_n3A_259 = arith.select %select_n3A_258, %add3A_257, %scan3A_126 : i32
        %eq3A_260 = arith.constant 16 : i32
        %eq3A_261 = arith.cmpi eq, %select_n3A_259, %eq3A_260 : i32
        %select_n3A_262 = arith.constant 0 : i32
        %select_n3A_263 = arith.select %eq3A_261, %select_n3A_262, %select_n3A_259 : i32
        scf.yield %select_n3A_167, %select_n3A_255, %select_n3A_221, %select_n3A_248, %select_n3A_263 : i32, i32, i32, i32, i32
      }
      %scan3A_68 = arith.constant 16 : i32
      %sub3A = arith.constant 1 : i32
      %sub3A_69 = arith.subi %scan3A_67#4, %sub3A : i32
      %select_n3A_70 = arith.constant true
      %select_n3A_71 = arith.select %select_n3A_70, %sub3A_69, %scan3A_67#4 : i32
      %eq3A_72 = arith.constant -1 : i32
      %eq3A_73 = arith.cmpi eq, %select_n3A_71, %eq3A_72 : i32
      %select_n3A_74 = arith.constant 15 : i32
      %select_n3A_75 = arith.select %eq3A_73, %select_n3A_74, %select_n3A_71 : i32
      %add3A_76 = arith.addi %select_n3A_75, %mul3A_6 : i32
      %sub3A_77 = arith.constant 1 : i32
      %sub3A_78 = arith.subi %select_n3A_75, %sub3A_77 : i32
      %select_n3A_79 = arith.constant true
      %select_n3A_80 = arith.select %select_n3A_79, %sub3A_78, %select_n3A_75 : i32
      %eq3A_81 = arith.constant -1 : i32
      %eq3A_82 = arith.cmpi eq, %select_n3A_80, %eq3A_81 : i32
      %select_n3A_83 = arith.constant 15 : i32
      %select_n3A_84 = arith.select %eq3A_82, %select_n3A_83, %select_n3A_80 : i32
      %add3A_85 = arith.addi %select_n3A_84, %mul3A_6 : i32
      %add3A_86 = arith.constant 1 : i32
      %add3A_87 = arith.addi %select_n3A_75, %add3A_86 : i32
      %select_n3A_88 = arith.constant true
      %select_n3A_89 = arith.select %select_n3A_88, %add3A_87, %select_n3A_75 : i32
      %eq3A_90 = arith.constant 16 : i32
      %eq3A_91 = arith.cmpi eq, %select_n3A_89, %eq3A_90 : i32
      %select_n3A_92 = arith.constant 0 : i32
      %select_n3A_93 = arith.select %eq3A_91, %select_n3A_92, %select_n3A_89 : i32
      %add3A_94 = arith.addi %select_n3A_93, %mul3A_6 : i32
      %add3A_95 = arith.constant 1 : i32
      %add3A_96 = arith.addi %select_n3A_93, %add3A_95 : i32
      %select_n3A_97 = arith.constant true
      %select_n3A_98 = arith.select %select_n3A_97, %add3A_96, %select_n3A_93 : i32
      %eq3A_99 = arith.constant 16 : i32
      %eq3A_100 = arith.cmpi eq, %select_n3A_98, %eq3A_99 : i32
      %select_n3A_101 = arith.constant 0 : i32
      %select_n3A_102 = arith.select %eq3A_100, %select_n3A_101, %select_n3A_98 : i32
      %add3A_103 = arith.addi %select_n3A_102, %mul3A_6 : i32
      "tpu.trace_start"() <{level = 10 : i32, message = "ep_finalize"}> : () -> ()
      %rem3A_104 = arith.constant 2 : i32
      %rem3A_105 = arith.remui %scan3A_67#3, %rem3A_104 : i32
      %mul3A_106 = arith.constant 128 : i32
      %mul3A_107 = arith.muli %mul3A_106, %add3A_76 : i32
      %dma_wait3A = arith.constant 0 : i32
      %dma_wait3A_108 = arith.constant 0 : i32
      %dma_wait3A_109 = tpu.memref_slice %run_scoped3A_8[%rem3A_105, %dma_wait3A, %dma_wait3A_108] : memref<2x128x8xf32, #tpu.memory_space<vmem>> -> memref<1x128x8xf32, #tpu.memory_space<vmem>>
      %dma_wait3A_110 = tpu.memref_squeeze %dma_wait3A_109 : memref<1x128x8xf32, #tpu.memory_space<vmem>> -> memref<128x8xf32, #tpu.memory_space<vmem>>
      %dma_wait3A_111 = arith.constant 0 : i32
      %dma_wait3A_112 = tpu.memref_slice %arg4[%mul3A_107, %dma_wait3A_111] : memref<65536x8xf32, #tpu.memory_space<hbm>> -> memref<128x8xf32, #tpu.memory_space<hbm>>
      %dma_wait3A_113 = tpu.memref_slice %run_scoped3A_9[%rem3A_105] : memref<2x!tpu.dma_semaphore, #tpu.memory_space<semaphore_mem>> -> memref<1x!tpu.dma_semaphore, #tpu.memory_space<semaphore_mem>>
      %dma_wait3A_114 = tpu.memref_squeeze %dma_wait3A_113 : memref<1x!tpu.dma_semaphore, #tpu.memory_space<semaphore_mem>> -> memref<!tpu.dma_semaphore, #tpu.memory_space<semaphore_mem>>
      %dma_wait3A_115 = arith.constant 0 : i32
      %dma_wait3A_116 = tpu.memref_slice %arg4[%mul3A_107, %dma_wait3A_115] : memref<65536x8xf32, #tpu.memory_space<hbm>> -> memref<128x8xf32, #tpu.memory_space<hbm>>
      %dma_wait3A_117 = arith.constant 0 : i32
      %dma_wait3A_118 = arith.constant 0 : i32
      %dma_wait3A_119 = tpu.memref_slice %run_scoped3A_8[%rem3A_105, %dma_wait3A_117, %dma_wait3A_118] : memref<2x128x8xf32, #tpu.memory_space<vmem>> -> memref<1x128x8xf32, #tpu.memory_space<vmem>>
      %dma_wait3A_120 = tpu.memref_squeeze %dma_wait3A_119 : memref<1x128x8xf32, #tpu.memory_space<vmem>> -> memref<128x8xf32, #tpu.memory_space<vmem>>
      tpu.wait_dma2 semaphore(%dma_wait3A_114 : memref<!tpu.dma_semaphore, #tpu.memory_space<semaphore_mem>>) src(%dma_wait3A_120 : memref<128x8xf32, #tpu.memory_space<vmem>>) dst(%dma_wait3A_116 : memref<128x8xf32, #tpu.memory_space<hbm>>)
      "tpu.trace_stop"() : () -> ()
      tpu.yield
    }) : () -> ()
    return
  }
}

module attributes {stable_mosaic.version = 14 : i64} {
  func.func @_knn_kernel(%arg0: i32, %arg1: i32, %arg2: memref<1x512x3xf32, #tpu.memory_space<vmem>>, %arg3: memref<1x3x2048xf32, #tpu.memory_space<vmem>>, %arg4: memref<1x512x16xi32, #tpu.memory_space<vmem>>) attributes {dimension_semantics = [#tpu.dimension_semantics<arbitrary>, #tpu.dimension_semantics<parallel>], iteration_bounds = array<i64: 2, 4>, scalar_prefetch = 0 : i64, scratch_operands = 0 : i64, tpu.core_type = #tpu.core_type<tc>, window_params = [{transform_indices = @transform_0, window_bounds = array<i64: 1, 512, 3>}, {transform_indices = @transform_1, window_bounds = array<i64: 1, 3, 2048>}, {transform_indices = @transform_2, window_bounds = array<i64: 1, 512, 16>}]} {
    %get3A = arith.constant 0 : index
    %get3A_0 = arith.constant 0 : index
    %get3A_1 = arith.constant 0 : index
    %get3A_2 = vector.load %arg2[%get3A, %get3A_0, %get3A_1] : memref<1x512x3xf32, #tpu.memory_space<vmem>>, vector<1x512x3xf32>
    %get3A_3 = vector.shape_cast %get3A_2 : vector<1x512x3xf32> to vector<512x3xf32>
    %get3A_4 = arith.constant 0 : index
    %get3A_5 = arith.constant 0 : index
    %get3A_6 = arith.constant 0 : index
    %get3A_7 = vector.load %arg3[%get3A_4, %get3A_5, %get3A_6] : memref<1x3x2048xf32, #tpu.memory_space<vmem>>, vector<1x3x2048xf32>
    %get3A_8 = vector.shape_cast %get3A_7 : vector<1x3x2048xf32> to vector<3x2048xf32>
    %mul3A = arith.mulf %get3A_3, %get3A_3 : vector<512x3xf32>
    %reduce_sum3A = arith.constant dense<0.000000e+00> : vector<512xf32>
    %reduce_sum3A_9 = vector.multi_reduction <add>, %mul3A, %reduce_sum3A [1] : vector<512x3xf32> to vector<512xf32>
    %broadcast_in_dim3A = vector.shape_cast %reduce_sum3A_9 : vector<512xf32> to vector<512x1xf32>
    %mul3A_10 = arith.mulf %get3A_8, %get3A_8 : vector<3x2048xf32>
    %reduce_sum3A_11 = arith.constant dense<0.000000e+00> : vector<2048xf32>
    %reduce_sum3A_12 = vector.multi_reduction <add>, %mul3A_10, %reduce_sum3A_11 [0] : vector<3x2048xf32> to vector<2048xf32>
    %broadcast_in_dim3A_13 = vector.shape_cast %reduce_sum3A_12 : vector<2048xf32> to vector<1x2048xf32>
    %add3A = vector.broadcast %broadcast_in_dim3A : vector<512x1xf32> to vector<512x2048xf32>
    %add3A_14 = vector.broadcast %broadcast_in_dim3A_13 : vector<1x2048xf32> to vector<512x2048xf32>
    %add3A_15 = arith.addf %add3A, %add3A_14 : vector<512x2048xf32>
    %dot_general3A = arith.constant dense<0.000000e+00> : vector<512x2048xf32>
    %dot_general3A_16 = tpu.matmul %get3A_3, %get3A_8, %dot_general3A {dimension_numbers = #tpu.dot_dimension_numbers<[1], [0], [0], [1], [0, 0, 1, 1], [], []>, transpose_lhs_hint = false} : vector<512x3xf32>, vector<3x2048xf32>, vector<512x2048xf32> -> vector<512x2048xf32>
    %mul3A_17 = arith.constant 2.000000e+00 : f32
    %mul3A_18 = vector.broadcast %mul3A_17 : f32 to vector<512x2048xf32>
    %mul3A_19 = arith.mulf %mul3A_18, %dot_general3A_16 : vector<512x2048xf32>
    %sub3A = arith.subf %add3A_15, %mul3A_19 : vector<512x2048xf32>
    %iota3A = tpu.iota {dimensions = array<i32: 1>} : vector<512x2048xi32>
    %reduce_min3A = arith.constant dense<0x7F800000> : vector<512xf32>
    %reduce_min3A_20 = vector.multi_reduction <minimumf>, %sub3A, %reduce_min3A [1] : vector<512x2048xf32> to vector<512xf32>
    %broadcast_in_dim3A_21 = vector.shape_cast %reduce_min3A_20 : vector<512xf32> to vector<512x1xf32>
    %eq3A = vector.broadcast %broadcast_in_dim3A_21 : vector<512x1xf32> to vector<512x2048xf32>
    %eq3A_22 = arith.cmpf oeq, %sub3A, %eq3A : vector<512x2048xf32>
    %jit3A = arith.constant 2048 : i32
    %broadcast_in_dim3A_23 = vector.broadcast %jit3A : i32 to vector<512x2048xi32>
    %select_n3A = arith.select %eq3A_22, %iota3A, %broadcast_in_dim3A_23 : vector<512x2048xi1>, vector<512x2048xi32>
    %reduce_min3A_24 = arith.constant dense<2147483647> : vector<512xi32>
    %reduce_min3A_25 = vector.multi_reduction <minsi>, %select_n3A, %reduce_min3A_24 [1] : vector<512x2048xi32> to vector<512xi32>
    %broadcast_in_dim3A_26 = vector.shape_cast %reduce_min3A_25 : vector<512xi32> to vector<512x1xi32>
    %eq3A_27 = vector.broadcast %broadcast_in_dim3A_26 : vector<512x1xi32> to vector<512x2048xi32>
    %eq3A_28 = arith.cmpi eq, %iota3A, %eq3A_27 : vector<512x2048xi32>
    %jit3A_29 = arith.constant 0x7F800000 : f32
    %broadcast_in_dim3A_30 = vector.broadcast %jit3A_29 : f32 to vector<512x2048xf32>
    %select_n3A_31 = arith.select %eq3A_28, %broadcast_in_dim3A_30, %sub3A : vector<512x2048xi1>, vector<512x2048xf32>
    %squeeze3A = vector.shape_cast %broadcast_in_dim3A_26 : vector<512x1xi32> to vector<512xi32>
    %mul3A_32 = arith.constant 2048 : i32
    %mul3A_33 = arith.muli %arg0, %mul3A_32 : i32
    %add3A_34 = vector.broadcast %mul3A_33 : i32 to vector<512xi32>
    %add3A_35 = arith.addi %squeeze3A, %add3A_34 : vector<512xi32>
    %swap3A = arith.constant 0 : index
    %swap3A_36 = arith.constant 0 : index
    %swap3A_37 = arith.constant 0 : index
    %swap3A_38 = vector.load %arg4[%swap3A, %swap3A_36, %swap3A_37] : memref<1x512x16xi32, #tpu.memory_space<vmem>>, vector<1x512x1xi32>
    %swap3A_39 = vector.shape_cast %swap3A_38 : vector<1x512x1xi32> to vector<512xi32>
    %swap3A_40 = vector.shape_cast %add3A_35 : vector<512xi32> to vector<1x512x1xi32>
    tpu.vector_store %arg4[%swap3A, %swap3A_36, %swap3A_37], %swap3A_40 {strides = array<i32>} : memref<1x512x16xi32, #tpu.memory_space<vmem>>, vector<1x512x1xi32>,
    %reduce_min3A_41 = arith.constant dense<0x7F800000> : vector<512xf32>
    %reduce_min3A_42 = vector.multi_reduction <minimumf>, %select_n3A_31, %reduce_min3A_41 [1] : vector<512x2048xf32> to vector<512xf32>
    %broadcast_in_dim3A_43 = vector.shape_cast %reduce_min3A_42 : vector<512xf32> to vector<512x1xf32>
    %eq3A_44 = vector.broadcast %broadcast_in_dim3A_43 : vector<512x1xf32> to vector<512x2048xf32>
    %eq3A_45 = arith.cmpf oeq, %select_n3A_31, %eq3A_44 : vector<512x2048xf32>
    %jit3A_46 = arith.constant 2048 : i32
    %broadcast_in_dim3A_47 = vector.broadcast %jit3A_46 : i32 to vector<512x2048xi32>
    %select_n3A_48 = arith.select %eq3A_45, %iota3A, %broadcast_in_dim3A_47 : vector<512x2048xi1>, vector<512x2048xi32>
    %reduce_min3A_49 = arith.constant dense<2147483647> : vector<512xi32>
    %reduce_min3A_50 = vector.multi_reduction <minsi>, %select_n3A_48, %reduce_min3A_49 [1] : vector<512x2048xi32> to vector<512xi32>
    %broadcast_in_dim3A_51 = vector.shape_cast %reduce_min3A_50 : vector<512xi32> to vector<512x1xi32>
    %eq3A_52 = vector.broadcast %broadcast_in_dim3A_51 : vector<512x1xi32> to vector<512x2048xi32>
    %eq3A_53 = arith.cmpi eq, %iota3A, %eq3A_52 : vector<512x2048xi32>
    %jit3A_54 = arith.constant 0x7F800000 : f32
    %broadcast_in_dim3A_55 = vector.broadcast %jit3A_54 : f32 to vector<512x2048xf32>
    %select_n3A_56 = arith.select %eq3A_53, %broadcast_in_dim3A_55, %select_n3A_31 : vector<512x2048xi1>, vector<512x2048xf32>
    %squeeze3A_57 = vector.shape_cast %broadcast_in_dim3A_51 : vector<512x1xi32> to vector<512xi32>
    %mul3A_58 = arith.constant 2048 : i32
    %mul3A_59 = arith.muli %arg0, %mul3A_58 : i32
    %add3A_60 = vector.broadcast %mul3A_59 : i32 to vector<512xi32>
    %add3A_61 = arith.addi %squeeze3A_57, %add3A_60 : vector<512xi32>
    %swap3A_62 = arith.constant 0 : index
    %swap3A_63 = arith.constant 0 : index
    %swap3A_64 = arith.constant 1 : index
    %swap3A_65 = vector.load %arg4[%swap3A_62, %swap3A_63, %swap3A_64] : memref<1x512x16xi32, #tpu.memory_space<vmem>>, vector<1x512x1xi32>
    %swap3A_66 = vector.shape_cast %swap3A_65 : vector<1x512x1xi32> to vector<512xi32>
    %swap3A_67 = vector.shape_cast %add3A_61 : vector<512xi32> to vector<1x512x1xi32>
    tpu.vector_store %arg4[%swap3A_62, %swap3A_63, %swap3A_64], %swap3A_67 {strides = array<i32>} : memref<1x512x16xi32, #tpu.memory_space<vmem>>, vector<1x512x1xi32>,
    %reduce_min3A_68 = arith.constant dense<0x7F800000> : vector<512xf32>
    %reduce_min3A_69 = vector.multi_reduction <minimumf>, %select_n3A_56, %reduce_min3A_68 [1] : vector<512x2048xf32> to vector<512xf32>
    %broadcast_in_dim3A_70 = vector.shape_cast %reduce_min3A_69 : vector<512xf32> to vector<512x1xf32>
    %eq3A_71 = vector.broadcast %broadcast_in_dim3A_70 : vector<512x1xf32> to vector<512x2048xf32>
    %eq3A_72 = arith.cmpf oeq, %select_n3A_56, %eq3A_71 : vector<512x2048xf32>
    %jit3A_73 = arith.constant 2048 : i32
    %broadcast_in_dim3A_74 = vector.broadcast %jit3A_73 : i32 to vector<512x2048xi32>
    %select_n3A_75 = arith.select %eq3A_72, %iota3A, %broadcast_in_dim3A_74 : vector<512x2048xi1>, vector<512x2048xi32>
    %reduce_min3A_76 = arith.constant dense<2147483647> : vector<512xi32>
    %reduce_min3A_77 = vector.multi_reduction <minsi>, %select_n3A_75, %reduce_min3A_76 [1] : vector<512x2048xi32> to vector<512xi32>
    %broadcast_in_dim3A_78 = vector.shape_cast %reduce_min3A_77 : vector<512xi32> to vector<512x1xi32>
    %eq3A_79 = vector.broadcast %broadcast_in_dim3A_78 : vector<512x1xi32> to vector<512x2048xi32>
    %eq3A_80 = arith.cmpi eq, %iota3A, %eq3A_79 : vector<512x2048xi32>
    %jit3A_81 = arith.constant 0x7F800000 : f32
    %broadcast_in_dim3A_82 = vector.broadcast %jit3A_81 : f32 to vector<512x2048xf32>
    %select_n3A_83 = arith.select %eq3A_80, %broadcast_in_dim3A_82, %select_n3A_56 : vector<512x2048xi1>, vector<512x2048xf32>
    %squeeze3A_84 = vector.shape_cast %broadcast_in_dim3A_78 : vector<512x1xi32> to vector<512xi32>
    %mul3A_85 = arith.constant 2048 : i32
    %mul3A_86 = arith.muli %arg0, %mul3A_85 : i32
    %add3A_87 = vector.broadcast %mul3A_86 : i32 to vector<512xi32>
    %add3A_88 = arith.addi %squeeze3A_84, %add3A_87 : vector<512xi32>
    %swap3A_89 = arith.constant 0 : index
    %swap3A_90 = arith.constant 0 : index
    %swap3A_91 = arith.constant 2 : index
    %swap3A_92 = vector.load %arg4[%swap3A_89, %swap3A_90, %swap3A_91] : memref<1x512x16xi32, #tpu.memory_space<vmem>>, vector<1x512x1xi32>
    %swap3A_93 = vector.shape_cast %swap3A_92 : vector<1x512x1xi32> to vector<512xi32>
    %swap3A_94 = vector.shape_cast %add3A_88 : vector<512xi32> to vector<1x512x1xi32>
    tpu.vector_store %arg4[%swap3A_89, %swap3A_90, %swap3A_91], %swap3A_94 {strides = array<i32>} : memref<1x512x16xi32, #tpu.memory_space<vmem>>, vector<1x512x1xi32>,
    %reduce_min3A_95 = arith.constant dense<0x7F800000> : vector<512xf32>
    %reduce_min3A_96 = vector.multi_reduction <minimumf>, %select_n3A_83, %reduce_min3A_95 [1] : vector<512x2048xf32> to vector<512xf32>
    %broadcast_in_dim3A_97 = vector.shape_cast %reduce_min3A_96 : vector<512xf32> to vector<512x1xf32>
    %eq3A_98 = vector.broadcast %broadcast_in_dim3A_97 : vector<512x1xf32> to vector<512x2048xf32>
    %eq3A_99 = arith.cmpf oeq, %select_n3A_83, %eq3A_98 : vector<512x2048xf32>
    %jit3A_100 = arith.constant 2048 : i32
    %broadcast_in_dim3A_101 = vector.broadcast %jit3A_100 : i32 to vector<512x2048xi32>
    %select_n3A_102 = arith.select %eq3A_99, %iota3A, %broadcast_in_dim3A_101 : vector<512x2048xi1>, vector<512x2048xi32>
    %reduce_min3A_103 = arith.constant dense<2147483647> : vector<512xi32>
    %reduce_min3A_104 = vector.multi_reduction <minsi>, %select_n3A_102, %reduce_min3A_103 [1] : vector<512x2048xi32> to vector<512xi32>
    %broadcast_in_dim3A_105 = vector.shape_cast %reduce_min3A_104 : vector<512xi32> to vector<512x1xi32>
    %eq3A_106 = vector.broadcast %broadcast_in_dim3A_105 : vector<512x1xi32> to vector<512x2048xi32>
    %eq3A_107 = arith.cmpi eq, %iota3A, %eq3A_106 : vector<512x2048xi32>
    %jit3A_108 = arith.constant 0x7F800000 : f32
    %broadcast_in_dim3A_109 = vector.broadcast %jit3A_108 : f32 to vector<512x2048xf32>
    %select_n3A_110 = arith.select %eq3A_107, %broadcast_in_dim3A_109, %select_n3A_83 : vector<512x2048xi1>, vector<512x2048xf32>
    %squeeze3A_111 = vector.shape_cast %broadcast_in_dim3A_105 : vector<512x1xi32> to vector<512xi32>
    %mul3A_112 = arith.constant 2048 : i32
    %mul3A_113 = arith.muli %arg0, %mul3A_112 : i32
    %add3A_114 = vector.broadcast %mul3A_113 : i32 to vector<512xi32>
    %add3A_115 = arith.addi %squeeze3A_111, %add3A_114 : vector<512xi32>
    %swap3A_116 = arith.constant 0 : index
    %swap3A_117 = arith.constant 0 : index
    %swap3A_118 = arith.constant 3 : index
    %swap3A_119 = vector.load %arg4[%swap3A_116, %swap3A_117, %swap3A_118] : memref<1x512x16xi32, #tpu.memory_space<vmem>>, vector<1x512x1xi32>
    %swap3A_120 = vector.shape_cast %swap3A_119 : vector<1x512x1xi32> to vector<512xi32>
    %swap3A_121 = vector.shape_cast %add3A_115 : vector<512xi32> to vector<1x512x1xi32>
    tpu.vector_store %arg4[%swap3A_116, %swap3A_117, %swap3A_118], %swap3A_121 {strides = array<i32>} : memref<1x512x16xi32, #tpu.memory_space<vmem>>, vector<1x512x1xi32>,
    %reduce_min3A_122 = arith.constant dense<0x7F800000> : vector<512xf32>
    %reduce_min3A_123 = vector.multi_reduction <minimumf>, %select_n3A_110, %reduce_min3A_122 [1] : vector<512x2048xf32> to vector<512xf32>
    %broadcast_in_dim3A_124 = vector.shape_cast %reduce_min3A_123 : vector<512xf32> to vector<512x1xf32>
    %eq3A_125 = vector.broadcast %broadcast_in_dim3A_124 : vector<512x1xf32> to vector<512x2048xf32>
    %eq3A_126 = arith.cmpf oeq, %select_n3A_110, %eq3A_125 : vector<512x2048xf32>
    %jit3A_127 = arith.constant 2048 : i32
    %broadcast_in_dim3A_128 = vector.broadcast %jit3A_127 : i32 to vector<512x2048xi32>
    %select_n3A_129 = arith.select %eq3A_126, %iota3A, %broadcast_in_dim3A_128 : vector<512x2048xi1>, vector<512x2048xi32>
    %reduce_min3A_130 = arith.constant dense<2147483647> : vector<512xi32>
    %reduce_min3A_131 = vector.multi_reduction <minsi>, %select_n3A_129, %reduce_min3A_130 [1] : vector<512x2048xi32> to vector<512xi32>
    %broadcast_in_dim3A_132 = vector.shape_cast %reduce_min3A_131 : vector<512xi32> to vector<512x1xi32>
    %eq3A_133 = vector.broadcast %broadcast_in_dim3A_132 : vector<512x1xi32> to vector<512x2048xi32>
    %eq3A_134 = arith.cmpi eq, %iota3A, %eq3A_133 : vector<512x2048xi32>
    %jit3A_135 = arith.constant 0x7F800000 : f32
    %broadcast_in_dim3A_136 = vector.broadcast %jit3A_135 : f32 to vector<512x2048xf32>
    %select_n3A_137 = arith.select %eq3A_134, %broadcast_in_dim3A_136, %select_n3A_110 : vector<512x2048xi1>, vector<512x2048xf32>
    %squeeze3A_138 = vector.shape_cast %broadcast_in_dim3A_132 : vector<512x1xi32> to vector<512xi32>
    %mul3A_139 = arith.constant 2048 : i32
    %mul3A_140 = arith.muli %arg0, %mul3A_139 : i32
    %add3A_141 = vector.broadcast %mul3A_140 : i32 to vector<512xi32>
    %add3A_142 = arith.addi %squeeze3A_138, %add3A_141 : vector<512xi32>
    %swap3A_143 = arith.constant 0 : index
    %swap3A_144 = arith.constant 0 : index
    %swap3A_145 = arith.constant 4 : index
    %swap3A_146 = vector.load %arg4[%swap3A_143, %swap3A_144, %swap3A_145] : memref<1x512x16xi32, #tpu.memory_space<vmem>>, vector<1x512x1xi32>
    %swap3A_147 = vector.shape_cast %swap3A_146 : vector<1x512x1xi32> to vector<512xi32>
    %swap3A_148 = vector.shape_cast %add3A_142 : vector<512xi32> to vector<1x512x1xi32>
    tpu.vector_store %arg4[%swap3A_143, %swap3A_144, %swap3A_145], %swap3A_148 {strides = array<i32>} : memref<1x512x16xi32, #tpu.memory_space<vmem>>, vector<1x512x1xi32>,
    %reduce_min3A_149 = arith.constant dense<0x7F800000> : vector<512xf32>
    %reduce_min3A_150 = vector.multi_reduction <minimumf>, %select_n3A_137, %reduce_min3A_149 [1] : vector<512x2048xf32> to vector<512xf32>
    %broadcast_in_dim3A_151 = vector.shape_cast %reduce_min3A_150 : vector<512xf32> to vector<512x1xf32>
    %eq3A_152 = vector.broadcast %broadcast_in_dim3A_151 : vector<512x1xf32> to vector<512x2048xf32>
    %eq3A_153 = arith.cmpf oeq, %select_n3A_137, %eq3A_152 : vector<512x2048xf32>
    %jit3A_154 = arith.constant 2048 : i32
    %broadcast_in_dim3A_155 = vector.broadcast %jit3A_154 : i32 to vector<512x2048xi32>
    %select_n3A_156 = arith.select %eq3A_153, %iota3A, %broadcast_in_dim3A_155 : vector<512x2048xi1>, vector<512x2048xi32>
    %reduce_min3A_157 = arith.constant dense<2147483647> : vector<512xi32>
    %reduce_min3A_158 = vector.multi_reduction <minsi>, %select_n3A_156, %reduce_min3A_157 [1] : vector<512x2048xi32> to vector<512xi32>
    %broadcast_in_dim3A_159 = vector.shape_cast %reduce_min3A_158 : vector<512xi32> to vector<512x1xi32>
    %eq3A_160 = vector.broadcast %broadcast_in_dim3A_159 : vector<512x1xi32> to vector<512x2048xi32>
    %eq3A_161 = arith.cmpi eq, %iota3A, %eq3A_160 : vector<512x2048xi32>
    %jit3A_162 = arith.constant 0x7F800000 : f32
    %broadcast_in_dim3A_163 = vector.broadcast %jit3A_162 : f32 to vector<512x2048xf32>
    %select_n3A_164 = arith.select %eq3A_161, %broadcast_in_dim3A_163, %select_n3A_137 : vector<512x2048xi1>, vector<512x2048xf32>
    %squeeze3A_165 = vector.shape_cast %broadcast_in_dim3A_159 : vector<512x1xi32> to vector<512xi32>
    %mul3A_166 = arith.constant 2048 : i32
    %mul3A_167 = arith.muli %arg0, %mul3A_166 : i32
    %add3A_168 = vector.broadcast %mul3A_167 : i32 to vector<512xi32>
    %add3A_169 = arith.addi %squeeze3A_165, %add3A_168 : vector<512xi32>
    %swap3A_170 = arith.constant 0 : index
    %swap3A_171 = arith.constant 0 : index
    %swap3A_172 = arith.constant 5 : index
    %swap3A_173 = vector.load %arg4[%swap3A_170, %swap3A_171, %swap3A_172] : memref<1x512x16xi32, #tpu.memory_space<vmem>>, vector<1x512x1xi32>
    %swap3A_174 = vector.shape_cast %swap3A_173 : vector<1x512x1xi32> to vector<512xi32>
    %swap3A_175 = vector.shape_cast %add3A_169 : vector<512xi32> to vector<1x512x1xi32>
    tpu.vector_store %arg4[%swap3A_170, %swap3A_171, %swap3A_172], %swap3A_175 {strides = array<i32>} : memref<1x512x16xi32, #tpu.memory_space<vmem>>, vector<1x512x1xi32>,
    %reduce_min3A_176 = arith.constant dense<0x7F800000> : vector<512xf32>
    %reduce_min3A_177 = vector.multi_reduction <minimumf>, %select_n3A_164, %reduce_min3A_176 [1] : vector<512x2048xf32> to vector<512xf32>
    %broadcast_in_dim3A_178 = vector.shape_cast %reduce_min3A_177 : vector<512xf32> to vector<512x1xf32>
    %eq3A_179 = vector.broadcast %broadcast_in_dim3A_178 : vector<512x1xf32> to vector<512x2048xf32>
    %eq3A_180 = arith.cmpf oeq, %select_n3A_164, %eq3A_179 : vector<512x2048xf32>
    %jit3A_181 = arith.constant 2048 : i32
    %broadcast_in_dim3A_182 = vector.broadcast %jit3A_181 : i32 to vector<512x2048xi32>
    %select_n3A_183 = arith.select %eq3A_180, %iota3A, %broadcast_in_dim3A_182 : vector<512x2048xi1>, vector<512x2048xi32>
    %reduce_min3A_184 = arith.constant dense<2147483647> : vector<512xi32>
    %reduce_min3A_185 = vector.multi_reduction <minsi>, %select_n3A_183, %reduce_min3A_184 [1] : vector<512x2048xi32> to vector<512xi32>
    %broadcast_in_dim3A_186 = vector.shape_cast %reduce_min3A_185 : vector<512xi32> to vector<512x1xi32>
    %eq3A_187 = vector.broadcast %broadcast_in_dim3A_186 : vector<512x1xi32> to vector<512x2048xi32>
    %eq3A_188 = arith.cmpi eq, %iota3A, %eq3A_187 : vector<512x2048xi32>
    %jit3A_189 = arith.constant 0x7F800000 : f32
    %broadcast_in_dim3A_190 = vector.broadcast %jit3A_189 : f32 to vector<512x2048xf32>
    %select_n3A_191 = arith.select %eq3A_188, %broadcast_in_dim3A_190, %select_n3A_164 : vector<512x2048xi1>, vector<512x2048xf32>
    %squeeze3A_192 = vector.shape_cast %broadcast_in_dim3A_186 : vector<512x1xi32> to vector<512xi32>
    %mul3A_193 = arith.constant 2048 : i32
    %mul3A_194 = arith.muli %arg0, %mul3A_193 : i32
    %add3A_195 = vector.broadcast %mul3A_194 : i32 to vector<512xi32>
    %add3A_196 = arith.addi %squeeze3A_192, %add3A_195 : vector<512xi32>
    %swap3A_197 = arith.constant 0 : index
    %swap3A_198 = arith.constant 0 : index
    %swap3A_199 = arith.constant 6 : index
    %swap3A_200 = vector.load %arg4[%swap3A_197, %swap3A_198, %swap3A_199] : memref<1x512x16xi32, #tpu.memory_space<vmem>>, vector<1x512x1xi32>
    %swap3A_201 = vector.shape_cast %swap3A_200 : vector<1x512x1xi32> to vector<512xi32>
    %swap3A_202 = vector.shape_cast %add3A_196 : vector<512xi32> to vector<1x512x1xi32>
    tpu.vector_store %arg4[%swap3A_197, %swap3A_198, %swap3A_199], %swap3A_202 {strides = array<i32>} : memref<1x512x16xi32, #tpu.memory_space<vmem>>, vector<1x512x1xi32>,
    %reduce_min3A_203 = arith.constant dense<0x7F800000> : vector<512xf32>
    %reduce_min3A_204 = vector.multi_reduction <minimumf>, %select_n3A_191, %reduce_min3A_203 [1] : vector<512x2048xf32> to vector<512xf32>
    %broadcast_in_dim3A_205 = vector.shape_cast %reduce_min3A_204 : vector<512xf32> to vector<512x1xf32>
    %eq3A_206 = vector.broadcast %broadcast_in_dim3A_205 : vector<512x1xf32> to vector<512x2048xf32>
    %eq3A_207 = arith.cmpf oeq, %select_n3A_191, %eq3A_206 : vector<512x2048xf32>
    %jit3A_208 = arith.constant 2048 : i32
    %broadcast_in_dim3A_209 = vector.broadcast %jit3A_208 : i32 to vector<512x2048xi32>
    %select_n3A_210 = arith.select %eq3A_207, %iota3A, %broadcast_in_dim3A_209 : vector<512x2048xi1>, vector<512x2048xi32>
    %reduce_min3A_211 = arith.constant dense<2147483647> : vector<512xi32>
    %reduce_min3A_212 = vector.multi_reduction <minsi>, %select_n3A_210, %reduce_min3A_211 [1] : vector<512x2048xi32> to vector<512xi32>
    %broadcast_in_dim3A_213 = vector.shape_cast %reduce_min3A_212 : vector<512xi32> to vector<512x1xi32>
    %eq3A_214 = vector.broadcast %broadcast_in_dim3A_213 : vector<512x1xi32> to vector<512x2048xi32>
    %eq3A_215 = arith.cmpi eq, %iota3A, %eq3A_214 : vector<512x2048xi32>
    %jit3A_216 = arith.constant 0x7F800000 : f32
    %broadcast_in_dim3A_217 = vector.broadcast %jit3A_216 : f32 to vector<512x2048xf32>
    %select_n3A_218 = arith.select %eq3A_215, %broadcast_in_dim3A_217, %select_n3A_191 : vector<512x2048xi1>, vector<512x2048xf32>
    %squeeze3A_219 = vector.shape_cast %broadcast_in_dim3A_213 : vector<512x1xi32> to vector<512xi32>
    %mul3A_220 = arith.constant 2048 : i32
    %mul3A_221 = arith.muli %arg0, %mul3A_220 : i32
    %add3A_222 = vector.broadcast %mul3A_221 : i32 to vector<512xi32>
    %add3A_223 = arith.addi %squeeze3A_219, %add3A_222 : vector<512xi32>
    %swap3A_224 = arith.constant 0 : index
    %swap3A_225 = arith.constant 0 : index
    %swap3A_226 = arith.constant 7 : index
    %swap3A_227 = vector.load %arg4[%swap3A_224, %swap3A_225, %swap3A_226] : memref<1x512x16xi32, #tpu.memory_space<vmem>>, vector<1x512x1xi32>
    %swap3A_228 = vector.shape_cast %swap3A_227 : vector<1x512x1xi32> to vector<512xi32>
    %swap3A_229 = vector.shape_cast %add3A_223 : vector<512xi32> to vector<1x512x1xi32>
    tpu.vector_store %arg4[%swap3A_224, %swap3A_225, %swap3A_226], %swap3A_229 {strides = array<i32>} : memref<1x512x16xi32, #tpu.memory_space<vmem>>, vector<1x512x1xi32>,
    %reduce_min3A_230 = arith.constant dense<0x7F800000> : vector<512xf32>
    %reduce_min3A_231 = vector.multi_reduction <minimumf>, %select_n3A_218, %reduce_min3A_230 [1] : vector<512x2048xf32> to vector<512xf32>
    %broadcast_in_dim3A_232 = vector.shape_cast %reduce_min3A_231 : vector<512xf32> to vector<512x1xf32>
    %eq3A_233 = vector.broadcast %broadcast_in_dim3A_232 : vector<512x1xf32> to vector<512x2048xf32>
    %eq3A_234 = arith.cmpf oeq, %select_n3A_218, %eq3A_233 : vector<512x2048xf32>
    %jit3A_235 = arith.constant 2048 : i32
    %broadcast_in_dim3A_236 = vector.broadcast %jit3A_235 : i32 to vector<512x2048xi32>
    %select_n3A_237 = arith.select %eq3A_234, %iota3A, %broadcast_in_dim3A_236 : vector<512x2048xi1>, vector<512x2048xi32>
    %reduce_min3A_238 = arith.constant dense<2147483647> : vector<512xi32>
    %reduce_min3A_239 = vector.multi_reduction <minsi>, %select_n3A_237, %reduce_min3A_238 [1] : vector<512x2048xi32> to vector<512xi32>
    %broadcast_in_dim3A_240 = vector.shape_cast %reduce_min3A_239 : vector<512xi32> to vector<512x1xi32>
    %eq3A_241 = vector.broadcast %broadcast_in_dim3A_240 : vector<512x1xi32> to vector<512x2048xi32>
    %eq3A_242 = arith.cmpi eq, %iota3A, %eq3A_241 : vector<512x2048xi32>
    %jit3A_243 = arith.constant 0x7F800000 : f32
    %broadcast_in_dim3A_244 = vector.broadcast %jit3A_243 : f32 to vector<512x2048xf32>
    %select_n3A_245 = arith.select %eq3A_242, %broadcast_in_dim3A_244, %select_n3A_218 : vector<512x2048xi1>, vector<512x2048xf32>
    %squeeze3A_246 = vector.shape_cast %broadcast_in_dim3A_240 : vector<512x1xi32> to vector<512xi32>
    %mul3A_247 = arith.constant 2048 : i32
    %mul3A_248 = arith.muli %arg0, %mul3A_247 : i32
    %add3A_249 = vector.broadcast %mul3A_248 : i32 to vector<512xi32>
    %add3A_250 = arith.addi %squeeze3A_246, %add3A_249 : vector<512xi32>
    %swap3A_251 = arith.constant 0 : index
    %swap3A_252 = arith.constant 0 : index
    %swap3A_253 = arith.constant 8 : index
    %swap3A_254 = vector.load %arg4[%swap3A_251, %swap3A_252, %swap3A_253] : memref<1x512x16xi32, #tpu.memory_space<vmem>>, vector<1x512x1xi32>
    %swap3A_255 = vector.shape_cast %swap3A_254 : vector<1x512x1xi32> to vector<512xi32>
    %swap3A_256 = vector.shape_cast %add3A_250 : vector<512xi32> to vector<1x512x1xi32>
    tpu.vector_store %arg4[%swap3A_251, %swap3A_252, %swap3A_253], %swap3A_256 {strides = array<i32>} : memref<1x512x16xi32, #tpu.memory_space<vmem>>, vector<1x512x1xi32>,
    %reduce_min3A_257 = arith.constant dense<0x7F800000> : vector<512xf32>
    %reduce_min3A_258 = vector.multi_reduction <minimumf>, %select_n3A_245, %reduce_min3A_257 [1] : vector<512x2048xf32> to vector<512xf32>
    %broadcast_in_dim3A_259 = vector.shape_cast %reduce_min3A_258 : vector<512xf32> to vector<512x1xf32>
    %eq3A_260 = vector.broadcast %broadcast_in_dim3A_259 : vector<512x1xf32> to vector<512x2048xf32>
    %eq3A_261 = arith.cmpf oeq, %select_n3A_245, %eq3A_260 : vector<512x2048xf32>
    %jit3A_262 = arith.constant 2048 : i32
    %broadcast_in_dim3A_263 = vector.broadcast %jit3A_262 : i32 to vector<512x2048xi32>
    %select_n3A_264 = arith.select %eq3A_261, %iota3A, %broadcast_in_dim3A_263 : vector<512x2048xi1>, vector<512x2048xi32>
    %reduce_min3A_265 = arith.constant dense<2147483647> : vector<512xi32>
    %reduce_min3A_266 = vector.multi_reduction <minsi>, %select_n3A_264, %reduce_min3A_265 [1] : vector<512x2048xi32> to vector<512xi32>
    %broadcast_in_dim3A_267 = vector.shape_cast %reduce_min3A_266 : vector<512xi32> to vector<512x1xi32>
    %eq3A_268 = vector.broadcast %broadcast_in_dim3A_267 : vector<512x1xi32> to vector<512x2048xi32>
    %eq3A_269 = arith.cmpi eq, %iota3A, %eq3A_268 : vector<512x2048xi32>
    %jit3A_270 = arith.constant 0x7F800000 : f32
    %broadcast_in_dim3A_271 = vector.broadcast %jit3A_270 : f32 to vector<512x2048xf32>
    %select_n3A_272 = arith.select %eq3A_269, %broadcast_in_dim3A_271, %select_n3A_245 : vector<512x2048xi1>, vector<512x2048xf32>
    %squeeze3A_273 = vector.shape_cast %broadcast_in_dim3A_267 : vector<512x1xi32> to vector<512xi32>
    %mul3A_274 = arith.constant 2048 : i32
    %mul3A_275 = arith.muli %arg0, %mul3A_274 : i32
    %add3A_276 = vector.broadcast %mul3A_275 : i32 to vector<512xi32>
    %add3A_277 = arith.addi %squeeze3A_273, %add3A_276 : vector<512xi32>
    %swap3A_278 = arith.constant 0 : index
    %swap3A_279 = arith.constant 0 : index
    %swap3A_280 = arith.constant 9 : index
    %swap3A_281 = vector.load %arg4[%swap3A_278, %swap3A_279, %swap3A_280] : memref<1x512x16xi32, #tpu.memory_space<vmem>>, vector<1x512x1xi32>
    %swap3A_282 = vector.shape_cast %swap3A_281 : vector<1x512x1xi32> to vector<512xi32>
    %swap3A_283 = vector.shape_cast %add3A_277 : vector<512xi32> to vector<1x512x1xi32>
    tpu.vector_store %arg4[%swap3A_278, %swap3A_279, %swap3A_280], %swap3A_283 {strides = array<i32>} : memref<1x512x16xi32, #tpu.memory_space<vmem>>, vector<1x512x1xi32>,
    %reduce_min3A_284 = arith.constant dense<0x7F800000> : vector<512xf32>
    %reduce_min3A_285 = vector.multi_reduction <minimumf>, %select_n3A_272, %reduce_min3A_284 [1] : vector<512x2048xf32> to vector<512xf32>
    %broadcast_in_dim3A_286 = vector.shape_cast %reduce_min3A_285 : vector<512xf32> to vector<512x1xf32>
    %eq3A_287 = vector.broadcast %broadcast_in_dim3A_286 : vector<512x1xf32> to vector<512x2048xf32>
    %eq3A_288 = arith.cmpf oeq, %select_n3A_272, %eq3A_287 : vector<512x2048xf32>
    %jit3A_289 = arith.constant 2048 : i32
    %broadcast_in_dim3A_290 = vector.broadcast %jit3A_289 : i32 to vector<512x2048xi32>
    %select_n3A_291 = arith.select %eq3A_288, %iota3A, %broadcast_in_dim3A_290 : vector<512x2048xi1>, vector<512x2048xi32>
    %reduce_min3A_292 = arith.constant dense<2147483647> : vector<512xi32>
    %reduce_min3A_293 = vector.multi_reduction <minsi>, %select_n3A_291, %reduce_min3A_292 [1] : vector<512x2048xi32> to vector<512xi32>
    %broadcast_in_dim3A_294 = vector.shape_cast %reduce_min3A_293 : vector<512xi32> to vector<512x1xi32>
    %eq3A_295 = vector.broadcast %broadcast_in_dim3A_294 : vector<512x1xi32> to vector<512x2048xi32>
    %eq3A_296 = arith.cmpi eq, %iota3A, %eq3A_295 : vector<512x2048xi32>
    %jit3A_297 = arith.constant 0x7F800000 : f32
    %broadcast_in_dim3A_298 = vector.broadcast %jit3A_297 : f32 to vector<512x2048xf32>
    %select_n3A_299 = arith.select %eq3A_296, %broadcast_in_dim3A_298, %select_n3A_272 : vector<512x2048xi1>, vector<512x2048xf32>
    %squeeze3A_300 = vector.shape_cast %broadcast_in_dim3A_294 : vector<512x1xi32> to vector<512xi32>
    %mul3A_301 = arith.constant 2048 : i32
    %mul3A_302 = arith.muli %arg0, %mul3A_301 : i32
    %add3A_303 = vector.broadcast %mul3A_302 : i32 to vector<512xi32>
    %add3A_304 = arith.addi %squeeze3A_300, %add3A_303 : vector<512xi32>
    %swap3A_305 = arith.constant 0 : index
    %swap3A_306 = arith.constant 0 : index
    %swap3A_307 = arith.constant 10 : index
    %swap3A_308 = vector.load %arg4[%swap3A_305, %swap3A_306, %swap3A_307] : memref<1x512x16xi32, #tpu.memory_space<vmem>>, vector<1x512x1xi32>
    %swap3A_309 = vector.shape_cast %swap3A_308 : vector<1x512x1xi32> to vector<512xi32>
    %swap3A_310 = vector.shape_cast %add3A_304 : vector<512xi32> to vector<1x512x1xi32>
    tpu.vector_store %arg4[%swap3A_305, %swap3A_306, %swap3A_307], %swap3A_310 {strides = array<i32>} : memref<1x512x16xi32, #tpu.memory_space<vmem>>, vector<1x512x1xi32>,
    %reduce_min3A_311 = arith.constant dense<0x7F800000> : vector<512xf32>
    %reduce_min3A_312 = vector.multi_reduction <minimumf>, %select_n3A_299, %reduce_min3A_311 [1] : vector<512x2048xf32> to vector<512xf32>
    %broadcast_in_dim3A_313 = vector.shape_cast %reduce_min3A_312 : vector<512xf32> to vector<512x1xf32>
    %eq3A_314 = vector.broadcast %broadcast_in_dim3A_313 : vector<512x1xf32> to vector<512x2048xf32>
    %eq3A_315 = arith.cmpf oeq, %select_n3A_299, %eq3A_314 : vector<512x2048xf32>
    %jit3A_316 = arith.constant 2048 : i32
    %broadcast_in_dim3A_317 = vector.broadcast %jit3A_316 : i32 to vector<512x2048xi32>
    %select_n3A_318 = arith.select %eq3A_315, %iota3A, %broadcast_in_dim3A_317 : vector<512x2048xi1>, vector<512x2048xi32>
    %reduce_min3A_319 = arith.constant dense<2147483647> : vector<512xi32>
    %reduce_min3A_320 = vector.multi_reduction <minsi>, %select_n3A_318, %reduce_min3A_319 [1] : vector<512x2048xi32> to vector<512xi32>
    %broadcast_in_dim3A_321 = vector.shape_cast %reduce_min3A_320 : vector<512xi32> to vector<512x1xi32>
    %eq3A_322 = vector.broadcast %broadcast_in_dim3A_321 : vector<512x1xi32> to vector<512x2048xi32>
    %eq3A_323 = arith.cmpi eq, %iota3A, %eq3A_322 : vector<512x2048xi32>
    %jit3A_324 = arith.constant 0x7F800000 : f32
    %broadcast_in_dim3A_325 = vector.broadcast %jit3A_324 : f32 to vector<512x2048xf32>
    %select_n3A_326 = arith.select %eq3A_323, %broadcast_in_dim3A_325, %select_n3A_299 : vector<512x2048xi1>, vector<512x2048xf32>
    %squeeze3A_327 = vector.shape_cast %broadcast_in_dim3A_321 : vector<512x1xi32> to vector<512xi32>
    %mul3A_328 = arith.constant 2048 : i32
    %mul3A_329 = arith.muli %arg0, %mul3A_328 : i32
    %add3A_330 = vector.broadcast %mul3A_329 : i32 to vector<512xi32>
    %add3A_331 = arith.addi %squeeze3A_327, %add3A_330 : vector<512xi32>
    %swap3A_332 = arith.constant 0 : index
    %swap3A_333 = arith.constant 0 : index
    %swap3A_334 = arith.constant 11 : index
    %swap3A_335 = vector.load %arg4[%swap3A_332, %swap3A_333, %swap3A_334] : memref<1x512x16xi32, #tpu.memory_space<vmem>>, vector<1x512x1xi32>
    %swap3A_336 = vector.shape_cast %swap3A_335 : vector<1x512x1xi32> to vector<512xi32>
    %swap3A_337 = vector.shape_cast %add3A_331 : vector<512xi32> to vector<1x512x1xi32>
    tpu.vector_store %arg4[%swap3A_332, %swap3A_333, %swap3A_334], %swap3A_337 {strides = array<i32>} : memref<1x512x16xi32, #tpu.memory_space<vmem>>, vector<1x512x1xi32>,
    %reduce_min3A_338 = arith.constant dense<0x7F800000> : vector<512xf32>
    %reduce_min3A_339 = vector.multi_reduction <minimumf>, %select_n3A_326, %reduce_min3A_338 [1] : vector<512x2048xf32> to vector<512xf32>
    %broadcast_in_dim3A_340 = vector.shape_cast %reduce_min3A_339 : vector<512xf32> to vector<512x1xf32>
    %eq3A_341 = vector.broadcast %broadcast_in_dim3A_340 : vector<512x1xf32> to vector<512x2048xf32>
    %eq3A_342 = arith.cmpf oeq, %select_n3A_326, %eq3A_341 : vector<512x2048xf32>
    %jit3A_343 = arith.constant 2048 : i32
    %broadcast_in_dim3A_344 = vector.broadcast %jit3A_343 : i32 to vector<512x2048xi32>
    %select_n3A_345 = arith.select %eq3A_342, %iota3A, %broadcast_in_dim3A_344 : vector<512x2048xi1>, vector<512x2048xi32>
    %reduce_min3A_346 = arith.constant dense<2147483647> : vector<512xi32>
    %reduce_min3A_347 = vector.multi_reduction <minsi>, %select_n3A_345, %reduce_min3A_346 [1] : vector<512x2048xi32> to vector<512xi32>
    %broadcast_in_dim3A_348 = vector.shape_cast %reduce_min3A_347 : vector<512xi32> to vector<512x1xi32>
    %eq3A_349 = vector.broadcast %broadcast_in_dim3A_348 : vector<512x1xi32> to vector<512x2048xi32>
    %eq3A_350 = arith.cmpi eq, %iota3A, %eq3A_349 : vector<512x2048xi32>
    %jit3A_351 = arith.constant 0x7F800000 : f32
    %broadcast_in_dim3A_352 = vector.broadcast %jit3A_351 : f32 to vector<512x2048xf32>
    %select_n3A_353 = arith.select %eq3A_350, %broadcast_in_dim3A_352, %select_n3A_326 : vector<512x2048xi1>, vector<512x2048xf32>
    %squeeze3A_354 = vector.shape_cast %broadcast_in_dim3A_348 : vector<512x1xi32> to vector<512xi32>
    %mul3A_355 = arith.constant 2048 : i32
    %mul3A_356 = arith.muli %arg0, %mul3A_355 : i32
    %add3A_357 = vector.broadcast %mul3A_356 : i32 to vector<512xi32>
    %add3A_358 = arith.addi %squeeze3A_354, %add3A_357 : vector<512xi32>
    %swap3A_359 = arith.constant 0 : index
    %swap3A_360 = arith.constant 0 : index
    %swap3A_361 = arith.constant 12 : index
    %swap3A_362 = vector.load %arg4[%swap3A_359, %swap3A_360, %swap3A_361] : memref<1x512x16xi32, #tpu.memory_space<vmem>>, vector<1x512x1xi32>
    %swap3A_363 = vector.shape_cast %swap3A_362 : vector<1x512x1xi32> to vector<512xi32>
    %swap3A_364 = vector.shape_cast %add3A_358 : vector<512xi32> to vector<1x512x1xi32>
    tpu.vector_store %arg4[%swap3A_359, %swap3A_360, %swap3A_361], %swap3A_364 {strides = array<i32>} : memref<1x512x16xi32, #tpu.memory_space<vmem>>, vector<1x512x1xi32>,
    %reduce_min3A_365 = arith.constant dense<0x7F800000> : vector<512xf32>
    %reduce_min3A_366 = vector.multi_reduction <minimumf>, %select_n3A_353, %reduce_min3A_365 [1] : vector<512x2048xf32> to vector<512xf32>
    %broadcast_in_dim3A_367 = vector.shape_cast %reduce_min3A_366 : vector<512xf32> to vector<512x1xf32>
    %eq3A_368 = vector.broadcast %broadcast_in_dim3A_367 : vector<512x1xf32> to vector<512x2048xf32>
    %eq3A_369 = arith.cmpf oeq, %select_n3A_353, %eq3A_368 : vector<512x2048xf32>
    %jit3A_370 = arith.constant 2048 : i32
    %broadcast_in_dim3A_371 = vector.broadcast %jit3A_370 : i32 to vector<512x2048xi32>
    %select_n3A_372 = arith.select %eq3A_369, %iota3A, %broadcast_in_dim3A_371 : vector<512x2048xi1>, vector<512x2048xi32>
    %reduce_min3A_373 = arith.constant dense<2147483647> : vector<512xi32>
    %reduce_min3A_374 = vector.multi_reduction <minsi>, %select_n3A_372, %reduce_min3A_373 [1] : vector<512x2048xi32> to vector<512xi32>
    %broadcast_in_dim3A_375 = vector.shape_cast %reduce_min3A_374 : vector<512xi32> to vector<512x1xi32>
    %eq3A_376 = vector.broadcast %broadcast_in_dim3A_375 : vector<512x1xi32> to vector<512x2048xi32>
    %eq3A_377 = arith.cmpi eq, %iota3A, %eq3A_376 : vector<512x2048xi32>
    %jit3A_378 = arith.constant 0x7F800000 : f32
    %broadcast_in_dim3A_379 = vector.broadcast %jit3A_378 : f32 to vector<512x2048xf32>
    %select_n3A_380 = arith.select %eq3A_377, %broadcast_in_dim3A_379, %select_n3A_353 : vector<512x2048xi1>, vector<512x2048xf32>
    %squeeze3A_381 = vector.shape_cast %broadcast_in_dim3A_375 : vector<512x1xi32> to vector<512xi32>
    %mul3A_382 = arith.constant 2048 : i32
    %mul3A_383 = arith.muli %arg0, %mul3A_382 : i32
    %add3A_384 = vector.broadcast %mul3A_383 : i32 to vector<512xi32>
    %add3A_385 = arith.addi %squeeze3A_381, %add3A_384 : vector<512xi32>
    %swap3A_386 = arith.constant 0 : index
    %swap3A_387 = arith.constant 0 : index
    %swap3A_388 = arith.constant 13 : index
    %swap3A_389 = vector.load %arg4[%swap3A_386, %swap3A_387, %swap3A_388] : memref<1x512x16xi32, #tpu.memory_space<vmem>>, vector<1x512x1xi32>
    %swap3A_390 = vector.shape_cast %swap3A_389 : vector<1x512x1xi32> to vector<512xi32>
    %swap3A_391 = vector.shape_cast %add3A_385 : vector<512xi32> to vector<1x512x1xi32>
    tpu.vector_store %arg4[%swap3A_386, %swap3A_387, %swap3A_388], %swap3A_391 {strides = array<i32>} : memref<1x512x16xi32, #tpu.memory_space<vmem>>, vector<1x512x1xi32>,
    %reduce_min3A_392 = arith.constant dense<0x7F800000> : vector<512xf32>
    %reduce_min3A_393 = vector.multi_reduction <minimumf>, %select_n3A_380, %reduce_min3A_392 [1] : vector<512x2048xf32> to vector<512xf32>
    %broadcast_in_dim3A_394 = vector.shape_cast %reduce_min3A_393 : vector<512xf32> to vector<512x1xf32>
    %eq3A_395 = vector.broadcast %broadcast_in_dim3A_394 : vector<512x1xf32> to vector<512x2048xf32>
    %eq3A_396 = arith.cmpf oeq, %select_n3A_380, %eq3A_395 : vector<512x2048xf32>
    %jit3A_397 = arith.constant 2048 : i32
    %broadcast_in_dim3A_398 = vector.broadcast %jit3A_397 : i32 to vector<512x2048xi32>
    %select_n3A_399 = arith.select %eq3A_396, %iota3A, %broadcast_in_dim3A_398 : vector<512x2048xi1>, vector<512x2048xi32>
    %reduce_min3A_400 = arith.constant dense<2147483647> : vector<512xi32>
    %reduce_min3A_401 = vector.multi_reduction <minsi>, %select_n3A_399, %reduce_min3A_400 [1] : vector<512x2048xi32> to vector<512xi32>
    %broadcast_in_dim3A_402 = vector.shape_cast %reduce_min3A_401 : vector<512xi32> to vector<512x1xi32>
    %eq3A_403 = vector.broadcast %broadcast_in_dim3A_402 : vector<512x1xi32> to vector<512x2048xi32>
    %eq3A_404 = arith.cmpi eq, %iota3A, %eq3A_403 : vector<512x2048xi32>
    %jit3A_405 = arith.constant 0x7F800000 : f32
    %broadcast_in_dim3A_406 = vector.broadcast %jit3A_405 : f32 to vector<512x2048xf32>
    %select_n3A_407 = arith.select %eq3A_404, %broadcast_in_dim3A_406, %select_n3A_380 : vector<512x2048xi1>, vector<512x2048xf32>
    %squeeze3A_408 = vector.shape_cast %broadcast_in_dim3A_402 : vector<512x1xi32> to vector<512xi32>
    %mul3A_409 = arith.constant 2048 : i32
    %mul3A_410 = arith.muli %arg0, %mul3A_409 : i32
    %add3A_411 = vector.broadcast %mul3A_410 : i32 to vector<512xi32>
    %add3A_412 = arith.addi %squeeze3A_408, %add3A_411 : vector<512xi32>
    %swap3A_413 = arith.constant 0 : index
    %swap3A_414 = arith.constant 0 : index
    %swap3A_415 = arith.constant 14 : index
    %swap3A_416 = vector.load %arg4[%swap3A_413, %swap3A_414, %swap3A_415] : memref<1x512x16xi32, #tpu.memory_space<vmem>>, vector<1x512x1xi32>
    %swap3A_417 = vector.shape_cast %swap3A_416 : vector<1x512x1xi32> to vector<512xi32>
    %swap3A_418 = vector.shape_cast %add3A_412 : vector<512xi32> to vector<1x512x1xi32>
    tpu.vector_store %arg4[%swap3A_413, %swap3A_414, %swap3A_415], %swap3A_418 {strides = array<i32>} : memref<1x512x16xi32, #tpu.memory_space<vmem>>, vector<1x512x1xi32>,
    %reduce_min3A_419 = arith.constant dense<0x7F800000> : vector<512xf32>
    %reduce_min3A_420 = vector.multi_reduction <minimumf>, %select_n3A_407, %reduce_min3A_419 [1] : vector<512x2048xf32> to vector<512xf32>
    %broadcast_in_dim3A_421 = vector.shape_cast %reduce_min3A_420 : vector<512xf32> to vector<512x1xf32>
    %eq3A_422 = vector.broadcast %broadcast_in_dim3A_421 : vector<512x1xf32> to vector<512x2048xf32>
    %eq3A_423 = arith.cmpf oeq, %select_n3A_407, %eq3A_422 : vector<512x2048xf32>
    %jit3A_424 = arith.constant 2048 : i32
    %broadcast_in_dim3A_425 = vector.broadcast %jit3A_424 : i32 to vector<512x2048xi32>
    %select_n3A_426 = arith.select %eq3A_423, %iota3A, %broadcast_in_dim3A_425 : vector<512x2048xi1>, vector<512x2048xi32>
    %reduce_min3A_427 = arith.constant dense<2147483647> : vector<512xi32>
    %reduce_min3A_428 = vector.multi_reduction <minsi>, %select_n3A_426, %reduce_min3A_427 [1] : vector<512x2048xi32> to vector<512xi32>
    %broadcast_in_dim3A_429 = vector.shape_cast %reduce_min3A_428 : vector<512xi32> to vector<512x1xi32>
    %squeeze3A_430 = vector.shape_cast %broadcast_in_dim3A_429 : vector<512x1xi32> to vector<512xi32>
    %mul3A_431 = arith.constant 2048 : i32
    %mul3A_432 = arith.muli %arg0, %mul3A_431 : i32
    %add3A_433 = vector.broadcast %mul3A_432 : i32 to vector<512xi32>
    %add3A_434 = arith.addi %squeeze3A_430, %add3A_433 : vector<512xi32>
    %swap3A_435 = arith.constant 0 : index
    %swap3A_436 = arith.constant 0 : index
    %swap3A_437 = arith.constant 15 : index
    %swap3A_438 = vector.load %arg4[%swap3A_435, %swap3A_436, %swap3A_437] : memref<1x512x16xi32, #tpu.memory_space<vmem>>, vector<1x512x1xi32>
    %swap3A_439 = vector.shape_cast %swap3A_438 : vector<1x512x1xi32> to vector<512xi32>
    %swap3A_440 = vector.shape_cast %add3A_434 : vector<512xi32> to vector<1x512x1xi32>
    tpu.vector_store %arg4[%swap3A_435, %swap3A_436, %swap3A_437], %swap3A_440 {strides = array<i32>} : memref<1x512x16xi32, #tpu.memory_space<vmem>>, vector<1x512x1xi32>,
    return
  }
  func.func @transform_0(%arg0: i32, %arg1: i32) -> (i32, i32, i32) {
    %c0_i32 = arith.constant 0 : i32
    %c0_i32_0 = arith.constant 0 : i32
    return %arg0, %arg1, %c0_i32 : i32, i32, i32
  }
  func.func @transform_1(%arg0: i32, %arg1: i32) -> (i32, i32, i32) {
    %c0_i32 = arith.constant 0 : i32
    %c0_i32_0 = arith.constant 0 : i32
    %c0_i32_1 = arith.constant 0 : i32
    return %arg0, %c0_i32, %c0_i32_0 : i32, i32, i32
  }
  func.func @transform_2(%arg0: i32, %arg1: i32) -> (i32, i32, i32) {
    %c0_i32 = arith.constant 0 : i32
    %c0_i32_0 = arith.constant 0 : i32
    return %arg0, %arg1, %c0_i32 : i32, i32, i32
  }
}

module attributes {stable_mosaic.version = 14 : i64} {
  func.func @_stage1_kernel(%arg0: i32, %arg1: i32, %arg2: memref<1x512x16x8xf32, #tpu.memory_space<vmem>>, %arg3: memref<1x512x3xf32, #tpu.memory_space<vmem>>, %arg4: memref<3x64xf32, #tpu.memory_space<vmem>>, %arg5: memref<64xf32, #tpu.memory_space<vmem>>, %arg6: memref<64x128xf32, #tpu.memory_space<vmem>>, %arg7: memref<128xf32, #tpu.memory_space<vmem>>, %arg8: memref<1x512x128xf32, #tpu.memory_space<vmem>>) attributes {dimension_semantics = [#tpu.dimension_semantics<arbitrary>, #tpu.dimension_semantics<parallel>], iteration_bounds = array<i64: 2, 4>, scalar_prefetch = 0 : i64, scratch_operands = 0 : i64, tpu.core_type = #tpu.core_type<tc>, window_params = [{transform_indices = @transform_0, window_bounds = array<i64: 1, 512, 16, 8>}, {transform_indices = @transform_1, window_bounds = array<i64: 1, 512, 3>}, {pipeline_mode = #tpu.pipeline_mode<synchronous>, transform_indices = @transform_2, window_bounds = array<i64: 3, 64>}, {pipeline_mode = #tpu.pipeline_mode<synchronous>, transform_indices = @transform_3, window_bounds = array<i64: 64>}, {pipeline_mode = #tpu.pipeline_mode<synchronous>, transform_indices = @transform_4, window_bounds = array<i64: 64, 128>}, {pipeline_mode = #tpu.pipeline_mode<synchronous>, transform_indices = @transform_5, window_bounds = array<i64: 128>}, {transform_indices = @transform_6, window_bounds = array<i64: 1, 512, 128>}]} {
    %get3A = arith.constant 0 : index
    %get3A_0 = arith.constant 0 : index
    %get3A_1 = arith.constant 0 : index
    %get3A_2 = arith.constant 0 : index
    %get3A_3 = vector.load %arg2[%get3A, %get3A_0, %get3A_1, %get3A_2] : memref<1x512x16x8xf32, #tpu.memory_space<vmem>>, vector<1x512x16x3xf32>
    %get3A_4 = vector.shape_cast %get3A_3 : vector<1x512x16x3xf32> to vector<512x16x3xf32>
    %get3A_5 = arith.constant 0 : index
    %get3A_6 = arith.constant 0 : index
    %get3A_7 = arith.constant 0 : index
    %get3A_8 = vector.load %arg3[%get3A_5, %get3A_6, %get3A_7] : memref<1x512x3xf32, #tpu.memory_space<vmem>>, vector<1x512x3xf32>
    %get3A_9 = vector.shape_cast %get3A_8 : vector<1x512x3xf32> to vector<512x3xf32>
    %broadcast_in_dim3A = vector.shape_cast %get3A_9 : vector<512x3xf32> to vector<512x1x3xf32>
    %sub3A = vector.broadcast %broadcast_in_dim3A : vector<512x1x3xf32> to vector<512x16x3xf32>
    %sub3A_10 = arith.subf %get3A_4, %sub3A : vector<512x16x3xf32>
    %reshape3A = vector.shape_cast %sub3A_10 : vector<512x16x3xf32> to vector<8192x3xf32>
    %get3A_11 = arith.constant 0 : index
    %get3A_12 = arith.constant 0 : index
    %get3A_13 = vector.load %arg4[%get3A_11, %get3A_12] : memref<3x64xf32, #tpu.memory_space<vmem>>, vector<3x64xf32>
    %convert_element_type3A = arith.truncf %reshape3A : vector<8192x3xf32> to vector<8192x3xbf16>
    %convert_element_type3A_14 = arith.truncf %get3A_13 : vector<3x64xf32> to vector<3x64xbf16>
    %dot_general3A = arith.constant dense<0.000000e+00> : vector<8192x64xf32>
    %dot_general3A_15 = tpu.matmul %convert_element_type3A, %convert_element_type3A_14, %dot_general3A {dimension_numbers = #tpu.dot_dimension_numbers<[1], [0], [0], [1], [0, 0, 1, 1], [], []>, transpose_lhs_hint = false} : vector<8192x3xbf16>, vector<3x64xbf16>, vector<8192x64xf32> -> vector<8192x64xf32>
    %get3A_16 = arith.constant 0 : index
    %get3A_17 = vector.load %arg5[%get3A_16] : memref<64xf32, #tpu.memory_space<vmem>>, vector<64xf32>
    %broadcast_in_dim3A_18 = vector.shape_cast %get3A_17 : vector<64xf32> to vector<1x64xf32>
    %add3A = vector.broadcast %broadcast_in_dim3A_18 : vector<1x64xf32> to vector<8192x64xf32>
    %add3A_19 = arith.addf %dot_general3A_15, %add3A : vector<8192x64xf32>
    %max3A = arith.constant 0.000000e+00 : f32
    %max3A_20 = vector.broadcast %max3A : f32 to vector<8192x64xf32>
    %max3A_21 = arith.maximumf %add3A_19, %max3A_20 : vector<8192x64xf32>
    %get3A_22 = arith.constant 0 : index
    %get3A_23 = arith.constant 0 : index
    %get3A_24 = vector.load %arg6[%get3A_22, %get3A_23] : memref<64x128xf32, #tpu.memory_space<vmem>>, vector<64x128xf32>
    %convert_element_type3A_25 = arith.truncf %max3A_21 : vector<8192x64xf32> to vector<8192x64xbf16>
    %convert_element_type3A_26 = arith.truncf %get3A_24 : vector<64x128xf32> to vector<64x128xbf16>
    %dot_general3A_27 = arith.constant dense<0.000000e+00> : vector<8192x128xf32>
    %dot_general3A_28 = tpu.matmul %convert_element_type3A_25, %convert_element_type3A_26, %dot_general3A_27 {dimension_numbers = #tpu.dot_dimension_numbers<[1], [0], [0], [1], [0, 0, 1, 1], [], []>, transpose_lhs_hint = false} : vector<8192x64xbf16>, vector<64x128xbf16>, vector<8192x128xf32> -> vector<8192x128xf32>
    %get3A_29 = arith.constant 0 : index
    %get3A_30 = vector.load %arg7[%get3A_29] : memref<128xf32, #tpu.memory_space<vmem>>, vector<128xf32>
    %broadcast_in_dim3A_31 = vector.shape_cast %get3A_30 : vector<128xf32> to vector<1x128xf32>
    %add3A_32 = vector.broadcast %broadcast_in_dim3A_31 : vector<1x128xf32> to vector<8192x128xf32>
    %add3A_33 = arith.addf %dot_general3A_28, %add3A_32 : vector<8192x128xf32>
    %max3A_34 = arith.constant 0.000000e+00 : f32
    %max3A_35 = vector.broadcast %max3A_34 : f32 to vector<8192x128xf32>
    %max3A_36 = arith.maximumf %add3A_33, %max3A_35 : vector<8192x128xf32>
    %reshape3A_37 = vector.shape_cast %max3A_36 : vector<8192x128xf32> to vector<512x16x128xf32>
    %reduce_max3A = arith.constant dense<0xFF800000> : vector<512x128xf32>
    %reduce_max3A_38 = vector.multi_reduction <maximumf>, %reshape3A_37, %reduce_max3A [1] : vector<512x16x128xf32> to vector<512x128xf32>
    %swap3A = arith.constant 0 : index
    %swap3A_39 = arith.constant 0 : index
    %swap3A_40 = arith.constant 0 : index
    %swap3A_41 = vector.load %arg8[%swap3A, %swap3A_39, %swap3A_40] : memref<1x512x128xf32, #tpu.memory_space<vmem>>, vector<1x512x128xf32>
    %swap3A_42 = vector.shape_cast %swap3A_41 : vector<1x512x128xf32> to vector<512x128xf32>
    %swap3A_43 = vector.shape_cast %reduce_max3A_38 : vector<512x128xf32> to vector<1x512x128xf32>
    tpu.vector_store %arg8[%swap3A, %swap3A_39, %swap3A_40], %swap3A_43 {strides = array<i32>} : memref<1x512x128xf32, #tpu.memory_space<vmem>>, vector<1x512x128xf32>,
    return
  }
  func.func @transform_0(%arg0: i32, %arg1: i32) -> (i32, i32, i32, i32) {
    %c0_i32 = arith.constant 0 : i32
    %c0_i32_0 = arith.constant 0 : i32
    %c0_i32_1 = arith.constant 0 : i32
    return %arg0, %arg1, %c0_i32, %c0_i32_0 : i32, i32, i32, i32
  }
  func.func @transform_1(%arg0: i32, %arg1: i32) -> (i32, i32, i32) {
    %c0_i32 = arith.constant 0 : i32
    %c0_i32_0 = arith.constant 0 : i32
    return %arg0, %arg1, %c0_i32 : i32, i32, i32
  }
  func.func @transform_2(%arg0: i32, %arg1: i32) -> (i32, i32) {
    %c0_i32 = arith.constant 0 : i32
    %c0_i32_0 = arith.constant 0 : i32
    %c0_i32_1 = arith.constant 0 : i32
    return %c0_i32, %c0_i32_0 : i32, i32
  }
  func.func @transform_3(%arg0: i32, %arg1: i32) -> i32 {
    %c0_i32 = arith.constant 0 : i32
    %c0_i32_0 = arith.constant 0 : i32
    return %c0_i32 : i32
  }
  func.func @transform_4(%arg0: i32, %arg1: i32) -> (i32, i32) {
    %c0_i32 = arith.constant 0 : i32
    %c0_i32_0 = arith.constant 0 : i32
    %c0_i32_1 = arith.constant 0 : i32
    return %c0_i32, %c0_i32_0 : i32, i32
  }
  func.func @transform_5(%arg0: i32, %arg1: i32) -> i32 {
    %c0_i32 = arith.constant 0 : i32
    %c0_i32_0 = arith.constant 0 : i32
    return %c0_i32 : i32
  }
  func.func @transform_6(%arg0: i32, %arg1: i32) -> (i32, i32, i32) {
    %c0_i32 = arith.constant 0 : i32
    %c0_i32_0 = arith.constant 0 : i32
    return %arg0, %arg1, %c0_i32 : i32, i32, i32
  }
}

module attributes {stable_mosaic.version = 14 : i64} {
  func.func @_stage2_kernel(%arg0: i32, %arg1: i32, %arg2: memref<1x512x16x8xf32, #tpu.memory_space<vmem>>, %arg3: memref<1x512x3xf32, #tpu.memory_space<vmem>>, %arg4: memref<1x512x16x128xf32, #tpu.memory_space<vmem>>, %arg5: memref<131x128xf32, #tpu.memory_space<vmem>>, %arg6: memref<128xf32, #tpu.memory_space<vmem>>, %arg7: memref<128x256xf32, #tpu.memory_space<vmem>>, %arg8: memref<256xf32, #tpu.memory_space<vmem>>, %arg9: memref<1x512x256xf32, #tpu.memory_space<vmem>>, %arg10: memref<1x1x256xf32, #tpu.memory_space<vmem>>) attributes {dimension_semantics = [#tpu.dimension_semantics<arbitrary>, #tpu.dimension_semantics<arbitrary>], iteration_bounds = array<i64: 2, 4>, scalar_prefetch = 0 : i64, scratch_operands = 0 : i64, tpu.core_type = #tpu.core_type<tc>, window_params = [{transform_indices = @transform_0, window_bounds = array<i64: 1, 512, 16, 8>}, {transform_indices = @transform_1, window_bounds = array<i64: 1, 512, 3>}, {transform_indices = @transform_2, window_bounds = array<i64: 1, 512, 16, 128>}, {pipeline_mode = #tpu.pipeline_mode<synchronous>, transform_indices = @transform_3, window_bounds = array<i64: 131, 128>}, {pipeline_mode = #tpu.pipeline_mode<synchronous>, transform_indices = @transform_4, window_bounds = array<i64: 128>}, {pipeline_mode = #tpu.pipeline_mode<synchronous>, transform_indices = @transform_5, window_bounds = array<i64: 128, 256>}, {pipeline_mode = #tpu.pipeline_mode<synchronous>, transform_indices = @transform_6, window_bounds = array<i64: 256>}, {transform_indices = @transform_7, window_bounds = array<i64: 1, 512, 256>}, {transform_indices = @transform_8, window_bounds = array<i64: 1, 1, 256>}]} {
    %get3A = arith.constant 0 : index
    %get3A_0 = arith.constant 0 : index
    %get3A_1 = arith.constant 0 : index
    %get3A_2 = arith.constant 0 : index
    %get3A_3 = vector.load %arg2[%get3A, %get3A_0, %get3A_1, %get3A_2] : memref<1x512x16x8xf32, #tpu.memory_space<vmem>>, vector<1x512x16x3xf32>
    %get3A_4 = vector.shape_cast %get3A_3 : vector<1x512x16x3xf32> to vector<512x16x3xf32>
    %get3A_5 = arith.constant 0 : index
    %get3A_6 = arith.constant 0 : index
    %get3A_7 = arith.constant 0 : index
    %get3A_8 = vector.load %arg3[%get3A_5, %get3A_6, %get3A_7] : memref<1x512x3xf32, #tpu.memory_space<vmem>>, vector<1x512x3xf32>
    %get3A_9 = vector.shape_cast %get3A_8 : vector<1x512x3xf32> to vector<512x3xf32>
    %broadcast_in_dim3A = vector.shape_cast %get3A_9 : vector<512x3xf32> to vector<512x1x3xf32>
    %sub3A = vector.broadcast %broadcast_in_dim3A : vector<512x1x3xf32> to vector<512x16x3xf32>
    %sub3A_10 = arith.subf %get3A_4, %sub3A : vector<512x16x3xf32>
    %reshape3A = vector.shape_cast %sub3A_10 : vector<512x16x3xf32> to vector<8192x3xf32>
    %get3A_11 = arith.constant 0 : index
    %get3A_12 = arith.constant 0 : index
    %get3A_13 = arith.constant 0 : index
    %get3A_14 = arith.constant 0 : index
    %get3A_15 = vector.load %arg4[%get3A_11, %get3A_12, %get3A_13, %get3A_14] : memref<1x512x16x128xf32, #tpu.memory_space<vmem>>, vector<1x512x16x128xf32>
    %get3A_16 = vector.shape_cast %get3A_15 : vector<1x512x16x128xf32> to vector<512x16x128xf32>
    %reshape3A_17 = vector.shape_cast %get3A_16 : vector<512x16x128xf32> to vector<8192x128xf32>
    %get3A_18 = arith.constant 0 : index
    %get3A_19 = arith.constant 0 : index
    %get3A_20 = vector.load %arg5[%get3A_18, %get3A_19] : memref<131x128xf32, #tpu.memory_space<vmem>>, vector<3x128xf32>
    %get3A_21 = arith.constant 3 : index
    %get3A_22 = arith.constant 0 : index
    %get3A_23 = vector.load %arg5[%get3A_21, %get3A_22] : memref<131x128xf32, #tpu.memory_space<vmem>>, vector<128x128xf32>
    %convert_element_type3A = arith.truncf %reshape3A : vector<8192x3xf32> to vector<8192x3xbf16>
    %convert_element_type3A_24 = arith.truncf %get3A_20 : vector<3x128xf32> to vector<3x128xbf16>
    %dot_general3A = arith.constant dense<0.000000e+00> : vector<8192x128xf32>
    %dot_general3A_25 = tpu.matmul %convert_element_type3A, %convert_element_type3A_24, %dot_general3A {dimension_numbers = #tpu.dot_dimension_numbers<[1], [0], [0], [1], [0, 0, 1, 1], [], []>, transpose_lhs_hint = false} : vector<8192x3xbf16>, vector<3x128xbf16>, vector<8192x128xf32> -> vector<8192x128xf32>
    %convert_element_type3A_26 = arith.truncf %reshape3A_17 : vector<8192x128xf32> to vector<8192x128xbf16>
    %convert_element_type3A_27 = arith.truncf %get3A_23 : vector<128x128xf32> to vector<128x128xbf16>
    %dot_general3A_28 = arith.constant dense<0.000000e+00> : vector<8192x128xf32>
    %dot_general3A_29 = tpu.matmul %convert_element_type3A_26, %convert_element_type3A_27, %dot_general3A_28 {dimension_numbers = #tpu.dot_dimension_numbers<[1], [0], [0], [1], [0, 0, 1, 1], [], []>, transpose_lhs_hint = false} : vector<8192x128xbf16>, vector<128x128xbf16>, vector<8192x128xf32> -> vector<8192x128xf32>
    %add3A = arith.addf %dot_general3A_25, %dot_general3A_29 : vector<8192x128xf32>
    %get3A_30 = arith.constant 0 : index
    %get3A_31 = vector.load %arg6[%get3A_30] : memref<128xf32, #tpu.memory_space<vmem>>, vector<128xf32>
    %broadcast_in_dim3A_32 = vector.shape_cast %get3A_31 : vector<128xf32> to vector<1x128xf32>
    %add3A_33 = vector.broadcast %broadcast_in_dim3A_32 : vector<1x128xf32> to vector<8192x128xf32>
    %add3A_34 = arith.addf %add3A, %add3A_33 : vector<8192x128xf32>
    %max3A = arith.constant 0.000000e+00 : f32
    %max3A_35 = vector.broadcast %max3A : f32 to vector<8192x128xf32>
    %max3A_36 = arith.maximumf %add3A_34, %max3A_35 : vector<8192x128xf32>
    %get3A_37 = arith.constant 0 : index
    %get3A_38 = arith.constant 0 : index
    %get3A_39 = vector.load %arg7[%get3A_37, %get3A_38] : memref<128x256xf32, #tpu.memory_space<vmem>>, vector<128x256xf32>
    %convert_element_type3A_40 = arith.truncf %max3A_36 : vector<8192x128xf32> to vector<8192x128xbf16>
    %convert_element_type3A_41 = arith.truncf %get3A_39 : vector<128x256xf32> to vector<128x256xbf16>
    %dot_general3A_42 = arith.constant dense<0.000000e+00> : vector<8192x256xf32>
    %dot_general3A_43 = tpu.matmul %convert_element_type3A_40, %convert_element_type3A_41, %dot_general3A_42 {dimension_numbers = #tpu.dot_dimension_numbers<[1], [0], [0], [1], [0, 0, 1, 1], [], []>, transpose_lhs_hint = false} : vector<8192x128xbf16>, vector<128x256xbf16>, vector<8192x256xf32> -> vector<8192x256xf32>
    %get3A_44 = arith.constant 0 : index
    %get3A_45 = vector.load %arg8[%get3A_44] : memref<256xf32, #tpu.memory_space<vmem>>, vector<256xf32>
    %broadcast_in_dim3A_46 = vector.shape_cast %get3A_45 : vector<256xf32> to vector<1x256xf32>
    %add3A_47 = vector.broadcast %broadcast_in_dim3A_46 : vector<1x256xf32> to vector<8192x256xf32>
    %add3A_48 = arith.addf %dot_general3A_43, %add3A_47 : vector<8192x256xf32>
    %max3A_49 = arith.constant 0.000000e+00 : f32
    %max3A_50 = vector.broadcast %max3A_49 : f32 to vector<8192x256xf32>
    %max3A_51 = arith.maximumf %add3A_48, %max3A_50 : vector<8192x256xf32>
    %reshape3A_52 = vector.shape_cast %max3A_51 : vector<8192x256xf32> to vector<512x16x256xf32>
    %reduce_max3A = arith.constant dense<0xFF800000> : vector<512x256xf32>
    %reduce_max3A_53 = vector.multi_reduction <maximumf>, %reshape3A_52, %reduce_max3A [1] : vector<512x16x256xf32> to vector<512x256xf32>
    %swap3A = arith.constant 0 : index
    %swap3A_54 = arith.constant 0 : index
    %swap3A_55 = arith.constant 0 : index
    %swap3A_56 = vector.load %arg9[%swap3A, %swap3A_54, %swap3A_55] : memref<1x512x256xf32, #tpu.memory_space<vmem>>, vector<1x512x256xf32>
    %swap3A_57 = vector.shape_cast %swap3A_56 : vector<1x512x256xf32> to vector<512x256xf32>
    %swap3A_58 = vector.shape_cast %reduce_max3A_53 : vector<512x256xf32> to vector<1x512x256xf32>
    tpu.vector_store %arg9[%swap3A, %swap3A_54, %swap3A_55], %swap3A_58 {strides = array<i32>} : memref<1x512x256xf32, #tpu.memory_space<vmem>>, vector<1x512x256xf32>,
    %eq3A = arith.constant 0 : i32
    %eq3A_59 = arith.cmpi eq, %arg1, %eq3A : i32
    %convert_element_type3A_60 = arith.extui %eq3A_59 : i1 to i32
    %cond3A = arith.constant 0 : i32
    %cond3A_61 = arith.cmpi ne, %convert_element_type3A_60, %cond3A : i32
    scf.if %cond3A_61 {
      %broadcast_in_dim3A_77 = arith.constant 0.000000e+00 : f32
      %broadcast_in_dim3A_78 = vector.broadcast %broadcast_in_dim3A_77 : f32 to vector<1x1x256xf32>
      %swap3A_79 = arith.constant 0 : index
      %swap3A_80 = arith.constant 0 : index
      %swap3A_81 = arith.constant 0 : index
      %swap3A_82 = vector.load %arg10[%swap3A_79, %swap3A_80, %swap3A_81] : memref<1x1x256xf32, #tpu.memory_space<vmem>>, vector<1x1x256xf32>
      tpu.vector_store %arg10[%swap3A_79, %swap3A_80, %swap3A_81], %broadcast_in_dim3A_78 {strides = array<i32>} : memref<1x1x256xf32, #tpu.memory_space<vmem>>, vector<1x1x256xf32>,
    } else {
    }
    %get3A_62 = arith.constant 0 : index
    %get3A_63 = arith.constant 0 : index
    %get3A_64 = arith.constant 0 : index
    %get3A_65 = vector.load %arg10[%get3A_62, %get3A_63, %get3A_64] : memref<1x1x256xf32, #tpu.memory_space<vmem>>, vector<1x1x256xf32>
    %get3A_66 = vector.shape_cast %get3A_65 : vector<1x1x256xf32> to vector<256xf32>
    %reduce_sum3A = arith.constant dense<0.000000e+00> : vector<256xf32>
    %reduce_sum3A_67 = vector.multi_reduction <add>, %reduce_max3A_53, %reduce_sum3A [0] : vector<512x256xf32> to vector<256xf32>
    %div3A = arith.constant 2.048000e+03 : f32
    %div3A_68 = vector.broadcast %div3A : f32 to vector<256xf32>
    %div3A_69 = arith.divf %reduce_sum3A_67, %div3A_68 : vector<256xf32>
    %add3A_70 = arith.addf %get3A_66, %div3A_69 : vector<256xf32>
    %swap3A_71 = arith.constant 0 : index
    %swap3A_72 = arith.constant 0 : index
    %swap3A_73 = arith.constant 0 : index
    %swap3A_74 = vector.load %arg10[%swap3A_71, %swap3A_72, %swap3A_73] : memref<1x1x256xf32, #tpu.memory_space<vmem>>, vector<1x1x256xf32>
    %swap3A_75 = vector.shape_cast %swap3A_74 : vector<1x1x256xf32> to vector<256xf32>
    %swap3A_76 = vector.shape_cast %add3A_70 : vector<256xf32> to vector<1x1x256xf32>
    tpu.vector_store %arg10[%swap3A_71, %swap3A_72, %swap3A_73], %swap3A_76 {strides = array<i32>} : memref<1x1x256xf32, #tpu.memory_space<vmem>>, vector<1x1x256xf32>,
    return
  }
  func.func @transform_0(%arg0: i32, %arg1: i32) -> (i32, i32, i32, i32) {
    %c0_i32 = arith.constant 0 : i32
    %c0_i32_0 = arith.constant 0 : i32
    %c0_i32_1 = arith.constant 0 : i32
    return %arg0, %arg1, %c0_i32, %c0_i32_0 : i32, i32, i32, i32
  }
  func.func @transform_1(%arg0: i32, %arg1: i32) -> (i32, i32, i32) {
    %c0_i32 = arith.constant 0 : i32
    %c0_i32_0 = arith.constant 0 : i32
    return %arg0, %arg1, %c0_i32 : i32, i32, i32
  }
  func.func @transform_2(%arg0: i32, %arg1: i32) -> (i32, i32, i32, i32) {
    %c0_i32 = arith.constant 0 : i32
    %c0_i32_0 = arith.constant 0 : i32
    %c0_i32_1 = arith.constant 0 : i32
    return %arg0, %arg1, %c0_i32, %c0_i32_0 : i32, i32, i32, i32
  }
  func.func @transform_3(%arg0: i32, %arg1: i32) -> (i32, i32) {
    %c0_i32 = arith.constant 0 : i32
    %c0_i32_0 = arith.constant 0 : i32
    %c0_i32_1 = arith.constant 0 : i32
    return %c0_i32, %c0_i32_0 : i32, i32
  }
  func.func @transform_4(%arg0: i32, %arg1: i32) -> i32 {
    %c0_i32 = arith.constant 0 : i32
    %c0_i32_0 = arith.constant 0 : i32
    return %c0_i32 : i32
  }
  func.func @transform_5(%arg0: i32, %arg1: i32) -> (i32, i32) {
    %c0_i32 = arith.constant 0 : i32
    %c0_i32_0 = arith.constant 0 : i32
    %c0_i32_1 = arith.constant 0 : i32
    return %c0_i32, %c0_i32_0 : i32, i32
  }
  func.func @transform_6(%arg0: i32, %arg1: i32) -> i32 {
    %c0_i32 = arith.constant 0 : i32
    %c0_i32_0 = arith.constant 0 : i32
    return %c0_i32 : i32
  }
  func.func @transform_7(%arg0: i32, %arg1: i32) -> (i32, i32, i32) {
    %c0_i32 = arith.constant 0 : i32
    %c0_i32_0 = arith.constant 0 : i32
    return %arg0, %arg1, %c0_i32 : i32, i32, i32
  }
  func.func @transform_8(%arg0: i32, %arg1: i32) -> (i32, i32, i32) {
    %c0_i32 = arith.constant 0 : i32
    %c0_i32_0 = arith.constant 0 : i32
    %c0_i32_1 = arith.constant 0 : i32
    return %arg0, %c0_i32, %c0_i32_0 : i32, i32, i32
  }
}

</mosaic_0001>

<sc_bundles>
// kernel: kernel.12.cloned.1.call-start
scs
__scs_entry_jumppad:
0x0: {  	(pc) =	sbr.rel $0x88, $3  }
0x1: {  	(tag) =	ssettag $0x0;
	lr =	simm.s32 $0x1  }
0x2: {  	[smem:$0x3F98] =	sst lr;
	_ =	strace $0xD0000000  }
0x3: {  	_ = 	snop  }
0x4: {  	_ = 	snop  }
0x5: {  	_ = 	snop  }
0x6: {  	_ = 	snop  }
0x7: {  	_ = 	snop  }
__scs_overlays_trampoline_lowered:
0x8: {  	[smem:$0x3FA7] =	sst s0  }
0x9: {  	[smem:$0x3FA8] =	sst s1  }
0xa: {  	[smem:$0x3FA9] =	sst s2  }
0xb: {  	[smem:$0x3FAA] =	sst s3  }
0xc: {  	[smem:$0x3FAB] =	sst s4  }
0xd: {  	[smem:$0x3FAC] =	sst s5  }
0xe: {  	[smem:$0x3FAD] =	sst s6  }
0xf: {  	[smem:$0x3FAE] =	sst s7  }
0x10: {  	[smem:$0x3FAF] =	sst s8  }
0x11: {  	[smem:$0x3FB0] =	sst s9;
	s0 =	simm.s32 @!p0 $0x0  }
0x12: {  	s1 =	sld [smem:$0x3F96];
	s0 =	simm.s32 @p0 $0x1  }
0x13: {  	[smem:$0x3FB1] =	sst s0;
	s0 =	simm.s32 @!p1 $0x0  }
0x14: {  	s2 =	sld [smem:$0x3F95];
	s0 =	simm.s32 @p1 $0x1  }
0x15: {  	[smem:$0x3FB2] =	sst s0;
	s0 =	simm.s32 @!p2 $0x0  }
0x16: {  	s3 =	sld [smem:$0x3FDB];
	s0 =	simm.s32 @p2 $0x1  }
0x17: {  	s4 =	simm.s32 $0x1BF5;
	[smem:$0x3FB4] =	sst s0  }
0x18: {  	s0 =	sld [smem:$0x3F97];
	_ =	swait.ge [sflag:s4], $0x0  }
0x19: {  	s7 =	sld [smem:$0x3F98]  }
0x1a: {  	s8 =	sadd.s32 $0xFFFFE003, lr  }
0x1b: {  	s9 =	sadd.s32 $0xFFFFFEF7, lr;
	s5 =	simm.s32 $0xFFFFFFFF;
	p2 =	slt.u32 s8, $0xFFFFF086  }
0x1c: {  	p1 =	slt.u32 s9, $0xF7A;
	s5 =	simm.s32 @!p2 $0x0  }
0x1d: {  	s5 =	simm.s32 @p1 $0x1;
	p0 =	seq.s32 s7, s2  }
0x1e: {  	s7 =	smul.u32 @!p0 $0xF7A, s2;
	p2 =	seq.s32 @!p0 s5, $0x0  }
0x1f: {  	s9 =	smul.u32 $0xF7A, s1;
	s8 =	simm.s32 @!p0 $0x1BF5;
	p2 =	por !p2, p0  }
0x20: {  	[sflag:s8] =	ssyncset.s32 @!p0 $0xFFFFF086;
	s6 =	sadd.s32 @!p0 s3, s7;
	s7 =	simm.s32 @!p0 $0x108  }
0x21: {  	s3 =	sadd.s32 s3, s9;
	s6 =	sadd.s32 @!p0 $0x88, s6;
	s7 =	simm.s32 @p2 $0x1082  }
0x22: {  	[simem:s7], [sflag:s8] =	dma.local @!p0 [hbm:s6], $0xF7A  }
0x23: {  	s9 =	sor.u32 $0xD0000000, s2;
	s6 =	simm.s32 $0x108;
	_ =	swait.ge @!p0 [sflag:s8], $0x0  }
0x24: {  	s3 =	sadd.s32 $0x88, s3;
	s6 =	simm.s32 @!p1 $0x1082;
	[sflag:s4] =	ssyncset.s32 $0xFFFFF086  }
0x25: {  	[simem:s6], [sflag:s4] =	dma.local [hbm:s3], $0xF7A  }
0x26: {  	[smem:$0x3F98] =	sst s1;
	(tag) =	ssettag s2;
	_ =	strace s9  }
0x27: {  	s1 =	sld [smem:$0x3FA8]  }
0x28: {  	s2 =	sld [smem:$0x3FA9]  }
0x29: {  	s4 =	sld [smem:$0x3FAB]  }
0x2a: {  	p0 =	seq.s32 s5, $0x0;
	s5 =	sld [smem:$0x3FAC]  }
0x2b: {  	s6 =	sld [smem:$0x3FAD]  }
0x2c: {  	s7 =	sld [smem:$0x3FAE]  }
0x2d: {  	s3 =	simm.s32 $0x108;
	s8 =	sld [smem:$0x3FAF]  }
0x2e: {  	s3 =	simm.s32 @!p0 $0x1082;
	s9 =	sld [smem:$0x3FB0]  }
0x2f: {  	lr =	sadd.s32 s0, s3;
	s0 =	sld [smem:$0x3FA7]  }
0x30: {  	s3 =	sld [smem:$0x3FAA]  }
0x31: {  	[smem:$0x3FB3] =	sst s10  }
0x32: {  	s10 =	sld [smem:$0x3FB1];
	_ =	sdelay $0x3  }
0x33: {  	p0 =	seq.s32 s10, $0x1;
	s10 =	sld [smem:$0x3FB3];
	_ =	sdelay $0x3  }
0x34: {  	[smem:$0x3FB3] =	sst s10  }
0x35: {  	s10 =	sld [smem:$0x3FB2];
	_ =	sdelay $0x3  }
0x36: {  	p1 =	seq.s32 s10, $0x1;
	s10 =	sld [smem:$0x3FB3];
	_ =	sdelay $0x3  }
0x37: {  	[smem:$0x3FB3] =	sst s10  }
0x38: {  	s10 =	sld [smem:$0x3FB4]  }
0x39: {  	_ = 	snop;
	(pc) =	sbr.ind lr, $3  }
0x3a: {  	_ = 	snop  }
0x3b: {  	_ = 	snop  }
0x3c: {  	p2 =	seq.s32 s10, $0x1;
	s10 =	sld [smem:$0x3FB3]  }
0x3d: {  	_ =	shalt  }
0x3e: {  	_ =	shalt  }
0x3f: {  	_ =	shalt  }
0x40: {  	_ =	shalt  }
0x41: {  	_ =	shalt  }
0x42: {  	_ =	shalt  }
0x43: {  	_ =	shalt  }
0x44: {  	_ =	shalt  }
0x45: {  	_ =	shalt  }
0x46: {  	_ =	shalt  }
0x47: {  	_ =	shalt  }
0x48: {  	_ =	shalt  }
0x49: {  	_ =	shalt  }
0x4a: {  	_ =	shalt  }
0x4b: {  	_ =	shalt  }
0x4c: {  	_ =	shalt  }
0x4d: {  	_ =	shalt  }
0x4e: {  	_ =	shalt  }
0x4f: {  	_ =	shalt  }
0x50: {  	_ =	shalt  }
0x51: {  	_ =	shalt  }
0x52: {  	_ =	shalt  }
0x53: {  	_ =	shalt  }
0x54: {  	_ =	shalt  }
0x55: {  	_ =	shalt  }
0x56: {  	_ =	shalt  }
0x57: {  	_ =	shalt  }
0x58: {  	_ =	shalt  }
0x59: {  	_ =	shalt  }
0x5a: {  	_ =	shalt  }
0x5b: {  	_ =	shalt  }
0x5c: {  	_ =	shalt  }
0x5d: {  	_ =	shalt  }
0x5e: {  	_ =	shalt  }
0x5f: {  	_ =	shalt  }
0x60: {  	_ =	shalt  }
0x61: {  	_ =	shalt  }
0x62: {  	_ =	shalt  }
0x63: {  	_ =	shalt  }
0x64: {  	_ =	shalt  }
0x65: {  	_ =	shalt  }
0x66: {  	_ =	shalt  }
0x67: {  	_ =	shalt  }
0x68: {  	_ =	shalt  }
0x69: {  	_ =	shalt  }
0x6a: {  	_ =	shalt  }
0x6b: {  	_ =	shalt  }
0x6c: {  	_ =	shalt  }
0x6d: {  	_ =	shalt  }
0x6e: {  	_ =	shalt  }
0x6f: {  	_ =	shalt  }
0x70: {  	_ =	shalt  }
0x71: {  	_ =	shalt  }
0x72: {  	_ =	shalt  }
0x73: {  	_ =	shalt  }
0x74: {  	_ =	shalt  }
0x75: {  	_ =	shalt  }
0x76: {  	_ =	shalt  }
0x77: {  	_ =	shalt  }
0x78: {  	_ =	shalt  }
0x79: {  	_ =	shalt  }
0x7a: {  	_ =	shalt  }
0x7b: {  	_ =	shalt  }
0x7c: {  	_ =	shalt  }
0x7d: {  	_ =	shalt  }
0x7e: {  	_ =	shalt  }
0x7f: {  	_ =	shalt  }
0x80: {  	_ =	shalt  }
0x81: {  	_ =	shalt  }
0x82: {  	_ =	shalt  }
0x83: {  	_ =	shalt  }
0x84: {  	_ =	shalt  }
0x85: {  	_ =	shalt  }
0x86: {  	_ =	shalt  }
0x87: {  	_ =	shalt  }
.Lfunc_end0:
.L_simem_size_0:
called_computation_lowered:
.L_overlay_start_0:
0x88: {  	s2 =	sld [smem:$0x3FD9]  }
0x89: {  	s3 =	sld [smem:$0x3FFE];
	_ =	sdelay $0x1  }
0x8a: {  	s1 =	srdreg.scid  }
0x8b: {  	s0 =	sand.u32 $0x1, s1  }
0x8c: {  	s16 =	sshll.u32 s0, $0xA;
	s2 =	sadd.s32 s3, s2  }
0x8d: {  	s2 =	sadd.s32 s2, s16  }
0x8e: {  	[smem:$0x3FBF] =	sst s2  }
0x8f: {  	_ = 	snop  }
0x90: {  	(tm) =	ssettm $0x1  }
0x91: {  	s17 =	sld [smem:$0x3FFB];
	_ =	sdelay $0x3  }
0x92: {  	_ =	strace s17  }
0x93: {  	s2 =	sld [smem:$0x3FFC];
	_ =	sdelay $0x3  }
0x94: {  	_ =	strace s2  }
0x95: {  	s2 =	sld [smem:$0x3FFD];
	_ =	sdelay $0x3  }
0x96: {  	_ =	strace s2  }
0x97: {  	_ =	strace $0x8FFFFFFF  }
0x98: {  	s18 =	sld [smem:$0x3FDB];
	_ =	sdelay $0x1  }
0x99: {  	s19 =	simm.s32 $_scs_section_size  }
0x9a: {  	s4 =	simm.s32 $_size__tile_overlayer_lowered;
	s5 =	simm.s32 $_tile_overlayer_lowered  }
0x9b: {  	s22 =	simm.s32 $0x1BFF;
	s21 =	sshll.u32 s5, $0x1;
	s2 =	sadd.s32 s19, s18  }
0x9c: {  	s6 =	simm.s32 $0x0;
	s20 =	sshll.u32 s4, $0x1;
	s4 =	sadd.s32 s21, s2  }
0x9d: {  	[timem:s6], [sflag:s22] =	dma.local [hbm:s4], s20  }
0x9e: {  	_ =	swait.ge [sflag:s22], s20  }
0x9f: {  	s3 =	ssub.s32 $0x0, s20;
	[sflag:s22] =	ssyncset.done $0x0  }
0xa0: {  	[sflag:s22] =	ssyncadd.s32 s3;
	_ =	sdelay $0x1  }
0xa1: {  	s23 =	simm.s32 $0x1B8B  }
0xa2: {  	_ =	swait.ge [sflag:s23], $0x1  }
0xa3: {  	[sflag:s23] =	ssyncset.done $0x0  }
0xa4: {  	s25 =	simm.s32 $0x1B8E;
	s24 =	sld [smem:$0x3FFE];
	[sflag:s23] =	ssyncadd.s32 $0xFFFFFFFF  }
0xa5: {  	s26 =	simm.s32 $execute0_lowered;
	[smem:$0x3FD2] =	sst s25  }
0xa6: {  	s4 =	sshll.u32 s26, $0x1;
	_ =	strace $0x80000046;
	[dreg:$0x1] =	wrdreg $0xFFFFFFFF  }
0xa7: {  	s28 =	simm.s32 $_size_execute0_lowered;
	s2 =	sadd.s32 s2, s4;
	[dreg:$0x0] =	wrdreg $0x0  }
0xa8: {  	s4 =	sshll.u32 s28, $0x1;
	[dreg:$0x2] =	wrdreg s2  }
0xa9: {  	[dreg:$0x3] =	wrdreg s4  }
0xaa: {  	[dreg:$0x4] =	wrdreg $0xC0  }
0xab: {  	_ =	task [dreg:s6], $0x5FFFF  }
0xac: {  	[dreg:$0x1] =	wrdreg $0xFFFFFFFF  }
0xad: {  	[dreg:$0x0] =	wrdreg $0x60  }
0xae: {  	[dreg:$0x2] =	wrdreg s24  }
0xaf: {  	[dreg:$0x3] =	wrdreg $0xA  }
0xb0: {  	_ =	task.clear_ibuf [dreg:s6], $0x4FFFF;
	_ =	strace $0x90000046  }
0xb1: {  	s29 =	simm.s32 $0xA;
	_ =	strace $0x8000004F  }
0xb2: {  	_ =	swait.ge [sflag:s29], $0x1  }
0xb3: {  	[sflag:s29] =	ssyncadd.s32 $0xFFFFFFFF  }
0xb4: {  	_ =	strace $0x9000004F  }
0xb5: {  	_ =	sfence  }
0xb6: {  	s30 =	sld [smem:$0x0];
	_ =	sdelay $0x2  }
0xb7: {  	s31 =	sshll.u32 s1, $0xD;
	s1 =	sshrl.u32 s1, $0x2  }
0xb8: {  	s3 =	sand.u32 $0x4000, s31;
	s1 =	sadd.s32 s1, s30  }
0xb9: {  	s0 =	sor.u32 s3, s0;
	s1 =	sshll.u32 s1, $0x11  }
0xba: {  	s0 =	sor.u32 s1, s0  }
0xbb: {  	s0 =	sadd.s32 $0x8F2B, s0  }
0xbc: {  	[sflag:s0] =	ssyncadd.remote.s32 $0x1  }
0xbd: {  	_ =	sfence.sel $0xFFFF  }
0xbe: {  	[dreg:$0x0] =	wrdreg $0xFFFFFFFF;
	(pc) =	sbr.abs _section_cstart, $3  }
0xbf: {  	[dreg:$0x1] =	wrdreg $0xFFFFFFFF  }
0xc0: {  	_ =	task.clear_ibuf [dreg:s6], $0x2FFFF;
	_ =	strace $0x9FFFFFFF  }
0xc1: {  	(tm) =	ssettm $0x7FFFFFFF  }
tec
execute0_lowered:
.L_overlay_start_1:
0x0: {  	(tag) =	ssettag $0x1  }
0x1: {  	s4 =	rddreg [dreg:$0x0]  }
0x2: {  	s0 =	rddreg [dreg:$0x1];
	s1 =	simm.s32 $0x0;
	s5 =	srdreg.scid  }
0x3: {  	s8 =	simm.s32 $0x80;
	s9 =	simm.s32 $0x4;
	s10 =	simm.s32 $0x0  }
0x4: {  	[smem:$0x7FF] =	sst s1;
	s2 =	sadd.s32 $0x4C00, s4;
	s3 =	sadd.s32 $0x2C00, s4  }
0x5: {  	s4 =	sadd.s32 $0x5C00, s4;
	_ =	strace $0x80000047;
	[dreg:$0x2] =	wrdreg s2  }
0x6: {  	s5 =	sand.u32 $0x1, s5;
	s2 =	stileid.u32;
	[dreg:$0x4] =	wrdreg s4  }
0x7: {  	s6 =	ssub.s32 $0x2, s5;
	s5 =	sshll.u32 s5, $0x4;
	[dreg:$0x3] =	wrdreg s8  }
0x8: {  	s8 =	simm.s32 $0x5;
	s7 =	sshrl.u32 s6, $0x1;
	s5 =	sor.u32 s2, s5  }
0x9: {  	s6 =	ssub.s32 s6, s7;
	s31 =	sshll.u32 s5, $0x8;
	s4 =	sshll.u32 s5, $0x4  }
0xa: {  	s7 =	simm.s32 $0x1;
	s5 =	sadd.s32 s3, s31;
	s6 =	smax.u32 s6, $0x1  }
.LBB2_1:
0xb: {  	_ =	strace $0x80000048;
	s11 =	simm.s32 $0x1;
	p0 =	por $0x0, $0x0  }
0xc: {  	[tilespmem:s1], [sflag:$0x1] =	stream.linear.gather [hbm4b:s5+s1], $0x80, $0x200038;
	[tilespmem:$0x900] =	vst v63  }
0xd: {  	s11 =	simm.s32 @p0 $0x0  }
0xe: {  	p4 =	por $0x1, $0x1;
	s20 =	sand.u32 $0x1, s1;
	p1 =	sne.s32 s11, $0x0  }
0xf: {  	p2 =	por $0x1, $0x1;
	s18 =	simm.s32 $0xE;
	p0 =	por !p4, !p1  }
0x10: {  	s16 =	simm.s32 $0x0;
	p5 =	por $0x0, $0x0;
	p0 =	por !p0, !p0  }
0x11: {  	s23 =	sadd.s32 $0x0, s4;
	s30 =	sadd.s32 $0x1, s20;
	s12 =	sadd.s32 @p0 s4, s11  }
0x12: {  	_ =	strace $0x90000048;
	s13 =	sand.u32 @p0 $0x1, s7;
	s12 =	sshll.u32 @p0 s12, $0x4  }
0x13: {  	_ =	strace @p0 $0x80000049;
	s15 =	simm.s32 @p0 $0x0;
	s12 =	sand.u32 @p0 $0x1FFFFFF0, s12  }
0x14: {  	s14 =	sshll.u32 @p0 s13, $0x7;
	s13 =	sadd.s32 @p0 $0x1, s13;
	s12 =	sadd.s32 @p0 s3, s12  }
0x15: {  	[tilespmem:s14], [sflag:s13] =	stream.linear.gather @p0 [hbm4b:s12+s15], $0x80, $0x200038;
	[tilespmem:$0x900] =	vst v63  }
0x16: {  	p3 =	por p2, p2;
	s21 =	sshll.u32 s20, $0xA;
	_ =	strace @p0 $0x90000049  }
0x17: {  	s16 =	sand.u32 $0x80, s16;
	p2 =	por p5, p5;
	_ =	strace $0x8000004A  }
0x18: {  	s17 =	sadd.s32 $0x1, s11;
	s22 =	sor.u32 $0x100, s21;
	_ =	swait.ge [sflag:s30], $0x80  }
0x19: {  	s21 =	simm.s32 $0x1;
	p6 =	por p1, p1;
	[sflag:s30] =	ssyncset.done $0x0  }
0x1a: {  	p1 =	por p3, p3;
	p4 =	por $0x1, $0x1;
	[sflag:s30] =	ssyncadd.s32 $0xFFFFFF80  }
0x1b: {  	s12 =	simm.s32 $0xF;
	s15 =	sand.u32 @!p3 $0x1, s1;
	_ =	strace $0x9000004A  }
0x1c: {  	s13 =	simm.s32 $0x1;
	p3 =	seq.s32 s17, $0x10;
	_ =	strace $0x8000004B  }
0x1d: {  	s13 =	simm.s32 @!p0 $0x0;
	s17 =	simm.s32 @p3 $0x0;
	s19 =	rddreg [dreg:$0x3]  }
0x1e: {  	p0 =	por $0x0, $0x0;
	s14 =	sadd.s32 $0x1, s13;
	s31 =	rddreg [dreg:$0x2]  }
0x1f: {  	[tilespmem:s22], [sflag:$0x5] =	stream.indirect.gather [hbm4b:s31+s19], $0x8, s16, s19, $0x2000b8;
	[tilespmem:$0x900] =	vst v63  }
0x20: {  	p3 =	sne.s32 s11, s17;
	s21 =	simm.s32 @!p0 $0x0;
	_ =	swait.ge [sflag:s8], $0x400  }
0x21: {  	p5 =	por !p4, !p3;
	p4 =	por $0x0, $0x0;
	[sflag:s8] =	ssyncset.done $0x0  }
0x22: {  	s13 =	simm.s32 $0x0;
	p6 =	por p4, p6;
	[sflag:s8] =	ssyncadd.s32 $0xFFFFFC00  }
0x23: {  	s16 =	simm.s32 $0x0;
	s19 =	simm.s32 $0x0;
	_ =	strace $0x9000004B  }
.LBB2_2:
0x24: {  	_ =	strace @p6 $0x8000004C;
	s13 =	sadd.s32 s21, s13;
	s21 =	smov.u32 s12  }
0x25: {  	s12 =	smov.u32 s18;
	s18 =	sadd.s32 $0xFFFFFFFF, s18;
	p0 =	por p3, p3  }
0x26: {  	s28 =	sshll.u32 @p6 s23, $0x7;
	s20 =	sadd.s32 @p6 $0x3, s20;
	s24 =	simm.s32 @!p0 $0x0  }
0x27: {  	s25 =	rddreg [dreg:$0x4];
	s28 =	sand.u32 @p6 $0x1FFFFF80, s28;
	s24 =	simm.s32 @p0 $0x1  }
0x28: {  	s25 =	sadd.s32 @p6 s25, s28;
	s28 =	simm.s32 @p6 $0x0;
	p0 =	sne.s32 s18, $0x0  }
0x29: {  	[hbm4b:s25+s28] =	stream.linear.scatter @p6 [tilespmem:s22], [sflag:s20], $0x400, $0x200038;
	[tilespmem:$0x900] =	vst v63  }
0x2a: {  	s20 =	sadd.s32 @!p1 $0x3, s15;
	s15 =	simm.s32 @!p0 $0x0  }
0x2b: {  	s26 =	simm.s32 $0x1;
	[smem:$0x7FC] =	sst s24;
	s15 =	simm.s32 @p0 $0x1  }
0x2c: {  	s26 =	simm.s32 @!p6 $0x0;
	_ =	strace @p6 $0x9000004C;
	[smem:$0x7FD] =	sst s15  }
0x2d: {  	p5 =	por !p5, !p5;
	s19 =	sadd.s32 s26, s19;
	_ =	strace @!p1 $0x8000004D  }
0x2e: {  	s24 =	sand.u32 @!p2 $0x1, s13;
	s22 =	sand.u32 @p5 $0x1, s14;
	_ =	swait.ge @!p1 [sflag:s20], $0x400  }
0x2f: {  	s15 =	smov.u32 s24;
	s24 =	sadd.s32 @p5 s4, s17;
	[sflag:s20] =	ssyncset.done @!p1 $0x0  }
0x30: {  	s25 =	sshll.u32 @p5 s22, $0x7;
	s24 =	sshll.u32 @p5 s24, $0x4;
	[sflag:s20] =	ssyncadd.s32 @!p1 $0xFFFFFC00  }
0x31: {  	s20 =	sadd.s32 @p5 $0x1, s22;
	s22 =	sand.u32 @p5 $0x1FFFFFF0, s24;
	_ =	strace @!p1 $0x9000004D  }
0x32: {  	s24 =	simm.s32 @p5 $0x0;
	s22 =	sadd.s32 @p5 s3, s22;
	_ =	strace @p5 $0x80000049  }
0x33: {  	[tilespmem:s25], [sflag:s20] =	stream.linear.gather @p5 [hbm4b:s22+s24], $0x80, $0x200038;
	[tilespmem:$0x900] =	vst v63  }
0x34: {  	s16 =	sadd.s32 s26, s16;
	s26 =	sand.u32 $0x1, s19;
	_ =	strace @p5 $0x90000049  }
0x35: {  	s24 =	sadd.s32 $0x1, s26;
	_ =	strace $0x8000004A  }
0x36: {  	_ =	swait.ge [sflag:s24], $0x80  }
0x37: {  	[sflag:s24] =	ssyncset.done $0x0  }
0x38: {  	s20 =	simm.s32 $0x1;
	[sflag:s24] =	ssyncadd.s32 $0xFFFFFF80  }
0x39: {  	s20 =	simm.s32 @!p5 $0x0;
	_ =	strace $0x9000004A  }
0x3a: {  	s14 =	sadd.s32 s20, s14;
	s20 =	sand.u32 $0x1, s16;
	_ =	strace $0x8000004B  }
0x3b: {  	s29 =	sshll.u32 s19, $0x7;
	s25 =	sshll.u32 s20, $0xA;
	s26 =	rddreg [dreg:$0x3]  }
0x3c: {  	s29 =	sand.u32 $0x80, s29;
	s22 =	sor.u32 $0x100, s25;
	s30 =	rddreg [dreg:$0x2]  }
0x3d: {  	[tilespmem:s22], [sflag:$0x5] =	stream.indirect.gather [hbm4b:s30+s26], $0x8, s29, s26, $0x2000b8;
	[tilespmem:$0x900] =	vst v63  }
0x3e: {  	_ =	swait.ge [sflag:s8], $0x400  }
0x3f: {  	s31 =	sadd.s32 $0x1, s17;
	[sflag:s8] =	ssyncset.done $0x0  }
0x40: {  	s23 =	sadd.s32 s4, s11;
	s11 =	smov.u32 s17;
	[sflag:s8] =	ssyncadd.s32 $0xFFFFFC00  }
0x41: {  	p3 =	seq.s32 s31, $0x10;
	s17 =	smov.u32 s31;
	_ =	strace $0x9000004B  }
0x42: {  	s17 =	simm.s32 @p3 $0x0;
	s31 =	sld [smem:$0x7FD]  }
0x43: {  	p6 =	sne.s32 s12, $0x1;
	p0 =	sne.s32 s21, $0x10;
	p3 =	sne.s32 s11, s17  }
0x44: {  	p5 =	por !p6, !p3;
	p6 =	seq.s32 s21, $0x1;
	s21 =	simm.s32 $0x1  }
0x45: {  	s21 =	simm.s32 @!p0 $0x0;
	p0 =	seq.s32 s31, $0x1  }
.Ltmp0:
0x46: {  	s30 =	sld [smem:$0x7FC];
	(pc) =	sbr.rel @p0 .LBB2_2-.Ltmp0, $4  }
0x47: {  	_ = 	snop  }
0x48: {  	p4 =	seq.s32 s12, $0x10  }
0x49: {  	p1 =	por p2, p2;
	p2 =	por p4, p4;
	p4 =	seq.s32 s30, $0x1  }
0x4a: {  	p6 =	por p6, p4  }
0x4b: {  	_ =	strace @p6 $0x8000004C;
	s23 =	sshll.u32 @p6 s23, $0x7  }
0x4c: {  	s18 =	rddreg [dreg:$0x4];
	s23 =	sand.u32 @p6 $0x1FFFFF80, s23  }
0x4d: {  	s20 =	sadd.s32 @p6 $0x3, s20;
	s18 =	sadd.s32 @p6 s18, s23;
	s23 =	simm.s32 @p6 $0x0  }
0x4e: {  	[hbm4b:s18+s23] =	stream.linear.scatter @p6 [tilespmem:s22], [sflag:s20], $0x400, $0x200038;
	[tilespmem:$0x900] =	vst v63  }
0x4f: {  	p0 =	por !p5, !p5;
	_ =	strace @p6 $0x9000004C  }
0x50: {  	s15 =	sadd.s32 @!p1 $0x3, s15;
	s17 =	sadd.s32 @p0 s4, s17;
	_ =	strace @!p1 $0x8000004D  }
0x51: {  	s14 =	sand.u32 @p0 $0x1, s14;
	s17 =	sshll.u32 @p0 s17, $0x4;
	_ =	swait.ge @!p1 [sflag:s15], $0x400  }
0x52: {  	s18 =	simm.s32 $0x1;
	s20 =	sshll.u32 @p0 s14, $0x7;
	[sflag:s15] =	ssyncset.done @!p1 $0x0  }
0x53: {  	s14 =	sadd.s32 @p0 $0x1, s14;
	s18 =	simm.s32 @!p6 $0x0;
	[sflag:s15] =	ssyncadd.s32 @!p1 $0xFFFFFC00  }
0x54: {  	s19 =	sadd.s32 s18, s19;
	s15 =	sand.u32 @p0 $0x1FFFFFF0, s17;
	_ =	strace @!p1 $0x9000004D  }
0x55: {  	s17 =	simm.s32 @p0 $0x0;
	s15 =	sadd.s32 @p0 s3, s15;
	_ =	strace @p0 $0x80000049  }
0x56: {  	[tilespmem:s20], [sflag:s14] =	stream.linear.gather @p0 [hbm4b:s15+s17], $0x80, $0x200038;
	[tilespmem:$0x900] =	vst v63  }
0x57: {  	s25 =	sand.u32 $0x1, s19;
	_ =	strace @p0 $0x90000049  }
0x58: {  	s14 =	sadd.s32 $0x1, s25;
	_ =	strace $0x8000004A  }
0x59: {  	_ =	swait.ge [sflag:s14], $0x80  }
0x5a: {  	[sflag:s14] =	ssyncset.done $0x0  }
0x5b: {  	[sflag:s14] =	ssyncadd.s32 $0xFFFFFF80  }
0x5c: {  	s26 =	sadd.s32 s18, s16;
	_ =	strace $0x9000004A  }
0x5d: {  	s14 =	sand.u32 $0x1, s26;
	_ =	strace $0x8000004B  }
0x5e: {  	s30 =	sshll.u32 s19, $0x7;
	s31 =	sshll.u32 s14, $0xA;
	s28 =	rddreg [dreg:$0x3]  }
0x5f: {  	s17 =	sand.u32 $0x80, s30;
	s18 =	sor.u32 $0x100, s31;
	s29 =	rddreg [dreg:$0x2]  }
0x60: {  	[tilespmem:s18], [sflag:$0x5] =	stream.indirect.gather [hbm4b:s29+s28], $0x8, s17, s28, $0x2000b8;
	[tilespmem:$0x900] =	vst v63  }
0x61: {  	_ =	swait.ge [sflag:s8], $0x400  }
0x62: {  	[sflag:s8] =	ssyncset.done $0x0  }
0x63: {  	p5 =	por p3, p3;
	p6 =	seq.s32 s12, $0x1;
	[sflag:s8] =	ssyncadd.s32 $0xFFFFFC00  }
0x64: {  	s11 =	sadd.s32 s4, s11;
	p0 =	por p6, p5;
	_ =	strace $0x9000004B  }
0x65: {  	s11 =	sshll.u32 @p0 s11, $0x7;
	_ =	strace @p0 $0x8000004C  }
0x66: {  	s13 =	sadd.s32 s21, s13;
	s11 =	sand.u32 @p0 $0x1FFFFF80, s11;
	s12 =	rddreg [dreg:$0x4]  }
0x67: {  	s14 =	sadd.s32 @p0 $0x3, s14;
	s11 =	sadd.s32 @p0 s12, s11;
	s12 =	simm.s32 @p0 $0x0  }
0x68: {  	[hbm4b:s11+s12] =	stream.linear.scatter @p0 [tilespmem:s18], [sflag:s14], $0x400, $0x200038;
	[tilespmem:$0x900] =	vst v63  }
0x69: {  	p1 =	por p2, p2;
	s11 =	sand.u32 @!p2 $0x1, s13;
	_ =	strace @p0 $0x9000004C  }
0x6a: {  	s11 =	sadd.s32 @!p1 $0x3, s11;
	_ =	strace @!p1 $0x8000004D  }
0x6b: {  	_ =	swait.ge @!p1 [sflag:s11], $0x400  }
0x6c: {  	[sflag:s11] =	ssyncset.done @!p1 $0x0  }
0x6d: {  	s10 =	sadd.s32 $0x1, s10;
	[sflag:s11] =	ssyncadd.s32 @!p1 $0xFFFFFC00  }
0x6e: {  	p0 =	sne.s32 s10, s6;
	_ =	strace @!p1 $0x9000004D  }
.Ltmp1:
0x6f: {  	_ =	strace $0x8000004E;
	(pc) =	sbr.rel @p0 .LBB2_1-.Ltmp1, $4  }
0x70: {  	_ =	swait.ge [sflag:s9], $0x400  }
0x71: {  	[sflag:s9] =	ssyncset.done $0x0  }
0x72: {  	[sflag:s9] =	ssyncadd.s32 $0xFFFFFC00  }
0x73: {  	_ =	strace $0x9000004E  }
0x74: {  	_ =	sfence.sel $0x180000  }
0x75: {  	[bflag:$0x0] =	sbarrier.arrive $0xFFFF  }
0x76: {  	p0 =	sne.s32 s2, $0x0;
	_ =	strace $0x90000047  }
0x77: {  	s0 =	sadd.s32 @!p0 $0x100000, s0;
	[bflag:$0x2] =	sbarrier.arrive $0xFFFF  }
0x78: {  	[sflag:s0] =	ssyncadd.tile.s32 @!p0 $0x1;
	_ =	shalt  }
.Lfunc_end2:
_tile_overlayer_lowered:
.L_overlay_start_2:
0x79: {  	(tag) =	ssettag $0x2  }
0x7a: {  	s0 =	rddreg [dreg:$0x0];
	s2 =	stileid.u32  }
0x7b: {  	s1 =	rddreg [dreg:$0x1];
	p0 =	sne.s32 s2, $0x0  }
0x7c: {  	s3 =	rddreg [dreg:$0x2];
	[bflag:$0x3] =	sbarrier.arrive $0xFFFF;
	s2 =	simm.s32 @!p0 $0x1C01  }
0x7d: {  	[timem:s3], [sflag:s2] =	dma.local @!p0 [hbm:s0], s1  }
0x7e: {  	s0 =	simm.s32 @!p0 $0x1  }
0x7f: {  	_ =	swait.ge @!p0 [sflag:s0], s1  }
0x80: {  	s1 =	ssub.s32 @!p0 $0x0, s1;
	[sflag:s0] =	ssyncset.done @!p0 $0x0  }
0x81: {  	[sflag:s0] =	ssyncadd.s32 @!p0 s1  }
0x82: {  	[bflag:$0x3] =	sbarrier.arrive $0xFFFF  }
0x83: {  	_ =	shalt  }

// kernel: kernel.15.cloned.1.call-start
scs
__scs_entry_jumppad:
0x0: {  	(pc) =	sbr.rel $0x88, $3  }
0x1: {  	(tag) =	ssettag $0x0;
	lr =	simm.s32 $0x1  }
0x2: {  	[smem:$0x3F98] =	sst lr;
	_ =	strace $0xD0000000  }
0x3: {  	_ = 	snop  }
0x4: {  	_ = 	snop  }
0x5: {  	_ = 	snop  }
0x6: {  	_ = 	snop  }
0x7: {  	_ = 	snop  }
__scs_overlays_trampoline_lowered:
0x8: {  	[smem:$0x3FA7] =	sst s0  }
0x9: {  	[smem:$0x3FA8] =	sst s1  }
0xa: {  	[smem:$0x3FA9] =	sst s2  }
0xb: {  	[smem:$0x3FAA] =	sst s3  }
0xc: {  	[smem:$0x3FAB] =	sst s4  }
0xd: {  	[smem:$0x3FAC] =	sst s5  }
0xe: {  	[smem:$0x3FAD] =	sst s6  }
0xf: {  	[smem:$0x3FAE] =	sst s7  }
0x10: {  	[smem:$0x3FAF] =	sst s8  }
0x11: {  	[smem:$0x3FB0] =	sst s9;
	s0 =	simm.s32 @!p0 $0x0  }
0x12: {  	s1 =	sld [smem:$0x3F96];
	s0 =	simm.s32 @p0 $0x1  }
0x13: {  	[smem:$0x3FB1] =	sst s0;
	s0 =	simm.s32 @!p1 $0x0  }
0x14: {  	s2 =	sld [smem:$0x3F95];
	s0 =	simm.s32 @p1 $0x1  }
0x15: {  	[smem:$0x3FB2] =	sst s0;
	s0 =	simm.s32 @!p2 $0x0  }
0x16: {  	s3 =	sld [smem:$0x3FDB];
	s0 =	simm.s32 @p2 $0x1  }
0x17: {  	s4 =	simm.s32 $0x1BF5;
	[smem:$0x3FB4] =	sst s0  }
0x18: {  	s0 =	sld [smem:$0x3F97];
	_ =	swait.ge [sflag:s4], $0x0  }
0x19: {  	s7 =	sld [smem:$0x3F98]  }
0x1a: {  	s8 =	sadd.s32 $0xFFFFE003, lr  }
0x1b: {  	s9 =	sadd.s32 $0xFFFFFEF7, lr;
	s5 =	simm.s32 $0xFFFFFFFF;
	p2 =	slt.u32 s8, $0xFFFFF086  }
0x1c: {  	p1 =	slt.u32 s9, $0xF7A;
	s5 =	simm.s32 @!p2 $0x0  }
0x1d: {  	s5 =	simm.s32 @p1 $0x1;
	p0 =	seq.s32 s7, s2  }
0x1e: {  	s7 =	smul.u32 @!p0 $0xF7A, s2;
	p2 =	seq.s32 @!p0 s5, $0x0  }
0x1f: {  	s9 =	smul.u32 $0xF7A, s1;
	s8 =	simm.s32 @!p0 $0x1BF5;
	p2 =	por !p2, p0  }
0x20: {  	[sflag:s8] =	ssyncset.s32 @!p0 $0xFFFFF086;
	s6 =	sadd.s32 @!p0 s3, s7;
	s7 =	simm.s32 @!p0 $0x108  }
0x21: {  	s3 =	sadd.s32 s3, s9;
	s6 =	sadd.s32 @!p0 $0x88, s6;
	s7 =	simm.s32 @p2 $0x1082  }
0x22: {  	[simem:s7], [sflag:s8] =	dma.local @!p0 [hbm:s6], $0xF7A  }
0x23: {  	s9 =	sor.u32 $0xD0000000, s2;
	s6 =	simm.s32 $0x108;
	_ =	swait.ge @!p0 [sflag:s8], $0x0  }
0x24: {  	s3 =	sadd.s32 $0x88, s3;
	s6 =	simm.s32 @!p1 $0x1082;
	[sflag:s4] =	ssyncset.s32 $0xFFFFF086  }
0x25: {  	[simem:s6], [sflag:s4] =	dma.local [hbm:s3], $0xF7A  }
0x26: {  	[smem:$0x3F98] =	sst s1;
	(tag) =	ssettag s2;
	_ =	strace s9  }
0x27: {  	s1 =	sld [smem:$0x3FA8]  }
0x28: {  	s2 =	sld [smem:$0x3FA9]  }
0x29: {  	s4 =	sld [smem:$0x3FAB]  }
0x2a: {  	p0 =	seq.s32 s5, $0x0;
	s5 =	sld [smem:$0x3FAC]  }
0x2b: {  	s6 =	sld [smem:$0x3FAD]  }
0x2c: {  	s7 =	sld [smem:$0x3FAE]  }
0x2d: {  	s3 =	simm.s32 $0x108;
	s8 =	sld [smem:$0x3FAF]  }
0x2e: {  	s3 =	simm.s32 @!p0 $0x1082;
	s9 =	sld [smem:$0x3FB0]  }
0x2f: {  	lr =	sadd.s32 s0, s3;
	s0 =	sld [smem:$0x3FA7]  }
0x30: {  	s3 =	sld [smem:$0x3FAA]  }
0x31: {  	[smem:$0x3FB3] =	sst s10  }
0x32: {  	s10 =	sld [smem:$0x3FB1];
	_ =	sdelay $0x3  }
0x33: {  	p0 =	seq.s32 s10, $0x1;
	s10 =	sld [smem:$0x3FB3];
	_ =	sdelay $0x3  }
0x34: {  	[smem:$0x3FB3] =	sst s10  }
0x35: {  	s10 =	sld [smem:$0x3FB2];
	_ =	sdelay $0x3  }
0x36: {  	p1 =	seq.s32 s10, $0x1;
	s10 =	sld [smem:$0x3FB3];
	_ =	sdelay $0x3  }
0x37: {  	[smem:$0x3FB3] =	sst s10  }
0x38: {  	s10 =	sld [smem:$0x3FB4]  }
0x39: {  	_ = 	snop;
	(pc) =	sbr.ind lr, $3  }
0x3a: {  	_ = 	snop  }
0x3b: {  	_ = 	snop  }
0x3c: {  	p2 =	seq.s32 s10, $0x1;
	s10 =	sld [smem:$0x3FB3]  }
0x3d: {  	_ =	shalt  }
0x3e: {  	_ =	shalt  }
0x3f: {  	_ =	shalt  }
0x40: {  	_ =	shalt  }
0x41: {  	_ =	shalt  }
0x42: {  	_ =	shalt  }
0x43: {  	_ =	shalt  }
0x44: {  	_ =	shalt  }
0x45: {  	_ =	shalt  }
0x46: {  	_ =	shalt  }
0x47: {  	_ =	shalt  }
0x48: {  	_ =	shalt  }
0x49: {  	_ =	shalt  }
0x4a: {  	_ =	shalt  }
0x4b: {  	_ =	shalt  }
0x4c: {  	_ =	shalt  }
0x4d: {  	_ =	shalt  }
0x4e: {  	_ =	shalt  }
0x4f: {  	_ =	shalt  }
0x50: {  	_ =	shalt  }
0x51: {  	_ =	shalt  }
0x52: {  	_ =	shalt  }
0x53: {  	_ =	shalt  }
0x54: {  	_ =	shalt  }
0x55: {  	_ =	shalt  }
0x56: {  	_ =	shalt  }
0x57: {  	_ =	shalt  }
0x58: {  	_ =	shalt  }
0x59: {  	_ =	shalt  }
0x5a: {  	_ =	shalt  }
0x5b: {  	_ =	shalt  }
0x5c: {  	_ =	shalt  }
0x5d: {  	_ =	shalt  }
0x5e: {  	_ =	shalt  }
0x5f: {  	_ =	shalt  }
0x60: {  	_ =	shalt  }
0x61: {  	_ =	shalt  }
0x62: {  	_ =	shalt  }
0x63: {  	_ =	shalt  }
0x64: {  	_ =	shalt  }
0x65: {  	_ =	shalt  }
0x66: {  	_ =	shalt  }
0x67: {  	_ =	shalt  }
0x68: {  	_ =	shalt  }
0x69: {  	_ =	shalt  }
0x6a: {  	_ =	shalt  }
0x6b: {  	_ =	shalt  }
0x6c: {  	_ =	shalt  }
0x6d: {  	_ =	shalt  }
0x6e: {  	_ =	shalt  }
0x6f: {  	_ =	shalt  }
0x70: {  	_ =	shalt  }
0x71: {  	_ =	shalt  }
0x72: {  	_ =	shalt  }
0x73: {  	_ =	shalt  }
0x74: {  	_ =	shalt  }
0x75: {  	_ =	shalt  }
0x76: {  	_ =	shalt  }
0x77: {  	_ =	shalt  }
0x78: {  	_ =	shalt  }
0x79: {  	_ =	shalt  }
0x7a: {  	_ =	shalt  }
0x7b: {  	_ =	shalt  }
0x7c: {  	_ =	shalt  }
0x7d: {  	_ =	shalt  }
0x7e: {  	_ =	shalt  }
0x7f: {  	_ =	shalt  }
0x80: {  	_ =	shalt  }
0x81: {  	_ =	shalt  }
0x82: {  	_ =	shalt  }
0x83: {  	_ =	shalt  }
0x84: {  	_ =	shalt  }
0x85: {  	_ =	shalt  }
0x86: {  	_ =	shalt  }
0x87: {  	_ =	shalt  }
.Lfunc_end0:
.L_simem_size_0:
called_computation.1_lowered:
.L_overlay_start_0:
0x88: {  	s2 =	sld [smem:$0x3FD9]  }
0x89: {  	s3 =	sld [smem:$0x3FFE];
	_ =	sdelay $0x1  }
0x8a: {  	s1 =	srdreg.scid  }
0x8b: {  	s0 =	sand.u32 $0x1, s1  }
0x8c: {  	s15 =	sshll.u32 s0, $0xA;
	s2 =	sadd.s32 s3, s2  }
0x8d: {  	s2 =	sadd.s32 s2, s15  }
0x8e: {  	[smem:$0x3FBF] =	sst s2  }
0x8f: {  	_ = 	snop  }
0x90: {  	s2 =	sld [smem:$0x3FD0];
	_ =	sdelay $0x2  }
0x91: {  	s16 =	simm.s32 $0xB;
	s4 =	simm.s32 $0x10  }
0x92: {  	[smem:s4], [sflag:s16] =	dma.local [hbm:s2], $0x1  }
0x93: {  	_ =	swait.eq [sflag:s16], $0x1  }
0x94: {  	[sflag:s16] =	ssyncset.done $0x0  }
0x95: {  	[sflag:s16] =	ssyncadd.s32 $0xFFFFFFFF  }
0x96: {  	s17 =	sld [smem:$0x10];
	(tm) =	ssettm $0x1  }
0x97: {  	s18 =	sld [smem:$0x3FFB];
	_ =	sdelay $0x3  }
0x98: {  	_ =	strace s18  }
0x99: {  	s2 =	sld [smem:$0x3FFC];
	_ =	sdelay $0x3  }
0x9a: {  	_ =	strace s2  }
0x9b: {  	s2 =	sld [smem:$0x3FFD];
	_ =	sdelay $0x3  }
0x9c: {  	_ =	strace s2  }
0x9d: {  	_ =	strace $0x8FFFFFFF  }
0x9e: {  	s19 =	sld [smem:$0x3FDB];
	_ =	sdelay $0x1  }
0x9f: {  	s20 =	simm.s32 $_scs_section_size  }
0xa0: {  	s5 =	simm.s32 $_size__tile_overlayer_lowered;
	s6 =	simm.s32 $_tile_overlayer_lowered  }
0xa1: {  	s7 =	simm.s32 $0x1BFF;
	s21 =	sshll.u32 s6, $0x1;
	s4 =	sadd.s32 s20, s19  }
0xa2: {  	s22 =	simm.s32 $0x0;
	s5 =	sshll.u32 s5, $0x1;
	s6 =	sadd.s32 s21, s4  }
0xa3: {  	[timem:s22], [sflag:s7] =	dma.local [hbm:s6], s5  }
0xa4: {  	_ =	swait.ge [sflag:s7], s5  }
0xa5: {  	s5 =	ssub.s32 $0x0, s5;
	[sflag:s7] =	ssyncset.done $0x0  }
0xa6: {  	[sflag:s7] =	ssyncadd.s32 s5;
	_ =	sdelay $0x1  }
0xa7: {  	s23 =	simm.s32 $0x1B8B  }
0xa8: {  	_ =	swait.ge [sflag:s23], $0x1  }
0xa9: {  	[sflag:s23] =	ssyncset.done $0x0  }
0xaa: {  	[sflag:s23] =	ssyncadd.s32 $0xFFFFFFFF  }
0xab: {  	s5 =	sld [smem:$0x0]  }
0xac: {  	s6 =	sand.u32 $0xFFFFFFFE, s1  }
0xad: {  	p0 =	sne.s32 s1, s6  }
0xae: {  	s6 =	sshll.u32 @p0 s6, $0xE  }
0xaf: {  	s6 =	sadd.s32 @p0 $0x11B8D, s6;
	s7 =	sshll.u32 @p0 s5, $0x11  }
0xb0: {  	s6 =	sor.u32 @p0 s7, s6  }
0xb1: {  	[sflag:s6] =	ssyncadd.remote.s32 @p0 $0x1;
	_ =	sdelay $0x1  }
0xb2: {  	s6 =	simm.s32 @p0 $0x1B8D  }
0xb3: {  	_ =	swait.eq @p0 [sflag:s6], $0x1  }
0xb4: {  	[sflag:s6] =	ssyncadd.s32 @p0 $0xFFFFFFFF  }
0xb5: {  	s7 =	sshll.u32 @!p0 s1, $0xE  }
0xb6: {  	s7 =	sor.u32 @!p0 $0x4000, s7;
	s6 =	simm.s32 @!p0 $0x1B8D  }
0xb7: {  	s5 =	sshll.u32 @!p0 s5, $0x11;
	s7 =	sadd.s32 @!p0 $0x11B8D, s7;
	_ =	swait.eq @!p0 [sflag:s6], $0x1  }
0xb8: {  	s5 =	sor.u32 @!p0 s5, s7;
	[sflag:s6] =	ssyncadd.s32 @!p0 $0xFFFFFFFF  }
0xb9: {  	s25 =	simm.s32 $0x1B8E;
	s24 =	sld [smem:$0x3FFE];
	[sflag:s5] =	ssyncadd.remote.s32 @!p0 $0x1  }
0xba: {  	s26 =	simm.s32 $execute0_lowered;
	[smem:$0x3FD2] =	sst s25  }
0xbb: {  	s6 =	sshll.u32 s26, $0x1;
	_ =	strace $0x80000050;
	[dreg:$0x1] =	wrdreg $0xFFFFFFFF  }
0xbc: {  	s28 =	simm.s32 $_size_execute0_lowered;
	s4 =	sadd.s32 s4, s6;
	[dreg:$0x0] =	wrdreg $0x0  }
0xbd: {  	s6 =	sshll.u32 s28, $0x1;
	[dreg:$0x2] =	wrdreg s4  }
0xbe: {  	[dreg:$0x3] =	wrdreg s6  }
0xbf: {  	[dreg:$0x4] =	wrdreg $0xC0  }
0xc0: {  	_ =	task [dreg:s22], $0x5FFFF  }
0xc1: {  	[dreg:$0x1] =	wrdreg $0xFFFFFFFF  }
0xc2: {  	[dreg:$0x0] =	wrdreg $0x60  }
0xc3: {  	[dreg:$0x2] =	wrdreg s24  }
0xc4: {  	[dreg:$0x3] =	wrdreg s17  }
0xc5: {  	[dreg:$0x4] =	wrdreg $0x9  }
0xc6: {  	_ =	task.clear_ibuf [dreg:s22], $0x5FFFF;
	_ =	strace $0x90000050  }
0xc7: {  	s29 =	simm.s32 $0x9;
	_ =	strace $0x80000059  }
0xc8: {  	_ =	swait.ge [sflag:s29], $0x1  }
0xc9: {  	[sflag:s29] =	ssyncadd.s32 $0xFFFFFFFF  }
0xca: {  	_ =	strace $0x90000059  }
0xcb: {  	_ =	sfence  }
0xcc: {  	s30 =	sld [smem:$0x0];
	_ =	sdelay $0x2  }
0xcd: {  	s31 =	sshll.u32 s1, $0xD;
	s1 =	sshrl.u32 s1, $0x2  }
0xce: {  	s4 =	sand.u32 $0x4000, s31;
	s1 =	sadd.s32 s1, s30  }
0xcf: {  	s0 =	sor.u32 s4, s0;
	s1 =	sshll.u32 s1, $0x11  }
0xd0: {  	s0 =	sor.u32 s1, s0  }
0xd1: {  	s0 =	sadd.s32 $0x8F2B, s0  }
0xd2: {  	[sflag:s0] =	ssyncadd.remote.s32 $0x1  }
0xd3: {  	_ =	sfence.sel $0xFFFF  }
0xd4: {  	[dreg:$0x0] =	wrdreg $0xFFFFFFFF;
	(pc) =	sbr.abs _section_cstart, $3  }
0xd5: {  	[dreg:$0x1] =	wrdreg $0xFFFFFFFF  }
0xd6: {  	_ =	task.clear_ibuf [dreg:s22], $0x2FFFF;
	_ =	strace $0x9FFFFFFF  }
0xd7: {  	(tm) =	ssettm $0x7FFFFFFF  }
tec
execute0_lowered:
.L_overlay_start_1:
0x0: {  	(tag) =	ssettag $0x1  }
0x1: {  	s3 =	rddreg [dreg:$0x0]  }
0x2: {  	s0 =	rddreg [dreg:$0x1]  }
0x3: {  	s1 =	simm.s32 $0x0;
	[dreg:$0x5] =	wrdreg s0  }
0x4: {  	s2 =	srdreg.scid;
	s8 =	simm.s32 $0x80;
	s0 =	rddreg [dreg:$0x2]  }
0x5: {  	s9 =	simm.s32 $0x4;
	s10 =	simm.s32 $0x0;
	[smem:$0x7FF] =	sst s1  }
0x6: {  	s4 =	sadd.s32 $0x17C00, s3;
	s5 =	sand.u32 $0x1, s2;
	s2 =	stileid.u32  }
0x7: {  	s3 =	sadd.s32 $0x15C00, s3;
	_ =	strace $0x80000051;
	[dreg:$0x3] =	wrdreg s4  }
0x8: {  	s6 =	ssub.s32 $0x2, s5;
	s5 =	sshll.u32 s5, $0x4;
	[dreg:$0x4] =	wrdreg s8  }
0x9: {  	s8 =	simm.s32 $0x5;
	s31 =	sshrl.u32 s6, $0x1;
	s5 =	sor.u32 s2, s5  }
0xa: {  	s6 =	ssub.s32 s6, s31;
	s7 =	sshll.u32 s5, $0x8;
	s4 =	sshll.u32 s5, $0x4  }
0xb: {  	s5 =	sadd.s32 s3, s7;
	s6 =	smax.u32 s6, $0x1;
	s7 =	simm.s32 $0x1  }
.LBB2_1:
0xc: {  	_ =	strace $0x80000052;
	s11 =	simm.s32 $0x1;
	p0 =	por $0x0, $0x0  }
0xd: {  	[tilespmem:s1], [sflag:$0x1] =	stream.linear.gather [hbm4b:s5+s1], $0x80, $0x200038;
	[tilespmem:$0x900] =	vst v63  }
0xe: {  	s11 =	simm.s32 @p0 $0x0  }
0xf: {  	p4 =	por $0x1, $0x1;
	s20 =	sand.u32 $0x1, s1;
	p1 =	sne.s32 s11, $0x0  }
0x10: {  	p2 =	por $0x1, $0x1;
	s18 =	simm.s32 $0xE;
	p0 =	por !p4, !p1  }
0x11: {  	s16 =	simm.s32 $0x0;
	p5 =	por $0x0, $0x0;
	p0 =	por !p0, !p0  }
0x12: {  	s23 =	sadd.s32 $0x0, s4;
	s30 =	sadd.s32 $0x1, s20;
	s12 =	sadd.s32 @p0 s4, s11  }
0x13: {  	_ =	strace $0x90000052;
	s13 =	sand.u32 @p0 $0x1, s7;
	s12 =	sshll.u32 @p0 s12, $0x4  }
0x14: {  	_ =	strace @p0 $0x80000053;
	s15 =	simm.s32 @p0 $0x0;
	s12 =	sand.u32 @p0 $0x1FFFFFF0, s12  }
0x15: {  	s14 =	sshll.u32 @p0 s13, $0x7;
	s13 =	sadd.s32 @p0 $0x1, s13;
	s12 =	sadd.s32 @p0 s3, s12  }
0x16: {  	[tilespmem:s14], [sflag:s13] =	stream.linear.gather @p0 [hbm4b:s12+s15], $0x80, $0x200038;
	[tilespmem:$0x900] =	vst v63  }
0x17: {  	p3 =	por p2, p2;
	s21 =	sshll.u32 s20, $0xA;
	_ =	strace @p0 $0x90000053  }
0x18: {  	s16 =	sand.u32 $0x80, s16;
	p2 =	por p5, p5;
	_ =	strace $0x80000054  }
0x19: {  	s17 =	sadd.s32 $0x1, s11;
	s22 =	sor.u32 $0x100, s21;
	_ =	swait.ge [sflag:s30], $0x80  }
0x1a: {  	s21 =	simm.s32 $0x1;
	p6 =	por p1, p1;
	[sflag:s30] =	ssyncset.done $0x0  }
0x1b: {  	p1 =	por p3, p3;
	p4 =	por $0x1, $0x1;
	[sflag:s30] =	ssyncadd.s32 $0xFFFFFF80  }
0x1c: {  	s12 =	simm.s32 $0xF;
	s15 =	sand.u32 @!p3 $0x1, s1;
	_ =	strace $0x90000054  }
0x1d: {  	s13 =	simm.s32 $0x1;
	p3 =	seq.s32 s17, $0x10;
	_ =	strace $0x80000055  }
0x1e: {  	s13 =	simm.s32 @!p0 $0x0;
	s17 =	simm.s32 @p3 $0x0;
	s19 =	rddreg [dreg:$0x4]  }
0x1f: {  	p0 =	por $0x0, $0x0;
	s14 =	sadd.s32 $0x1, s13;
	s31 =	rddreg [dreg:$0x3]  }
0x20: {  	[tilespmem:s22], [sflag:$0x5] =	stream.indirect.gather [hbm4b:s31+s19], $0x8, s16, s19, $0x2000b8;
	[tilespmem:$0x900] =	vst v63  }
0x21: {  	p3 =	sne.s32 s11, s17;
	s21 =	simm.s32 @!p0 $0x0;
	_ =	swait.ge [sflag:s8], $0x400  }
0x22: {  	p5 =	por !p4, !p3;
	p4 =	por $0x0, $0x0;
	[sflag:s8] =	ssyncset.done $0x0  }
0x23: {  	s13 =	simm.s32 $0x0;
	p6 =	por p4, p6;
	[sflag:s8] =	ssyncadd.s32 $0xFFFFFC00  }
0x24: {  	s16 =	simm.s32 $0x0;
	s19 =	simm.s32 $0x0;
	_ =	strace $0x90000055  }
.LBB2_2:
0x25: {  	_ =	strace @p6 $0x80000056;
	s13 =	sadd.s32 s21, s13;
	s21 =	smov.u32 s12  }
0x26: {  	s12 =	smov.u32 s18;
	s18 =	sadd.s32 $0xFFFFFFFF, s18;
	p0 =	por p3, p3  }
0x27: {  	s28 =	sshll.u32 @p6 s23, $0x7;
	s20 =	sadd.s32 @p6 $0x3, s20;
	s24 =	simm.s32 @!p0 $0x0  }
0x28: {  	s25 =	rddreg [dreg:$0x5];
	s28 =	sand.u32 @p6 $0x1FFFFF80, s28;
	s24 =	simm.s32 @p0 $0x1  }
0x29: {  	s25 =	sadd.s32 @p6 s25, s28;
	s28 =	simm.s32 @p6 $0x0;
	p0 =	sne.s32 s18, $0x0  }
0x2a: {  	[hbm4b:s25+s28] =	stream.linear.scatter @p6 [tilespmem:s22], [sflag:s20], $0x400, $0x200038;
	[tilespmem:$0x900] =	vst v63  }
0x2b: {  	s20 =	sadd.s32 @!p1 $0x3, s15;
	s15 =	simm.s32 @!p0 $0x0  }
0x2c: {  	s26 =	simm.s32 $0x1;
	[smem:$0x7FC] =	sst s24;
	s15 =	simm.s32 @p0 $0x1  }
0x2d: {  	s26 =	simm.s32 @!p6 $0x0;
	_ =	strace @p6 $0x90000056;
	[smem:$0x7FD] =	sst s15  }
0x2e: {  	p5 =	por !p5, !p5;
	s19 =	sadd.s32 s26, s19;
	_ =	strace @!p1 $0x80000057  }
0x2f: {  	s24 =	sand.u32 @!p2 $0x1, s13;
	s22 =	sand.u32 @p5 $0x1, s14;
	_ =	swait.ge @!p1 [sflag:s20], $0x400  }
0x30: {  	s15 =	smov.u32 s24;
	s24 =	sadd.s32 @p5 s4, s17;
	[sflag:s20] =	ssyncset.done @!p1 $0x0  }
0x31: {  	s25 =	sshll.u32 @p5 s22, $0x7;
	s24 =	sshll.u32 @p5 s24, $0x4;
	[sflag:s20] =	ssyncadd.s32 @!p1 $0xFFFFFC00  }
0x32: {  	s20 =	sadd.s32 @p5 $0x1, s22;
	s22 =	sand.u32 @p5 $0x1FFFFFF0, s24;
	_ =	strace @!p1 $0x90000057  }
0x33: {  	s24 =	simm.s32 @p5 $0x0;
	s22 =	sadd.s32 @p5 s3, s22;
	_ =	strace @p5 $0x80000053  }
0x34: {  	[tilespmem:s25], [sflag:s20] =	stream.linear.gather @p5 [hbm4b:s22+s24], $0x80, $0x200038;
	[tilespmem:$0x900] =	vst v63  }
0x35: {  	s16 =	sadd.s32 s26, s16;
	s26 =	sand.u32 $0x1, s19;
	_ =	strace @p5 $0x90000053  }
0x36: {  	s24 =	sadd.s32 $0x1, s26;
	_ =	strace $0x80000054  }
0x37: {  	_ =	swait.ge [sflag:s24], $0x80  }
0x38: {  	[sflag:s24] =	ssyncset.done $0x0  }
0x39: {  	s20 =	simm.s32 $0x1;
	[sflag:s24] =	ssyncadd.s32 $0xFFFFFF80  }
0x3a: {  	s20 =	simm.s32 @!p5 $0x0;
	_ =	strace $0x90000054  }
0x3b: {  	s14 =	sadd.s32 s20, s14;
	s20 =	sand.u32 $0x1, s16;
	_ =	strace $0x80000055  }
0x3c: {  	s29 =	sshll.u32 s19, $0x7;
	s25 =	sshll.u32 s20, $0xA;
	s26 =	rddreg [dreg:$0x4]  }
0x3d: {  	s29 =	sand.u32 $0x80, s29;
	s22 =	sor.u32 $0x100, s25;
	s30 =	rddreg [dreg:$0x3]  }
0x3e: {  	[tilespmem:s22], [sflag:$0x5] =	stream.indirect.gather [hbm4b:s30+s26], $0x8, s29, s26, $0x2000b8;
	[tilespmem:$0x900] =	vst v63  }
0x3f: {  	_ =	swait.ge [sflag:s8], $0x400  }
0x40: {  	s31 =	sadd.s32 $0x1, s17;
	[sflag:s8] =	ssyncset.done $0x0  }
0x41: {  	s23 =	sadd.s32 s4, s11;
	s11 =	smov.u32 s17;
	[sflag:s8] =	ssyncadd.s32 $0xFFFFFC00  }
0x42: {  	p3 =	seq.s32 s31, $0x10;
	s17 =	smov.u32 s31;
	_ =	strace $0x90000055  }
0x43: {  	s17 =	simm.s32 @p3 $0x0;
	s31 =	sld [smem:$0x7FD]  }
0x44: {  	p6 =	sne.s32 s12, $0x1;
	p0 =	sne.s32 s21, $0x10;
	p3 =	sne.s32 s11, s17  }
0x45: {  	p5 =	por !p6, !p3;
	p6 =	seq.s32 s21, $0x1;
	s21 =	simm.s32 $0x1  }
0x46: {  	s21 =	simm.s32 @!p0 $0x0;
	p0 =	seq.s32 s31, $0x1  }
.Ltmp0:
0x47: {  	s30 =	sld [smem:$0x7FC];
	(pc) =	sbr.rel @p0 .LBB2_2-.Ltmp0, $4  }
0x48: {  	_ = 	snop  }
0x49: {  	p4 =	seq.s32 s12, $0x10  }
0x4a: {  	p1 =	por p2, p2;
	p2 =	por p4, p4;
	p4 =	seq.s32 s30, $0x1  }
0x4b: {  	p6 =	por p6, p4  }
0x4c: {  	_ =	strace @p6 $0x80000056;
	s23 =	sshll.u32 @p6 s23, $0x7  }
0x4d: {  	s18 =	rddreg [dreg:$0x5];
	s23 =	sand.u32 @p6 $0x1FFFFF80, s23  }
0x4e: {  	s20 =	sadd.s32 @p6 $0x3, s20;
	s18 =	sadd.s32 @p6 s18, s23;
	s23 =	simm.s32 @p6 $0x0  }
0x4f: {  	[hbm4b:s18+s23] =	stream.linear.scatter @p6 [tilespmem:s22], [sflag:s20], $0x400, $0x200038;
	[tilespmem:$0x900] =	vst v63  }
0x50: {  	p0 =	por !p5, !p5;
	_ =	strace @p6 $0x90000056  }
0x51: {  	s15 =	sadd.s32 @!p1 $0x3, s15;
	s17 =	sadd.s32 @p0 s4, s17;
	_ =	strace @!p1 $0x80000057  }
0x52: {  	s14 =	sand.u32 @p0 $0x1, s14;
	s17 =	sshll.u32 @p0 s17, $0x4;
	_ =	swait.ge @!p1 [sflag:s15], $0x400  }
0x53: {  	s18 =	simm.s32 $0x1;
	s20 =	sshll.u32 @p0 s14, $0x7;
	[sflag:s15] =	ssyncset.done @!p1 $0x0  }
0x54: {  	s14 =	sadd.s32 @p0 $0x1, s14;
	s18 =	simm.s32 @!p6 $0x0;
	[sflag:s15] =	ssyncadd.s32 @!p1 $0xFFFFFC00  }
0x55: {  	s19 =	sadd.s32 s18, s19;
	s15 =	sand.u32 @p0 $0x1FFFFFF0, s17;
	_ =	strace @!p1 $0x90000057  }
0x56: {  	s17 =	simm.s32 @p0 $0x0;
	s15 =	sadd.s32 @p0 s3, s15;
	_ =	strace @p0 $0x80000053  }
0x57: {  	[tilespmem:s20], [sflag:s14] =	stream.linear.gather @p0 [hbm4b:s15+s17], $0x80, $0x200038;
	[tilespmem:$0x900] =	vst v63  }
0x58: {  	s25 =	sand.u32 $0x1, s19;
	_ =	strace @p0 $0x90000053  }
0x59: {  	s14 =	sadd.s32 $0x1, s25;
	_ =	strace $0x80000054  }
0x5a: {  	_ =	swait.ge [sflag:s14], $0x80  }
0x5b: {  	[sflag:s14] =	ssyncset.done $0x0  }
0x5c: {  	[sflag:s14] =	ssyncadd.s32 $0xFFFFFF80  }
0x5d: {  	s26 =	sadd.s32 s18, s16;
	_ =	strace $0x90000054  }
0x5e: {  	s14 =	sand.u32 $0x1, s26;
	_ =	strace $0x80000055  }
0x5f: {  	s30 =	sshll.u32 s19, $0x7;
	s31 =	sshll.u32 s14, $0xA;
	s28 =	rddreg [dreg:$0x4]  }
0x60: {  	s17 =	sand.u32 $0x80, s30;
	s18 =	sor.u32 $0x100, s31;
	s29 =	rddreg [dreg:$0x3]  }
0x61: {  	[tilespmem:s18], [sflag:$0x5] =	stream.indirect.gather [hbm4b:s29+s28], $0x8, s17, s28, $0x2000b8;
	[tilespmem:$0x900] =	vst v63  }
0x62: {  	_ =	swait.ge [sflag:s8], $0x400  }
0x63: {  	[sflag:s8] =	ssyncset.done $0x0  }
0x64: {  	p5 =	por p3, p3;
	p6 =	seq.s32 s12, $0x1;
	[sflag:s8] =	ssyncadd.s32 $0xFFFFFC00  }
0x65: {  	s11 =	sadd.s32 s4, s11;
	p0 =	por p6, p5;
	_ =	strace $0x90000055  }
0x66: {  	s11 =	sshll.u32 @p0 s11, $0x7;
	_ =	strace @p0 $0x80000056  }
0x67: {  	s13 =	sadd.s32 s21, s13;
	s11 =	sand.u32 @p0 $0x1FFFFF80, s11;
	s12 =	rddreg [dreg:$0x5]  }
0x68: {  	s14 =	sadd.s32 @p0 $0x3, s14;
	s11 =	sadd.s32 @p0 s12, s11;
	s12 =	simm.s32 @p0 $0x0  }
0x69: {  	[hbm4b:s11+s12] =	stream.linear.scatter @p0 [tilespmem:s18], [sflag:s14], $0x400, $0x200038;
	[tilespmem:$0x900] =	vst v63  }
0x6a: {  	p1 =	por p2, p2;
	s11 =	sand.u32 @!p2 $0x1, s13;
	_ =	strace @p0 $0x90000056  }
0x6b: {  	s11 =	sadd.s32 @!p1 $0x3, s11;
	_ =	strace @!p1 $0x80000057  }
0x6c: {  	_ =	swait.ge @!p1 [sflag:s11], $0x400  }
0x6d: {  	[sflag:s11] =	ssyncset.done @!p1 $0x0  }
0x6e: {  	s10 =	sadd.s32 $0x1, s10;
	[sflag:s11] =	ssyncadd.s32 @!p1 $0xFFFFFC00  }
0x6f: {  	p0 =	sne.s32 s10, s6;
	_ =	strace @!p1 $0x90000057  }
.Ltmp1:
0x70: {  	_ =	strace $0x80000058;
	(pc) =	sbr.rel @p0 .LBB2_1-.Ltmp1, $4  }
0x71: {  	_ =	swait.ge [sflag:s9], $0x400  }
0x72: {  	[sflag:s9] =	ssyncset.done $0x0  }
0x73: {  	[sflag:s9] =	ssyncadd.s32 $0xFFFFFC00  }
0x74: {  	_ =	strace $0x90000058  }
0x75: {  	_ =	sfence.sel $0x180000  }
0x76: {  	[bflag:$0x0] =	sbarrier.arrive $0xFFFF  }
0x77: {  	p0 =	sne.s32 s2, $0x0;
	_ =	strace $0x90000051  }
0x78: {  	s0 =	sadd.s32 @!p0 $0x100000, s0;
	[bflag:$0x2] =	sbarrier.arrive $0xFFFF  }
0x79: {  	[sflag:s0] =	ssyncadd.tile.s32 @!p0 $0x1;
	_ =	shalt  }
.Lfunc_end2:
_tile_overlayer_lowered:
.L_overlay_start_2:
0x7a: {  	(tag) =	ssettag $0x2  }
0x7b: {  	s0 =	rddreg [dreg:$0x0];
	s2 =	stileid.u32  }
0x7c: {  	s1 =	rddreg [dreg:$0x1];
	p0 =	sne.s32 s2, $0x0  }
0x7d: {  	s3 =	rddreg [dreg:$0x2];
	[bflag:$0x3] =	sbarrier.arrive $0xFFFF;
	s2 =	simm.s32 @!p0 $0x1C01  }
0x7e: {  	[timem:s3], [sflag:s2] =	dma.local @!p0 [hbm:s0], s1  }
0x7f: {  	s0 =	simm.s32 @!p0 $0x1  }
0x80: {  	_ =	swait.ge @!p0 [sflag:s0], s1  }
0x81: {  	s1 =	ssub.s32 @!p0 $0x0, s1;
	[sflag:s0] =	ssyncset.done @!p0 $0x0  }
0x82: {  	[sflag:s0] =	ssyncadd.s32 @!p0 s1  }
0x83: {  	[bflag:$0x3] =	sbarrier.arrive $0xFFFF  }
0x84: {  	_ =	shalt  }

// kernel: kernel.18.cloned.1.call-start
scs
__scs_entry_jumppad:
0x0: {  	(pc) =	sbr.rel $0x88, $3  }
0x1: {  	(tag) =	ssettag $0x0;
	lr =	simm.s32 $0x1  }
0x2: {  	[smem:$0x3F98] =	sst lr;
	_ =	strace $0xD0000000  }
0x3: {  	_ = 	snop  }
0x4: {  	_ = 	snop  }
0x5: {  	_ = 	snop  }
0x6: {  	_ = 	snop  }
0x7: {  	_ = 	snop  }
__scs_overlays_trampoline_lowered:
0x8: {  	[smem:$0x3FA7] =	sst s0  }
0x9: {  	[smem:$0x3FA8] =	sst s1  }
0xa: {  	[smem:$0x3FA9] =	sst s2  }
0xb: {  	[smem:$0x3FAA] =	sst s3  }
0xc: {  	[smem:$0x3FAB] =	sst s4  }
0xd: {  	[smem:$0x3FAC] =	sst s5  }
0xe: {  	[smem:$0x3FAD] =	sst s6  }
0xf: {  	[smem:$0x3FAE] =	sst s7  }
0x10: {  	[smem:$0x3FAF] =	sst s8  }
0x11: {  	[smem:$0x3FB0] =	sst s9;
	s0 =	simm.s32 @!p0 $0x0  }
0x12: {  	s1 =	sld [smem:$0x3F96];
	s0 =	simm.s32 @p0 $0x1  }
0x13: {  	[smem:$0x3FB1] =	sst s0;
	s0 =	simm.s32 @!p1 $0x0  }
0x14: {  	s2 =	sld [smem:$0x3F95];
	s0 =	simm.s32 @p1 $0x1  }
0x15: {  	[smem:$0x3FB2] =	sst s0;
	s0 =	simm.s32 @!p2 $0x0  }
0x16: {  	s3 =	sld [smem:$0x3FDB];
	s0 =	simm.s32 @p2 $0x1  }
0x17: {  	s4 =	simm.s32 $0x1BF5;
	[smem:$0x3FB4] =	sst s0  }
0x18: {  	s0 =	sld [smem:$0x3F97];
	_ =	swait.ge [sflag:s4], $0x0  }
0x19: {  	s7 =	sld [smem:$0x3F98]  }
0x1a: {  	s8 =	sadd.s32 $0xFFFFE003, lr  }
0x1b: {  	s9 =	sadd.s32 $0xFFFFFEF7, lr;
	s5 =	simm.s32 $0xFFFFFFFF;
	p2 =	slt.u32 s8, $0xFFFFF086  }
0x1c: {  	p1 =	slt.u32 s9, $0xF7A;
	s5 =	simm.s32 @!p2 $0x0  }
0x1d: {  	s5 =	simm.s32 @p1 $0x1;
	p0 =	seq.s32 s7, s2  }
0x1e: {  	s7 =	smul.u32 @!p0 $0xF7A, s2;
	p2 =	seq.s32 @!p0 s5, $0x0  }
0x1f: {  	s9 =	smul.u32 $0xF7A, s1;
	s8 =	simm.s32 @!p0 $0x1BF5;
	p2 =	por !p2, p0  }
0x20: {  	[sflag:s8] =	ssyncset.s32 @!p0 $0xFFFFF086;
	s6 =	sadd.s32 @!p0 s3, s7;
	s7 =	simm.s32 @!p0 $0x108  }
0x21: {  	s3 =	sadd.s32 s3, s9;
	s6 =	sadd.s32 @!p0 $0x88, s6;
	s7 =	simm.s32 @p2 $0x1082  }
0x22: {  	[simem:s7], [sflag:s8] =	dma.local @!p0 [hbm:s6], $0xF7A  }
0x23: {  	s9 =	sor.u32 $0xD0000000, s2;
	s6 =	simm.s32 $0x108;
	_ =	swait.ge @!p0 [sflag:s8], $0x0  }
0x24: {  	s3 =	sadd.s32 $0x88, s3;
	s6 =	simm.s32 @!p1 $0x1082;
	[sflag:s4] =	ssyncset.s32 $0xFFFFF086  }
0x25: {  	[simem:s6], [sflag:s4] =	dma.local [hbm:s3], $0xF7A  }
0x26: {  	[smem:$0x3F98] =	sst s1;
	(tag) =	ssettag s2;
	_ =	strace s9  }
0x27: {  	s1 =	sld [smem:$0x3FA8]  }
0x28: {  	s2 =	sld [smem:$0x3FA9]  }
0x29: {  	s4 =	sld [smem:$0x3FAB]  }
0x2a: {  	p0 =	seq.s32 s5, $0x0;
	s5 =	sld [smem:$0x3FAC]  }
0x2b: {  	s6 =	sld [smem:$0x3FAD]  }
0x2c: {  	s7 =	sld [smem:$0x3FAE]  }
0x2d: {  	s3 =	simm.s32 $0x108;
	s8 =	sld [smem:$0x3FAF]  }
0x2e: {  	s3 =	simm.s32 @!p0 $0x1082;
	s9 =	sld [smem:$0x3FB0]  }
0x2f: {  	lr =	sadd.s32 s0, s3;
	s0 =	sld [smem:$0x3FA7]  }
0x30: {  	s3 =	sld [smem:$0x3FAA]  }
0x31: {  	[smem:$0x3FB3] =	sst s10  }
0x32: {  	s10 =	sld [smem:$0x3FB1];
	_ =	sdelay $0x3  }
0x33: {  	p0 =	seq.s32 s10, $0x1;
	s10 =	sld [smem:$0x3FB3];
	_ =	sdelay $0x3  }
0x34: {  	[smem:$0x3FB3] =	sst s10  }
0x35: {  	s10 =	sld [smem:$0x3FB2];
	_ =	sdelay $0x3  }
0x36: {  	p1 =	seq.s32 s10, $0x1;
	s10 =	sld [smem:$0x3FB3];
	_ =	sdelay $0x3  }
0x37: {  	[smem:$0x3FB3] =	sst s10  }
0x38: {  	s10 =	sld [smem:$0x3FB4]  }
0x39: {  	_ = 	snop;
	(pc) =	sbr.ind lr, $3  }
0x3a: {  	_ = 	snop  }
0x3b: {  	_ = 	snop  }
0x3c: {  	p2 =	seq.s32 s10, $0x1;
	s10 =	sld [smem:$0x3FB3]  }
0x3d: {  	_ =	shalt  }
0x3e: {  	_ =	shalt  }
0x3f: {  	_ =	shalt  }
0x40: {  	_ =	shalt  }
0x41: {  	_ =	shalt  }
0x42: {  	_ =	shalt  }
0x43: {  	_ =	shalt  }
0x44: {  	_ =	shalt  }
0x45: {  	_ =	shalt  }
0x46: {  	_ =	shalt  }
0x47: {  	_ =	shalt  }
0x48: {  	_ =	shalt  }
0x49: {  	_ =	shalt  }
0x4a: {  	_ =	shalt  }
0x4b: {  	_ =	shalt  }
0x4c: {  	_ =	shalt  }
0x4d: {  	_ =	shalt  }
0x4e: {  	_ =	shalt  }
0x4f: {  	_ =	shalt  }
0x50: {  	_ =	shalt  }
0x51: {  	_ =	shalt  }
0x52: {  	_ =	shalt  }
0x53: {  	_ =	shalt  }
0x54: {  	_ =	shalt  }
0x55: {  	_ =	shalt  }
0x56: {  	_ =	shalt  }
0x57: {  	_ =	shalt  }
0x58: {  	_ =	shalt  }
0x59: {  	_ =	shalt  }
0x5a: {  	_ =	shalt  }
0x5b: {  	_ =	shalt  }
0x5c: {  	_ =	shalt  }
0x5d: {  	_ =	shalt  }
0x5e: {  	_ =	shalt  }
0x5f: {  	_ =	shalt  }
0x60: {  	_ =	shalt  }
0x61: {  	_ =	shalt  }
0x62: {  	_ =	shalt  }
0x63: {  	_ =	shalt  }
0x64: {  	_ =	shalt  }
0x65: {  	_ =	shalt  }
0x66: {  	_ =	shalt  }
0x67: {  	_ =	shalt  }
0x68: {  	_ =	shalt  }
0x69: {  	_ =	shalt  }
0x6a: {  	_ =	shalt  }
0x6b: {  	_ =	shalt  }
0x6c: {  	_ =	shalt  }
0x6d: {  	_ =	shalt  }
0x6e: {  	_ =	shalt  }
0x6f: {  	_ =	shalt  }
0x70: {  	_ =	shalt  }
0x71: {  	_ =	shalt  }
0x72: {  	_ =	shalt  }
0x73: {  	_ =	shalt  }
0x74: {  	_ =	shalt  }
0x75: {  	_ =	shalt  }
0x76: {  	_ =	shalt  }
0x77: {  	_ =	shalt  }
0x78: {  	_ =	shalt  }
0x79: {  	_ =	shalt  }
0x7a: {  	_ =	shalt  }
0x7b: {  	_ =	shalt  }
0x7c: {  	_ =	shalt  }
0x7d: {  	_ =	shalt  }
0x7e: {  	_ =	shalt  }
0x7f: {  	_ =	shalt  }
0x80: {  	_ =	shalt  }
0x81: {  	_ =	shalt  }
0x82: {  	_ =	shalt  }
0x83: {  	_ =	shalt  }
0x84: {  	_ =	shalt  }
0x85: {  	_ =	shalt  }
0x86: {  	_ =	shalt  }
0x87: {  	_ =	shalt  }
.Lfunc_end0:
.L_simem_size_0:
called_computation.2_lowered:
.L_overlay_start_0:
0x88: {  	s2 =	sld [smem:$0x3FD9]  }
0x89: {  	s3 =	sld [smem:$0x3FFE];
	_ =	sdelay $0x1  }
0x8a: {  	s1 =	srdreg.scid  }
0x8b: {  	s0 =	sand.u32 $0x1, s1  }
0x8c: {  	s17 =	sshll.u32 s0, $0xA;
	s2 =	sadd.s32 s3, s2  }
0x8d: {  	s2 =	sadd.s32 s2, s17  }
0x8e: {  	[smem:$0x3FBF] =	sst s2  }
0x8f: {  	_ = 	snop  }
0x90: {  	(tm) =	ssettm $0x1  }
0x91: {  	s18 =	sld [smem:$0x3FFB];
	_ =	sdelay $0x3  }
0x92: {  	_ =	strace s18  }
0x93: {  	s2 =	sld [smem:$0x3FFC];
	_ =	sdelay $0x3  }
0x94: {  	_ =	strace s2  }
0x95: {  	s2 =	sld [smem:$0x3FFD];
	_ =	sdelay $0x3  }
0x96: {  	_ =	strace s2  }
0x97: {  	_ =	strace $0x8FFFFFFF  }
0x98: {  	s19 =	sld [smem:$0x3FDB];
	_ =	sdelay $0x1  }
0x99: {  	s20 =	simm.s32 $_scs_section_size  }
0x9a: {  	s4 =	simm.s32 $_size__tile_overlayer_lowered;
	s5 =	simm.s32 $_tile_overlayer_lowered  }
0x9b: {  	s6 =	simm.s32 $0x1BFF;
	s21 =	sshll.u32 s5, $0x1;
	s3 =	sadd.s32 s20, s19  }
0x9c: {  	s22 =	simm.s32 $0x0;
	s4 =	sshll.u32 s4, $0x1;
	s5 =	sadd.s32 s21, s3  }
0x9d: {  	[timem:s22], [sflag:s6] =	dma.local [hbm:s5], s4  }
0x9e: {  	_ =	swait.ge [sflag:s6], s4  }
0x9f: {  	s4 =	ssub.s32 $0x0, s4;
	[sflag:s6] =	ssyncset.done $0x0  }
0xa0: {  	[sflag:s6] =	ssyncadd.s32 s4;
	_ =	sdelay $0x1  }
0xa1: {  	s23 =	simm.s32 $0x1B8B  }
0xa2: {  	_ =	swait.ge [sflag:s23], $0x1  }
0xa3: {  	[sflag:s23] =	ssyncset.done $0x0  }
0xa4: {  	[sflag:s23] =	ssyncadd.s32 $0xFFFFFFFF  }
0xa5: {  	s4 =	sld [smem:$0x0]  }
0xa6: {  	s5 =	sand.u32 $0xFFFFFFFE, s1  }
0xa7: {  	p0 =	sne.s32 s1, s5  }
0xa8: {  	s5 =	sshll.u32 @p0 s5, $0xE  }
0xa9: {  	s5 =	sadd.s32 @p0 $0x11B8D, s5;
	s6 =	sshll.u32 @p0 s4, $0x11  }
0xaa: {  	s5 =	sor.u32 @p0 s6, s5  }
0xab: {  	[sflag:s5] =	ssyncadd.remote.s32 @p0 $0x1;
	_ =	sdelay $0x1  }
0xac: {  	s5 =	simm.s32 @p0 $0x1B8D  }
0xad: {  	_ =	swait.eq @p0 [sflag:s5], $0x1  }
0xae: {  	[sflag:s5] =	ssyncadd.s32 @p0 $0xFFFFFFFF  }
0xaf: {  	s6 =	sshll.u32 @!p0 s1, $0xE  }
0xb0: {  	s6 =	sor.u32 @!p0 $0x4000, s6;
	s5 =	simm.s32 @!p0 $0x1B8D  }
0xb1: {  	s4 =	sshll.u32 @!p0 s4, $0x11;
	s6 =	sadd.s32 @!p0 $0x11B8D, s6;
	_ =	swait.eq @!p0 [sflag:s5], $0x1  }
0xb2: {  	s4 =	sor.u32 @!p0 s4, s6;
	[sflag:s5] =	ssyncadd.s32 @!p0 $0xFFFFFFFF  }
0xb3: {  	s25 =	simm.s32 $0x1B8E;
	s24 =	sld [smem:$0x3FFE];
	[sflag:s4] =	ssyncadd.remote.s32 @!p0 $0x1  }
0xb4: {  	s26 =	simm.s32 $execute0_lowered;
	[smem:$0x3FD2] =	sst s25  }
0xb5: {  	s5 =	sshll.u32 s26, $0x1;
	_ =	strace $0x8000005A;
	[dreg:$0x1] =	wrdreg $0xFFFFFFFF  }
0xb6: {  	s28 =	simm.s32 $_size_execute0_lowered;
	s3 =	sadd.s32 s3, s5;
	[dreg:$0x0] =	wrdreg $0x0  }
0xb7: {  	s5 =	sshll.u32 s28, $0x1;
	[dreg:$0x2] =	wrdreg s3  }
0xb8: {  	[dreg:$0x3] =	wrdreg s5  }
0xb9: {  	[dreg:$0x4] =	wrdreg $0xC0  }
0xba: {  	_ =	task [dreg:s22], $0x5FFFF  }
0xbb: {  	[dreg:$0x1] =	wrdreg $0xFFFFFFFF  }
0xbc: {  	[dreg:$0x0] =	wrdreg $0x60  }
0xbd: {  	[dreg:$0x2] =	wrdreg s24  }
0xbe: {  	[dreg:$0x3] =	wrdreg $0xA  }
0xbf: {  	_ =	task.clear_ibuf [dreg:s22], $0x4FFFF;
	_ =	strace $0x9000005A  }
0xc0: {  	s29 =	simm.s32 $0xA;
	_ =	strace $0x80000063  }
0xc1: {  	_ =	swait.ge [sflag:s29], $0x1  }
0xc2: {  	[sflag:s29] =	ssyncadd.s32 $0xFFFFFFFF  }
0xc3: {  	_ =	strace $0x90000063  }
0xc4: {  	_ =	sfence  }
0xc5: {  	s30 =	sld [smem:$0x0];
	_ =	sdelay $0x2  }
0xc6: {  	s31 =	sshll.u32 s1, $0xD;
	s1 =	sshrl.u32 s1, $0x2  }
0xc7: {  	s4 =	sand.u32 $0x4000, s31;
	s1 =	sadd.s32 s1, s30  }
0xc8: {  	s0 =	sor.u32 s4, s0;
	s1 =	sshll.u32 s1, $0x11  }
0xc9: {  	s0 =	sor.u32 s1, s0  }
0xca: {  	s0 =	sadd.s32 $0x8F2B, s0  }
0xcb: {  	[sflag:s0] =	ssyncadd.remote.s32 $0x1  }
0xcc: {  	_ =	sfence.sel $0xFFFF  }
0xcd: {  	[dreg:$0x0] =	wrdreg $0xFFFFFFFF;
	(pc) =	sbr.abs _section_cstart, $3  }
0xce: {  	[dreg:$0x1] =	wrdreg $0xFFFFFFFF  }
0xcf: {  	_ =	task.clear_ibuf [dreg:s22], $0x2FFFF;
	_ =	strace $0x9FFFFFFF  }
0xd0: {  	(tm) =	ssettm $0x7FFFFFFF  }
0xd1: {  	_ =	shalt  }
tec
execute0_lowered:
.L_overlay_start_1:
0x0: {  	(tag) =	ssettag $0x1  }
0x1: {  	s4 =	rddreg [dreg:$0x0]  }
0x2: {  	s0 =	rddreg [dreg:$0x1];
	s1 =	simm.s32 $0x0;
	s5 =	srdreg.scid  }
0x3: {  	s8 =	simm.s32 $0x80;
	s9 =	simm.s32 $0x4;
	s10 =	simm.s32 $0x0  }
0x4: {  	[smem:$0x7FF] =	sst s1;
	s2 =	sadd.s32 $0x4C00, s4;
	s3 =	sadd.s32 $0x2C00, s4  }
0x5: {  	s4 =	sadd.s32 $0x118C00, s4;
	_ =	strace $0x8000005B;
	[dreg:$0x2] =	wrdreg s2  }
0x6: {  	s5 =	sand.u32 $0x1, s5;
	s2 =	stileid.u32;
	[dreg:$0x4] =	wrdreg s4  }
0x7: {  	s6 =	ssub.s32 $0x2, s5;
	s5 =	sshll.u32 s5, $0x4;
	[dreg:$0x3] =	wrdreg s8  }
0x8: {  	s8 =	simm.s32 $0x5;
	s7 =	sshrl.u32 s6, $0x1;
	s5 =	sor.u32 s2, s5  }
0x9: {  	s6 =	ssub.s32 s6, s7;
	s31 =	sshll.u32 s5, $0x8;
	s4 =	sshll.u32 s5, $0x4  }
0xa: {  	s7 =	simm.s32 $0x1;
	s5 =	sadd.s32 s3, s31;
	s6 =	smax.u32 s6, $0x1  }
.LBB2_1:
0xb: {  	_ =	strace $0x8000005C;
	s11 =	simm.s32 $0x1;
	p0 =	por $0x0, $0x0  }
0xc: {  	[tilespmem:s1], [sflag:$0x1] =	stream.linear.gather [hbm4b:s5+s1], $0x80, $0x200038;
	[tilespmem:$0x8100] =	vst v63  }
0xd: {  	s11 =	simm.s32 @p0 $0x0  }
0xe: {  	p4 =	por $0x1, $0x1;
	s20 =	sand.u32 $0x1, s1;
	p1 =	sne.s32 s11, $0x0  }
0xf: {  	p2 =	por $0x1, $0x1;
	s18 =	simm.s32 $0xE;
	p0 =	por !p4, !p1  }
0x10: {  	s16 =	simm.s32 $0x0;
	p5 =	por $0x0, $0x0;
	p0 =	por !p0, !p0  }
0x11: {  	s23 =	sadd.s32 $0x0, s4;
	s30 =	sadd.s32 $0x1, s20;
	s12 =	sadd.s32 @p0 s4, s11  }
0x12: {  	_ =	strace $0x9000005C;
	s13 =	sand.u32 @p0 $0x1, s7;
	s12 =	sshll.u32 @p0 s12, $0x4  }
0x13: {  	_ =	strace @p0 $0x8000005D;
	s15 =	simm.s32 @p0 $0x0;
	s12 =	sand.u32 @p0 $0x1FFFFFF0, s12  }
0x14: {  	s14 =	sshll.u32 @p0 s13, $0x7;
	s13 =	sadd.s32 @p0 $0x1, s13;
	s12 =	sadd.s32 @p0 s3, s12  }
0x15: {  	[tilespmem:s14], [sflag:s13] =	stream.linear.gather @p0 [hbm4b:s12+s15], $0x80, $0x200038;
	[tilespmem:$0x8100] =	vst v63  }
0x16: {  	p3 =	por p2, p2;
	s21 =	sshll.u32 s20, $0xE;
	_ =	strace @p0 $0x9000005D  }
0x17: {  	s16 =	sand.u32 $0x80, s16;
	p2 =	por p5, p5;
	_ =	strace $0x8000005E  }
0x18: {  	s17 =	sadd.s32 $0x1, s11;
	s22 =	sor.u32 $0x100, s21;
	_ =	swait.ge [sflag:s30], $0x80  }
0x19: {  	s21 =	simm.s32 $0x1;
	p6 =	por p1, p1;
	[sflag:s30] =	ssyncset.done $0x0  }
0x1a: {  	p1 =	por p3, p3;
	p4 =	por $0x1, $0x1;
	[sflag:s30] =	ssyncadd.s32 $0xFFFFFF80  }
0x1b: {  	s12 =	simm.s32 $0xF;
	s15 =	sand.u32 @!p3 $0x1, s1;
	_ =	strace $0x9000005E  }
0x1c: {  	s13 =	simm.s32 $0x1;
	p3 =	seq.s32 s17, $0x10;
	_ =	strace $0x8000005F  }
0x1d: {  	s13 =	simm.s32 @!p0 $0x0;
	s17 =	simm.s32 @p3 $0x0;
	s19 =	rddreg [dreg:$0x3]  }
0x1e: {  	p0 =	por $0x0, $0x0;
	s14 =	sadd.s32 $0x1, s13;
	s31 =	rddreg [dreg:$0x2]  }
0x1f: {  	[tilespmem:s22], [sflag:$0x5] =	stream.indirect.gather [hbm4b:s31+s19], $0x80, s16, s19, $0x2000b8;
	[tilespmem:$0x8100] =	vst v63  }
0x20: {  	p3 =	sne.s32 s11, s17;
	s21 =	simm.s32 @!p0 $0x0;
	_ =	swait.ge [sflag:s8], $0x4000  }
0x21: {  	p5 =	por !p4, !p3;
	p4 =	por $0x0, $0x0;
	[sflag:s8] =	ssyncset.done $0x0  }
0x22: {  	s13 =	simm.s32 $0x0;
	p6 =	por p4, p6;
	[sflag:s8] =	ssyncadd.s32 $0xFFFFC000  }
0x23: {  	s16 =	simm.s32 $0x0;
	s19 =	simm.s32 $0x0;
	_ =	strace $0x9000005F  }
.LBB2_2:
0x24: {  	_ =	strace @p6 $0x80000060;
	s13 =	sadd.s32 s21, s13;
	s21 =	smov.u32 s12  }
0x25: {  	s12 =	smov.u32 s18;
	s18 =	sadd.s32 $0xFFFFFFFF, s18;
	p0 =	por p3, p3  }
0x26: {  	s28 =	sshll.u32 @p6 s23, $0xB;
	s20 =	sadd.s32 @p6 $0x3, s20;
	s24 =	simm.s32 @!p0 $0x0  }
0x27: {  	s25 =	rddreg [dreg:$0x4];
	s28 =	sand.u32 @p6 $0x1FFFF800, s28;
	s24 =	simm.s32 @p0 $0x1  }
0x28: {  	s25 =	sadd.s32 @p6 s25, s28;
	s28 =	simm.s32 @p6 $0x0;
	p0 =	sne.s32 s18, $0x0  }
0x29: {  	[hbm4b:s25+s28] =	stream.linear.scatter @p6 [tilespmem:s22], [sflag:s20], $0x4000, $0x200038;
	[tilespmem:$0x8100] =	vst v63  }
0x2a: {  	s20 =	sadd.s32 @!p1 $0x3, s15;
	s15 =	simm.s32 @!p0 $0x0  }
0x2b: {  	s26 =	simm.s32 $0x1;
	[smem:$0x7FC] =	sst s24;
	s15 =	simm.s32 @p0 $0x1  }
0x2c: {  	s26 =	simm.s32 @!p6 $0x0;
	_ =	strace @p6 $0x90000060;
	[smem:$0x7FD] =	sst s15  }
0x2d: {  	p5 =	por !p5, !p5;
	s19 =	sadd.s32 s26, s19;
	_ =	strace @!p1 $0x80000061  }
0x2e: {  	s24 =	sand.u32 @!p2 $0x1, s13;
	s22 =	sand.u32 @p5 $0x1, s14;
	_ =	swait.ge @!p1 [sflag:s20], $0x4000  }
0x2f: {  	s15 =	smov.u32 s24;
	s24 =	sadd.s32 @p5 s4, s17;
	[sflag:s20] =	ssyncset.done @!p1 $0x0  }
0x30: {  	s25 =	sshll.u32 @p5 s22, $0x7;
	s24 =	sshll.u32 @p5 s24, $0x4;
	[sflag:s20] =	ssyncadd.s32 @!p1 $0xFFFFC000  }
0x31: {  	s20 =	sadd.s32 @p5 $0x1, s22;
	s22 =	sand.u32 @p5 $0x1FFFFFF0, s24;
	_ =	strace @!p1 $0x90000061  }
0x32: {  	s24 =	simm.s32 @p5 $0x0;
	s22 =	sadd.s32 @p5 s3, s22;
	_ =	strace @p5 $0x8000005D  }
0x33: {  	[tilespmem:s25], [sflag:s20] =	stream.linear.gather @p5 [hbm4b:s22+s24], $0x80, $0x200038;
	[tilespmem:$0x8100] =	vst v63  }
0x34: {  	s16 =	sadd.s32 s26, s16;
	s26 =	sand.u32 $0x1, s19;
	_ =	strace @p5 $0x9000005D  }
0x35: {  	s24 =	sadd.s32 $0x1, s26;
	_ =	strace $0x8000005E  }
0x36: {  	_ =	swait.ge [sflag:s24], $0x80  }
0x37: {  	[sflag:s24] =	ssyncset.done $0x0  }
0x38: {  	s20 =	simm.s32 $0x1;
	[sflag:s24] =	ssyncadd.s32 $0xFFFFFF80  }
0x39: {  	s20 =	simm.s32 @!p5 $0x0;
	_ =	strace $0x9000005E  }
0x3a: {  	s14 =	sadd.s32 s20, s14;
	s20 =	sand.u32 $0x1, s16;
	_ =	strace $0x8000005F  }
0x3b: {  	s29 =	sshll.u32 s19, $0x7;
	s25 =	sshll.u32 s20, $0xE;
	s26 =	rddreg [dreg:$0x3]  }
0x3c: {  	s29 =	sand.u32 $0x80, s29;
	s22 =	sor.u32 $0x100, s25;
	s30 =	rddreg [dreg:$0x2]  }
0x3d: {  	[tilespmem:s22], [sflag:$0x5] =	stream.indirect.gather [hbm4b:s30+s26], $0x80, s29, s26, $0x2000b8;
	[tilespmem:$0x8100] =	vst v63  }
0x3e: {  	_ =	swait.ge [sflag:s8], $0x4000  }
0x3f: {  	s31 =	sadd.s32 $0x1, s17;
	[sflag:s8] =	ssyncset.done $0x0  }
0x40: {  	s23 =	sadd.s32 s4, s11;
	s11 =	smov.u32 s17;
	[sflag:s8] =	ssyncadd.s32 $0xFFFFC000  }
0x41: {  	p3 =	seq.s32 s31, $0x10;
	s17 =	smov.u32 s31;
	_ =	strace $0x9000005F  }
0x42: {  	s17 =	simm.s32 @p3 $0x0;
	s31 =	sld [smem:$0x7FD]  }
0x43: {  	p6 =	sne.s32 s12, $0x1;
	p0 =	sne.s32 s21, $0x10;
	p3 =	sne.s32 s11, s17  }
0x44: {  	p5 =	por !p6, !p3;
	p6 =	seq.s32 s21, $0x1;
	s21 =	simm.s32 $0x1  }
0x45: {  	s21 =	simm.s32 @!p0 $0x0;
	p0 =	seq.s32 s31, $0x1  }
.Ltmp0:
0x46: {  	s30 =	sld [smem:$0x7FC];
	(pc) =	sbr.rel @p0 .LBB2_2-.Ltmp0, $4  }
0x47: {  	_ = 	snop  }
0x48: {  	p4 =	seq.s32 s12, $0x10  }
0x49: {  	p1 =	por p2, p2;
	p2 =	por p4, p4;
	p4 =	seq.s32 s30, $0x1  }
0x4a: {  	p6 =	por p6, p4  }
0x4b: {  	_ =	strace @p6 $0x80000060;
	s23 =	sshll.u32 @p6 s23, $0xB  }
0x4c: {  	s18 =	rddreg [dreg:$0x4];
	s23 =	sand.u32 @p6 $0x1FFFF800, s23  }
0x4d: {  	s20 =	sadd.s32 @p6 $0x3, s20;
	s18 =	sadd.s32 @p6 s18, s23;
	s23 =	simm.s32 @p6 $0x0  }
0x4e: {  	[hbm4b:s18+s23] =	stream.linear.scatter @p6 [tilespmem:s22], [sflag:s20], $0x4000, $0x200038;
	[tilespmem:$0x8100] =	vst v63  }
0x4f: {  	p0 =	por !p5, !p5;
	_ =	strace @p6 $0x90000060  }
0x50: {  	s15 =	sadd.s32 @!p1 $0x3, s15;
	s17 =	sadd.s32 @p0 s4, s17;
	_ =	strace @!p1 $0x80000061  }
0x51: {  	s14 =	sand.u32 @p0 $0x1, s14;
	s17 =	sshll.u32 @p0 s17, $0x4;
	_ =	swait.ge @!p1 [sflag:s15], $0x4000  }
0x52: {  	s18 =	simm.s32 $0x1;
	s20 =	sshll.u32 @p0 s14, $0x7;
	[sflag:s15] =	ssyncset.done @!p1 $0x0  }
0x53: {  	s14 =	sadd.s32 @p0 $0x1, s14;
	s18 =	simm.s32 @!p6 $0x0;
	[sflag:s15] =	ssyncadd.s32 @!p1 $0xFFFFC000  }
0x54: {  	s19 =	sadd.s32 s18, s19;
	s15 =	sand.u32 @p0 $0x1FFFFFF0, s17;
	_ =	strace @!p1 $0x90000061  }
0x55: {  	s17 =	simm.s32 @p0 $0x0;
	s15 =	sadd.s32 @p0 s3, s15;
	_ =	strace @p0 $0x8000005D  }
0x56: {  	[tilespmem:s20], [sflag:s14] =	stream.linear.gather @p0 [hbm4b:s15+s17], $0x80, $0x200038;
	[tilespmem:$0x8100] =	vst v63  }
0x57: {  	s25 =	sand.u32 $0x1, s19;
	_ =	strace @p0 $0x9000005D  }
0x58: {  	s14 =	sadd.s32 $0x1, s25;
	_ =	strace $0x8000005E  }
0x59: {  	_ =	swait.ge [sflag:s14], $0x80  }
0x5a: {  	[sflag:s14] =	ssyncset.done $0x0  }
0x5b: {  	[sflag:s14] =	ssyncadd.s32 $0xFFFFFF80  }
0x5c: {  	s26 =	sadd.s32 s18, s16;
	_ =	strace $0x9000005E  }
0x5d: {  	s14 =	sand.u32 $0x1, s26;
	_ =	strace $0x8000005F  }
0x5e: {  	s30 =	sshll.u32 s19, $0x7;
	s31 =	sshll.u32 s14, $0xE;
	s28 =	rddreg [dreg:$0x3]  }
0x5f: {  	s17 =	sand.u32 $0x80, s30;
	s18 =	sor.u32 $0x100, s31;
	s29 =	rddreg [dreg:$0x2]  }
0x60: {  	[tilespmem:s18], [sflag:$0x5] =	stream.indirect.gather [hbm4b:s29+s28], $0x80, s17, s28, $0x2000b8;
	[tilespmem:$0x8100] =	vst v63  }
0x61: {  	_ =	swait.ge [sflag:s8], $0x4000  }
0x62: {  	[sflag:s8] =	ssyncset.done $0x0  }
0x63: {  	p5 =	por p3, p3;
	p6 =	seq.s32 s12, $0x1;
	[sflag:s8] =	ssyncadd.s32 $0xFFFFC000  }
0x64: {  	s11 =	sadd.s32 s4, s11;
	p0 =	por p6, p5;
	_ =	strace $0x9000005F  }
0x65: {  	s11 =	sshll.u32 @p0 s11, $0xB;
	_ =	strace @p0 $0x80000060  }
0x66: {  	s13 =	sadd.s32 s21, s13;
	s11 =	sand.u32 @p0 $0x1FFFF800, s11;
	s12 =	rddreg [dreg:$0x4]  }
0x67: {  	s14 =	sadd.s32 @p0 $0x3, s14;
	s11 =	sadd.s32 @p0 s12, s11;
	s12 =	simm.s32 @p0 $0x0  }
0x68: {  	[hbm4b:s11+s12] =	stream.linear.scatter @p0 [tilespmem:s18], [sflag:s14], $0x4000, $0x200038;
	[tilespmem:$0x8100] =	vst v63  }
0x69: {  	p1 =	por p2, p2;
	s11 =	sand.u32 @!p2 $0x1, s13;
	_ =	strace @p0 $0x90000060  }
0x6a: {  	s11 =	sadd.s32 @!p1 $0x3, s11;
	_ =	strace @!p1 $0x80000061  }
0x6b: {  	_ =	swait.ge @!p1 [sflag:s11], $0x4000  }
0x6c: {  	[sflag:s11] =	ssyncset.done @!p1 $0x0  }
0x6d: {  	s10 =	sadd.s32 $0x1, s10;
	[sflag:s11] =	ssyncadd.s32 @!p1 $0xFFFFC000  }
0x6e: {  	p0 =	sne.s32 s10, s6;
	_ =	strace @!p1 $0x90000061  }
.Ltmp1:
0x6f: {  	_ =	strace $0x80000062;
	(pc) =	sbr.rel @p0 .LBB2_1-.Ltmp1, $4  }
0x70: {  	_ =	swait.ge [sflag:s9], $0x4000  }
0x71: {  	[sflag:s9] =	ssyncset.done $0x0  }
0x72: {  	[sflag:s9] =	ssyncadd.s32 $0xFFFFC000  }
0x73: {  	_ =	strace $0x90000062  }
0x74: {  	_ =	sfence.sel $0x180000  }
0x75: {  	[bflag:$0x0] =	sbarrier.arrive $0xFFFF  }
0x76: {  	p0 =	sne.s32 s2, $0x0;
	_ =	strace $0x9000005B  }
0x77: {  	s0 =	sadd.s32 @!p0 $0x100000, s0;
	[bflag:$0x2] =	sbarrier.arrive $0xFFFF  }
0x78: {  	[sflag:s0] =	ssyncadd.tile.s32 @!p0 $0x1;
	_ =	shalt  }
.Lfunc_end2:
_tile_overlayer_lowered:
.L_overlay_start_2:
0x79: {  	(tag) =	ssettag $0x2  }
0x7a: {  	s0 =	rddreg [dreg:$0x0];
	s2 =	stileid.u32  }
0x7b: {  	s1 =	rddreg [dreg:$0x1];
	p0 =	sne.s32 s2, $0x0  }
0x7c: {  	s3 =	rddreg [dreg:$0x2];
	[bflag:$0x3] =	sbarrier.arrive $0xFFFF;
	s2 =	simm.s32 @!p0 $0x1C01  }
0x7d: {  	[timem:s3], [sflag:s2] =	dma.local @!p0 [hbm:s0], s1  }
0x7e: {  	s0 =	simm.s32 @!p0 $0x1  }
0x7f: {  	_ =	swait.ge @!p0 [sflag:s0], s1  }
0x80: {  	s1 =	ssub.s32 @!p0 $0x0, s1;
	[sflag:s0] =	ssyncset.done @!p0 $0x0  }
0x81: {  	[sflag:s0] =	ssyncadd.s32 @!p0 s1  }
0x82: {  	[bflag:$0x3] =	sbarrier.arrive $0xFFFF  }
0x83: {  	_ =	shalt  }

// kernel: kernel.21.cloned.1.call-start
scs
__scs_entry_jumppad:
0x0: {  	(pc) =	sbr.rel $0x88, $3  }
0x1: {  	(tag) =	ssettag $0x0;
	lr =	simm.s32 $0x1  }
0x2: {  	[smem:$0x3F98] =	sst lr;
	_ =	strace $0xD0000000  }
0x3: {  	_ = 	snop  }
0x4: {  	_ = 	snop  }
0x5: {  	_ = 	snop  }
0x6: {  	_ = 	snop  }
0x7: {  	_ = 	snop  }
__scs_overlays_trampoline_lowered:
0x8: {  	[smem:$0x3FA7] =	sst s0  }
0x9: {  	[smem:$0x3FA8] =	sst s1  }
0xa: {  	[smem:$0x3FA9] =	sst s2  }
0xb: {  	[smem:$0x3FAA] =	sst s3  }
0xc: {  	[smem:$0x3FAB] =	sst s4  }
0xd: {  	[smem:$0x3FAC] =	sst s5  }
0xe: {  	[smem:$0x3FAD] =	sst s6  }
0xf: {  	[smem:$0x3FAE] =	sst s7  }
0x10: {  	[smem:$0x3FAF] =	sst s8  }
0x11: {  	[smem:$0x3FB0] =	sst s9;
	s0 =	simm.s32 @!p0 $0x0  }
0x12: {  	s1 =	sld [smem:$0x3F96];
	s0 =	simm.s32 @p0 $0x1  }
0x13: {  	[smem:$0x3FB1] =	sst s0;
	s0 =	simm.s32 @!p1 $0x0  }
0x14: {  	s2 =	sld [smem:$0x3F95];
	s0 =	simm.s32 @p1 $0x1  }
0x15: {  	[smem:$0x3FB2] =	sst s0;
	s0 =	simm.s32 @!p2 $0x0  }
0x16: {  	s3 =	sld [smem:$0x3FDB];
	s0 =	simm.s32 @p2 $0x1  }
0x17: {  	s4 =	simm.s32 $0x1BF5;
	[smem:$0x3FB4] =	sst s0  }
0x18: {  	s0 =	sld [smem:$0x3F97];
	_ =	swait.ge [sflag:s4], $0x0  }
0x19: {  	s7 =	sld [smem:$0x3F98]  }
0x1a: {  	s8 =	sadd.s32 $0xFFFFE003, lr  }
0x1b: {  	s9 =	sadd.s32 $0xFFFFFEF7, lr;
	s5 =	simm.s32 $0xFFFFFFFF;
	p2 =	slt.u32 s8, $0xFFFFF086  }
0x1c: {  	p1 =	slt.u32 s9, $0xF7A;
	s5 =	simm.s32 @!p2 $0x0  }
0x1d: {  	s5 =	simm.s32 @p1 $0x1;
	p0 =	seq.s32 s7, s2  }
0x1e: {  	s7 =	smul.u32 @!p0 $0xF7A, s2;
	p2 =	seq.s32 @!p0 s5, $0x0  }
0x1f: {  	s9 =	smul.u32 $0xF7A, s1;
	s8 =	simm.s32 @!p0 $0x1BF5;
	p2 =	por !p2, p0  }
0x20: {  	[sflag:s8] =	ssyncset.s32 @!p0 $0xFFFFF086;
	s6 =	sadd.s32 @!p0 s3, s7;
	s7 =	simm.s32 @!p0 $0x108  }
0x21: {  	s3 =	sadd.s32 s3, s9;
	s6 =	sadd.s32 @!p0 $0x88, s6;
	s7 =	simm.s32 @p2 $0x1082  }
0x22: {  	[simem:s7], [sflag:s8] =	dma.local @!p0 [hbm:s6], $0xF7A  }
0x23: {  	s9 =	sor.u32 $0xD0000000, s2;
	s6 =	simm.s32 $0x108;
	_ =	swait.ge @!p0 [sflag:s8], $0x0  }
0x24: {  	s3 =	sadd.s32 $0x88, s3;
	s6 =	simm.s32 @!p1 $0x1082;
	[sflag:s4] =	ssyncset.s32 $0xFFFFF086  }
0x25: {  	[simem:s6], [sflag:s4] =	dma.local [hbm:s3], $0xF7A  }
0x26: {  	[smem:$0x3F98] =	sst s1;
	(tag) =	ssettag s2;
	_ =	strace s9  }
0x27: {  	s1 =	sld [smem:$0x3FA8]  }
0x28: {  	s2 =	sld [smem:$0x3FA9]  }
0x29: {  	s4 =	sld [smem:$0x3FAB]  }
0x2a: {  	p0 =	seq.s32 s5, $0x0;
	s5 =	sld [smem:$0x3FAC]  }
0x2b: {  	s6 =	sld [smem:$0x3FAD]  }
0x2c: {  	s7 =	sld [smem:$0x3FAE]  }
0x2d: {  	s3 =	simm.s32 $0x108;
	s8 =	sld [smem:$0x3FAF]  }
0x2e: {  	s3 =	simm.s32 @!p0 $0x1082;
	s9 =	sld [smem:$0x3FB0]  }
0x2f: {  	lr =	sadd.s32 s0, s3;
	s0 =	sld [smem:$0x3FA7]  }
0x30: {  	s3 =	sld [smem:$0x3FAA]  }
0x31: {  	[smem:$0x3FB3] =	sst s10  }
0x32: {  	s10 =	sld [smem:$0x3FB1];
	_ =	sdelay $0x3  }
0x33: {  	p0 =	seq.s32 s10, $0x1;
	s10 =	sld [smem:$0x3FB3];
	_ =	sdelay $0x3  }
0x34: {  	[smem:$0x3FB3] =	sst s10  }
0x35: {  	s10 =	sld [smem:$0x3FB2];
	_ =	sdelay $0x3  }
0x36: {  	p1 =	seq.s32 s10, $0x1;
	s10 =	sld [smem:$0x3FB3];
	_ =	sdelay $0x3  }
0x37: {  	[smem:$0x3FB3] =	sst s10  }
0x38: {  	s10 =	sld [smem:$0x3FB4]  }
0x39: {  	_ = 	snop;
	(pc) =	sbr.ind lr, $3  }
0x3a: {  	_ = 	snop  }
0x3b: {  	_ = 	snop  }
0x3c: {  	p2 =	seq.s32 s10, $0x1;
	s10 =	sld [smem:$0x3FB3]  }
0x3d: {  	_ =	shalt  }
0x3e: {  	_ =	shalt  }
0x3f: {  	_ =	shalt  }
0x40: {  	_ =	shalt  }
0x41: {  	_ =	shalt  }
0x42: {  	_ =	shalt  }
0x43: {  	_ =	shalt  }
0x44: {  	_ =	shalt  }
0x45: {  	_ =	shalt  }
0x46: {  	_ =	shalt  }
0x47: {  	_ =	shalt  }
0x48: {  	_ =	shalt  }
0x49: {  	_ =	shalt  }
0x4a: {  	_ =	shalt  }
0x4b: {  	_ =	shalt  }
0x4c: {  	_ =	shalt  }
0x4d: {  	_ =	shalt  }
0x4e: {  	_ =	shalt  }
0x4f: {  	_ =	shalt  }
0x50: {  	_ =	shalt  }
0x51: {  	_ =	shalt  }
0x52: {  	_ =	shalt  }
0x53: {  	_ =	shalt  }
0x54: {  	_ =	shalt  }
0x55: {  	_ =	shalt  }
0x56: {  	_ =	shalt  }
0x57: {  	_ =	shalt  }
0x58: {  	_ =	shalt  }
0x59: {  	_ =	shalt  }
0x5a: {  	_ =	shalt  }
0x5b: {  	_ =	shalt  }
0x5c: {  	_ =	shalt  }
0x5d: {  	_ =	shalt  }
0x5e: {  	_ =	shalt  }
0x5f: {  	_ =	shalt  }
0x60: {  	_ =	shalt  }
0x61: {  	_ =	shalt  }
0x62: {  	_ =	shalt  }
0x63: {  	_ =	shalt  }
0x64: {  	_ =	shalt  }
0x65: {  	_ =	shalt  }
0x66: {  	_ =	shalt  }
0x67: {  	_ =	shalt  }
0x68: {  	_ =	shalt  }
0x69: {  	_ =	shalt  }
0x6a: {  	_ =	shalt  }
0x6b: {  	_ =	shalt  }
0x6c: {  	_ =	shalt  }
0x6d: {  	_ =	shalt  }
0x6e: {  	_ =	shalt  }
0x6f: {  	_ =	shalt  }
0x70: {  	_ =	shalt  }
0x71: {  	_ =	shalt  }
0x72: {  	_ =	shalt  }
0x73: {  	_ =	shalt  }
0x74: {  	_ =	shalt  }
0x75: {  	_ =	shalt  }
0x76: {  	_ =	shalt  }
0x77: {  	_ =	shalt  }
0x78: {  	_ =	shalt  }
0x79: {  	_ =	shalt  }
0x7a: {  	_ =	shalt  }
0x7b: {  	_ =	shalt  }
0x7c: {  	_ =	shalt  }
0x7d: {  	_ =	shalt  }
0x7e: {  	_ =	shalt  }
0x7f: {  	_ =	shalt  }
0x80: {  	_ =	shalt  }
0x81: {  	_ =	shalt  }
0x82: {  	_ =	shalt  }
0x83: {  	_ =	shalt  }
0x84: {  	_ =	shalt  }
0x85: {  	_ =	shalt  }
0x86: {  	_ =	shalt  }
0x87: {  	_ =	shalt  }
.Lfunc_end0:
.L_simem_size_0:
called_computation.3_lowered:
.L_overlay_start_0:
0x88: {  	s2 =	sld [smem:$0x3FD9]  }
0x89: {  	s3 =	sld [smem:$0x3FFE];
	_ =	sdelay $0x1  }
0x8a: {  	s1 =	srdreg.scid  }
0x8b: {  	s0 =	sand.u32 $0x1, s1  }
0x8c: {  	s15 =	sshll.u32 s0, $0xA;
	s2 =	sadd.s32 s3, s2  }
0x8d: {  	s2 =	sadd.s32 s2, s15  }
0x8e: {  	[smem:$0x3FBF] =	sst s2  }
0x8f: {  	_ = 	snop  }
0x90: {  	s2 =	sld [smem:$0x3FD0];
	_ =	sdelay $0x2  }
0x91: {  	s16 =	simm.s32 $0xB;
	s4 =	simm.s32 $0x10  }
0x92: {  	[smem:s4], [sflag:s16] =	dma.local [hbm:s2], $0x1  }
0x93: {  	_ =	swait.eq [sflag:s16], $0x1  }
0x94: {  	[sflag:s16] =	ssyncset.done $0x0  }
0x95: {  	[sflag:s16] =	ssyncadd.s32 $0xFFFFFFFF  }
0x96: {  	s17 =	sld [smem:$0x10];
	(tm) =	ssettm $0x1  }
0x97: {  	s18 =	sld [smem:$0x3FFB];
	_ =	sdelay $0x3  }
0x98: {  	_ =	strace s18  }
0x99: {  	s2 =	sld [smem:$0x3FFC];
	_ =	sdelay $0x3  }
0x9a: {  	_ =	strace s2  }
0x9b: {  	s2 =	sld [smem:$0x3FFD];
	_ =	sdelay $0x3  }
0x9c: {  	_ =	strace s2  }
0x9d: {  	_ =	strace $0x8FFFFFFF  }
0x9e: {  	s19 =	sld [smem:$0x3FDB];
	_ =	sdelay $0x1  }
0x9f: {  	s20 =	simm.s32 $_scs_section_size  }
0xa0: {  	s5 =	simm.s32 $_size__tile_overlayer_lowered;
	s6 =	simm.s32 $_tile_overlayer_lowered  }
0xa1: {  	s7 =	simm.s32 $0x1BFF;
	s21 =	sshll.u32 s6, $0x1;
	s4 =	sadd.s32 s20, s19  }
0xa2: {  	s22 =	simm.s32 $0x0;
	s5 =	sshll.u32 s5, $0x1;
	s6 =	sadd.s32 s21, s4  }
0xa3: {  	[timem:s22], [sflag:s7] =	dma.local [hbm:s6], s5  }
0xa4: {  	_ =	swait.ge [sflag:s7], s5  }
0xa5: {  	s5 =	ssub.s32 $0x0, s5;
	[sflag:s7] =	ssyncset.done $0x0  }
0xa6: {  	[sflag:s7] =	ssyncadd.s32 s5;
	_ =	sdelay $0x1  }
0xa7: {  	s23 =	simm.s32 $0x1B8B  }
0xa8: {  	_ =	swait.ge [sflag:s23], $0x1  }
0xa9: {  	[sflag:s23] =	ssyncset.done $0x0  }
0xaa: {  	[sflag:s23] =	ssyncadd.s32 $0xFFFFFFFF  }
0xab: {  	s5 =	sld [smem:$0x0]  }
0xac: {  	s6 =	sand.u32 $0xFFFFFFFE, s1  }
0xad: {  	p0 =	sne.s32 s1, s6  }
0xae: {  	s6 =	sshll.u32 @p0 s6, $0xE  }
0xaf: {  	s6 =	sadd.s32 @p0 $0x11B8D, s6;
	s7 =	sshll.u32 @p0 s5, $0x11  }
0xb0: {  	s6 =	sor.u32 @p0 s7, s6  }
0xb1: {  	[sflag:s6] =	ssyncadd.remote.s32 @p0 $0x1;
	_ =	sdelay $0x1  }
0xb2: {  	s6 =	simm.s32 @p0 $0x1B8D  }
0xb3: {  	_ =	swait.eq @p0 [sflag:s6], $0x1  }
0xb4: {  	[sflag:s6] =	ssyncadd.s32 @p0 $0xFFFFFFFF  }
0xb5: {  	s7 =	sshll.u32 @!p0 s1, $0xE  }
0xb6: {  	s7 =	sor.u32 @!p0 $0x4000, s7;
	s6 =	simm.s32 @!p0 $0x1B8D  }
0xb7: {  	s5 =	sshll.u32 @!p0 s5, $0x11;
	s7 =	sadd.s32 @!p0 $0x11B8D, s7;
	_ =	swait.eq @!p0 [sflag:s6], $0x1  }
0xb8: {  	s5 =	sor.u32 @!p0 s5, s7;
	[sflag:s6] =	ssyncadd.s32 @!p0 $0xFFFFFFFF  }
0xb9: {  	s25 =	simm.s32 $0x1B8E;
	s24 =	sld [smem:$0x3FFE];
	[sflag:s5] =	ssyncadd.remote.s32 @!p0 $0x1  }
0xba: {  	s26 =	simm.s32 $execute0_lowered;
	[smem:$0x3FD2] =	sst s25  }
0xbb: {  	s6 =	sshll.u32 s26, $0x1;
	_ =	strace $0x80000064;
	[dreg:$0x1] =	wrdreg $0xFFFFFFFF  }
0xbc: {  	s28 =	simm.s32 $_size_execute0_lowered;
	s4 =	sadd.s32 s4, s6;
	[dreg:$0x0] =	wrdreg $0x0  }
0xbd: {  	s6 =	sshll.u32 s28, $0x1;
	[dreg:$0x2] =	wrdreg s4  }
0xbe: {  	[dreg:$0x3] =	wrdreg s6  }
0xbf: {  	[dreg:$0x4] =	wrdreg $0xC0  }
0xc0: {  	_ =	task [dreg:s22], $0x5FFFF  }
0xc1: {  	[dreg:$0x1] =	wrdreg $0xFFFFFFFF  }
0xc2: {  	[dreg:$0x0] =	wrdreg $0x60  }
0xc3: {  	[dreg:$0x2] =	wrdreg s17  }
0xc4: {  	[dreg:$0x3] =	wrdreg s24  }
0xc5: {  	[dreg:$0x4] =	wrdreg $0x9  }
0xc6: {  	_ =	task.clear_ibuf [dreg:s22], $0x5FFFF;
	_ =	strace $0x90000064  }
0xc7: {  	s29 =	simm.s32 $0x9;
	_ =	strace $0x8000006D  }
0xc8: {  	_ =	swait.ge [sflag:s29], $0x1  }
0xc9: {  	[sflag:s29] =	ssyncadd.s32 $0xFFFFFFFF  }
0xca: {  	_ =	strace $0x9000006D  }
0xcb: {  	_ =	sfence  }
0xcc: {  	s30 =	sld [smem:$0x0];
	_ =	sdelay $0x2  }
0xcd: {  	s31 =	sshll.u32 s1, $0xD;
	s1 =	sshrl.u32 s1, $0x2  }
0xce: {  	s4 =	sand.u32 $0x4000, s31;
	s1 =	sadd.s32 s1, s30  }
0xcf: {  	s0 =	sor.u32 s4, s0;
	s1 =	sshll.u32 s1, $0x11  }
0xd0: {  	s0 =	sor.u32 s1, s0  }
0xd1: {  	s0 =	sadd.s32 $0x8F2B, s0  }
0xd2: {  	[sflag:s0] =	ssyncadd.remote.s32 $0x1  }
0xd3: {  	_ =	sfence.sel $0xFFFF  }
0xd4: {  	[dreg:$0x0] =	wrdreg $0xFFFFFFFF;
	(pc) =	sbr.abs _section_cstart, $3  }
0xd5: {  	[dreg:$0x1] =	wrdreg $0xFFFFFFFF  }
0xd6: {  	_ =	task.clear_ibuf [dreg:s22], $0x2FFFF;
	_ =	strace $0x9FFFFFFF  }
0xd7: {  	(tm) =	ssettm $0x7FFFFFFF  }
tec
execute0_lowered:
.L_overlay_start_1:
0x0: {  	(tag) =	ssettag $0x1  }
0x1: {  	s0 =	rddreg [dreg:$0x0]  }
0x2: {  	s4 =	rddreg [dreg:$0x1]  }
0x3: {  	s1 =	simm.s32 $0x0;
	[dreg:$0x3] =	wrdreg s0  }
0x4: {  	s2 =	srdreg.scid;
	s8 =	simm.s32 $0x80;
	s0 =	rddreg [dreg:$0x2]  }
0x5: {  	s9 =	simm.s32 $0x4;
	s10 =	simm.s32 $0x0;
	[smem:$0x7FF] =	sst s1  }
0x6: {  	s3 =	sadd.s32 $0x15C00, s4;
	s5 =	sand.u32 $0x1, s2;
	s4 =	sadd.s32 $0x318C00, s4  }
0x7: {  	s2 =	stileid.u32;
	_ =	strace $0x80000065;
	[dreg:$0x5] =	wrdreg s4  }
0x8: {  	s6 =	ssub.s32 $0x2, s5;
	s5 =	sshll.u32 s5, $0x4;
	[dreg:$0x4] =	wrdreg s8  }
0x9: {  	s8 =	simm.s32 $0x5;
	s7 =	sshrl.u32 s6, $0x1;
	s5 =	sor.u32 s2, s5  }
0xa: {  	s6 =	ssub.s32 s6, s7;
	s31 =	sshll.u32 s5, $0x8;
	s4 =	sshll.u32 s5, $0x4  }
0xb: {  	s7 =	simm.s32 $0x1;
	s5 =	sadd.s32 s3, s31;
	s6 =	smax.u32 s6, $0x1  }
.LBB2_1:
0xc: {  	_ =	strace $0x80000066;
	s11 =	simm.s32 $0x1;
	p0 =	por $0x0, $0x0  }
0xd: {  	[tilespmem:s1], [sflag:$0x1] =	stream.linear.gather [hbm4b:s5+s1], $0x80, $0x200038;
	[tilespmem:$0x8100] =	vst v63  }
0xe: {  	s11 =	simm.s32 @p0 $0x0  }
0xf: {  	p4 =	por $0x1, $0x1;
	s20 =	sand.u32 $0x1, s1;
	p1 =	sne.s32 s11, $0x0  }
0x10: {  	p2 =	por $0x1, $0x1;
	s18 =	simm.s32 $0xE;
	p0 =	por !p4, !p1  }
0x11: {  	s16 =	simm.s32 $0x0;
	p5 =	por $0x0, $0x0;
	p0 =	por !p0, !p0  }
0x12: {  	s23 =	sadd.s32 $0x0, s4;
	s30 =	sadd.s32 $0x1, s20;
	s12 =	sadd.s32 @p0 s4, s11  }
0x13: {  	_ =	strace $0x90000066;
	s13 =	sand.u32 @p0 $0x1, s7;
	s12 =	sshll.u32 @p0 s12, $0x4  }
0x14: {  	_ =	strace @p0 $0x80000067;
	s15 =	simm.s32 @p0 $0x0;
	s12 =	sand.u32 @p0 $0x1FFFFFF0, s12  }
0x15: {  	s14 =	sshll.u32 @p0 s13, $0x7;
	s13 =	sadd.s32 @p0 $0x1, s13;
	s12 =	sadd.s32 @p0 s3, s12  }
0x16: {  	[tilespmem:s14], [sflag:s13] =	stream.linear.gather @p0 [hbm4b:s12+s15], $0x80, $0x200038;
	[tilespmem:$0x8100] =	vst v63  }
0x17: {  	p3 =	por p2, p2;
	s21 =	sshll.u32 s20, $0xE;
	_ =	strace @p0 $0x90000067  }
0x18: {  	s16 =	sand.u32 $0x80, s16;
	p2 =	por p5, p5;
	_ =	strace $0x80000068  }
0x19: {  	s17 =	sadd.s32 $0x1, s11;
	s22 =	sor.u32 $0x100, s21;
	_ =	swait.ge [sflag:s30], $0x80  }
0x1a: {  	s21 =	simm.s32 $0x1;
	p6 =	por p1, p1;
	[sflag:s30] =	ssyncset.done $0x0  }
0x1b: {  	p1 =	por p3, p3;
	p4 =	por $0x1, $0x1;
	[sflag:s30] =	ssyncadd.s32 $0xFFFFFF80  }
0x1c: {  	s12 =	simm.s32 $0xF;
	s15 =	sand.u32 @!p3 $0x1, s1;
	_ =	strace $0x90000068  }
0x1d: {  	s13 =	simm.s32 $0x1;
	p3 =	seq.s32 s17, $0x10;
	_ =	strace $0x80000069  }
0x1e: {  	s13 =	simm.s32 @!p0 $0x0;
	s17 =	simm.s32 @p3 $0x0;
	s19 =	rddreg [dreg:$0x4]  }
0x1f: {  	p0 =	por $0x0, $0x0;
	s14 =	sadd.s32 $0x1, s13;
	s31 =	rddreg [dreg:$0x3]  }
0x20: {  	[tilespmem:s22], [sflag:$0x5] =	stream.indirect.gather [hbm4b:s31+s19], $0x80, s16, s19, $0x2000b8;
	[tilespmem:$0x8100] =	vst v63  }
0x21: {  	p3 =	sne.s32 s11, s17;
	s21 =	simm.s32 @!p0 $0x0;
	_ =	swait.ge [sflag:s8], $0x4000  }
0x22: {  	p5 =	por !p4, !p3;
	p4 =	por $0x0, $0x0;
	[sflag:s8] =	ssyncset.done $0x0  }
0x23: {  	s13 =	simm.s32 $0x0;
	p6 =	por p4, p6;
	[sflag:s8] =	ssyncadd.s32 $0xFFFFC000  }
0x24: {  	s16 =	simm.s32 $0x0;
	s19 =	simm.s32 $0x0;
	_ =	strace $0x90000069  }
.LBB2_2:
0x25: {  	_ =	strace @p6 $0x8000006A;
	s13 =	sadd.s32 s21, s13;
	s21 =	smov.u32 s12  }
0x26: {  	s12 =	smov.u32 s18;
	s18 =	sadd.s32 $0xFFFFFFFF, s18;
	p0 =	por p3, p3  }
0x27: {  	s28 =	sshll.u32 @p6 s23, $0xB;
	s20 =	sadd.s32 @p6 $0x3, s20;
	s24 =	simm.s32 @!p0 $0x0  }
0x28: {  	s25 =	rddreg [dreg:$0x5];
	s28 =	sand.u32 @p6 $0x1FFFF800, s28;
	s24 =	simm.s32 @p0 $0x1  }
0x29: {  	s25 =	sadd.s32 @p6 s25, s28;
	s28 =	simm.s32 @p6 $0x0;
	p0 =	sne.s32 s18, $0x0  }
0x2a: {  	[hbm4b:s25+s28] =	stream.linear.scatter @p6 [tilespmem:s22], [sflag:s20], $0x4000, $0x200038;
	[tilespmem:$0x8100] =	vst v63  }
0x2b: {  	s20 =	sadd.s32 @!p1 $0x3, s15;
	s15 =	simm.s32 @!p0 $0x0  }
0x2c: {  	s26 =	simm.s32 $0x1;
	[smem:$0x7FC] =	sst s24;
	s15 =	simm.s32 @p0 $0x1  }
0x2d: {  	s26 =	simm.s32 @!p6 $0x0;
	_ =	strace @p6 $0x9000006A;
	[smem:$0x7FD] =	sst s15  }
0x2e: {  	p5 =	por !p5, !p5;
	s19 =	sadd.s32 s26, s19;
	_ =	strace @!p1 $0x8000006B  }
0x2f: {  	s24 =	sand.u32 @!p2 $0x1, s13;
	s22 =	sand.u32 @p5 $0x1, s14;
	_ =	swait.ge @!p1 [sflag:s20], $0x4000  }
0x30: {  	s15 =	smov.u32 s24;
	s24 =	sadd.s32 @p5 s4, s17;
	[sflag:s20] =	ssyncset.done @!p1 $0x0  }
0x31: {  	s25 =	sshll.u32 @p5 s22, $0x7;
	s24 =	sshll.u32 @p5 s24, $0x4;
	[sflag:s20] =	ssyncadd.s32 @!p1 $0xFFFFC000  }
0x32: {  	s20 =	sadd.s32 @p5 $0x1, s22;
	s22 =	sand.u32 @p5 $0x1FFFFFF0, s24;
	_ =	strace @!p1 $0x9000006B  }
0x33: {  	s24 =	simm.s32 @p5 $0x0;
	s22 =	sadd.s32 @p5 s3, s22;
	_ =	strace @p5 $0x80000067  }
0x34: {  	[tilespmem:s25], [sflag:s20] =	stream.linear.gather @p5 [hbm4b:s22+s24], $0x80, $0x200038;
	[tilespmem:$0x8100] =	vst v63  }
0x35: {  	s16 =	sadd.s32 s26, s16;
	s26 =	sand.u32 $0x1, s19;
	_ =	strace @p5 $0x90000067  }
0x36: {  	s24 =	sadd.s32 $0x1, s26;
	_ =	strace $0x80000068  }
0x37: {  	_ =	swait.ge [sflag:s24], $0x80  }
0x38: {  	[sflag:s24] =	ssyncset.done $0x0  }
0x39: {  	s20 =	simm.s32 $0x1;
	[sflag:s24] =	ssyncadd.s32 $0xFFFFFF80  }
0x3a: {  	s20 =	simm.s32 @!p5 $0x0;
	_ =	strace $0x90000068  }
0x3b: {  	s14 =	sadd.s32 s20, s14;
	s20 =	sand.u32 $0x1, s16;
	_ =	strace $0x80000069  }
0x3c: {  	s29 =	sshll.u32 s19, $0x7;
	s25 =	sshll.u32 s20, $0xE;
	s26 =	rddreg [dreg:$0x4]  }
0x3d: {  	s29 =	sand.u32 $0x80, s29;
	s22 =	sor.u32 $0x100, s25;
	s30 =	rddreg [dreg:$0x3]  }
0x3e: {  	[tilespmem:s22], [sflag:$0x5] =	stream.indirect.gather [hbm4b:s30+s26], $0x80, s29, s26, $0x2000b8;
	[tilespmem:$0x8100] =	vst v63  }
0x3f: {  	_ =	swait.ge [sflag:s8], $0x4000  }
0x40: {  	s31 =	sadd.s32 $0x1, s17;
	[sflag:s8] =	ssyncset.done $0x0  }
0x41: {  	s23 =	sadd.s32 s4, s11;
	s11 =	smov.u32 s17;
	[sflag:s8] =	ssyncadd.s32 $0xFFFFC000  }
0x42: {  	p3 =	seq.s32 s31, $0x10;
	s17 =	smov.u32 s31;
	_ =	strace $0x90000069  }
0x43: {  	s17 =	simm.s32 @p3 $0x0;
	s31 =	sld [smem:$0x7FD]  }
0x44: {  	p6 =	sne.s32 s12, $0x1;
	p0 =	sne.s32 s21, $0x10;
	p3 =	sne.s32 s11, s17  }
0x45: {  	p5 =	por !p6, !p3;
	p6 =	seq.s32 s21, $0x1;
	s21 =	simm.s32 $0x1  }
0x46: {  	s21 =	simm.s32 @!p0 $0x0;
	p0 =	seq.s32 s31, $0x1  }
.Ltmp0:
0x47: {  	s30 =	sld [smem:$0x7FC];
	(pc) =	sbr.rel @p0 .LBB2_2-.Ltmp0, $4  }
0x48: {  	_ = 	snop  }
0x49: {  	p4 =	seq.s32 s12, $0x10  }
0x4a: {  	p1 =	por p2, p2;
	p2 =	por p4, p4;
	p4 =	seq.s32 s30, $0x1  }
0x4b: {  	p6 =	por p6, p4  }
0x4c: {  	_ =	strace @p6 $0x8000006A;
	s23 =	sshll.u32 @p6 s23, $0xB  }
0x4d: {  	s18 =	rddreg [dreg:$0x5];
	s23 =	sand.u32 @p6 $0x1FFFF800, s23  }
0x4e: {  	s20 =	sadd.s32 @p6 $0x3, s20;
	s18 =	sadd.s32 @p6 s18, s23;
	s23 =	simm.s32 @p6 $0x0  }
0x4f: {  	[hbm4b:s18+s23] =	stream.linear.scatter @p6 [tilespmem:s22], [sflag:s20], $0x4000, $0x200038;
	[tilespmem:$0x8100] =	vst v63  }
0x50: {  	p0 =	por !p5, !p5;
	_ =	strace @p6 $0x9000006A  }
0x51: {  	s15 =	sadd.s32 @!p1 $0x3, s15;
	s17 =	sadd.s32 @p0 s4, s17;
	_ =	strace @!p1 $0x8000006B  }
0x52: {  	s14 =	sand.u32 @p0 $0x1, s14;
	s17 =	sshll.u32 @p0 s17, $0x4;
	_ =	swait.ge @!p1 [sflag:s15], $0x4000  }
0x53: {  	s18 =	simm.s32 $0x1;
	s20 =	sshll.u32 @p0 s14, $0x7;
	[sflag:s15] =	ssyncset.done @!p1 $0x0  }
0x54: {  	s14 =	sadd.s32 @p0 $0x1, s14;
	s18 =	simm.s32 @!p6 $0x0;
	[sflag:s15] =	ssyncadd.s32 @!p1 $0xFFFFC000  }
0x55: {  	s19 =	sadd.s32 s18, s19;
	s15 =	sand.u32 @p0 $0x1FFFFFF0, s17;
	_ =	strace @!p1 $0x9000006B  }
0x56: {  	s17 =	simm.s32 @p0 $0x0;
	s15 =	sadd.s32 @p0 s3, s15;
	_ =	strace @p0 $0x80000067  }
0x57: {  	[tilespmem:s20], [sflag:s14] =	stream.linear.gather @p0 [hbm4b:s15+s17], $0x80, $0x200038;
	[tilespmem:$0x8100] =	vst v63  }
0x58: {  	s25 =	sand.u32 $0x1, s19;
	_ =	strace @p0 $0x90000067  }
0x59: {  	s14 =	sadd.s32 $0x1, s25;
	_ =	strace $0x80000068  }
0x5a: {  	_ =	swait.ge [sflag:s14], $0x80  }
0x5b: {  	[sflag:s14] =	ssyncset.done $0x0  }
0x5c: {  	[sflag:s14] =	ssyncadd.s32 $0xFFFFFF80  }
0x5d: {  	s26 =	sadd.s32 s18, s16;
	_ =	strace $0x90000068  }
0x5e: {  	s14 =	sand.u32 $0x1, s26;
	_ =	strace $0x80000069  }
0x5f: {  	s30 =	sshll.u32 s19, $0x7;
	s31 =	sshll.u32 s14, $0xE;
	s28 =	rddreg [dreg:$0x4]  }
0x60: {  	s17 =	sand.u32 $0x80, s30;
	s18 =	sor.u32 $0x100, s31;
	s29 =	rddreg [dreg:$0x3]  }
0x61: {  	[tilespmem:s18], [sflag:$0x5] =	stream.indirect.gather [hbm4b:s29+s28], $0x80, s17, s28, $0x2000b8;
	[tilespmem:$0x8100] =	vst v63  }
0x62: {  	_ =	swait.ge [sflag:s8], $0x4000  }
0x63: {  	[sflag:s8] =	ssyncset.done $0x0  }
0x64: {  	p5 =	por p3, p3;
	p6 =	seq.s32 s12, $0x1;
	[sflag:s8] =	ssyncadd.s32 $0xFFFFC000  }
0x65: {  	s11 =	sadd.s32 s4, s11;
	p0 =	por p6, p5;
	_ =	strace $0x90000069  }
0x66: {  	s11 =	sshll.u32 @p0 s11, $0xB;
	_ =	strace @p0 $0x8000006A  }
0x67: {  	s13 =	sadd.s32 s21, s13;
	s11 =	sand.u32 @p0 $0x1FFFF800, s11;
	s12 =	rddreg [dreg:$0x5]  }
0x68: {  	s14 =	sadd.s32 @p0 $0x3, s14;
	s11 =	sadd.s32 @p0 s12, s11;
	s12 =	simm.s32 @p0 $0x0  }
0x69: {  	[hbm4b:s11+s12] =	stream.linear.scatter @p0 [tilespmem:s18], [sflag:s14], $0x4000, $0x200038;
	[tilespmem:$0x8100] =	vst v63  }
0x6a: {  	p1 =	por p2, p2;
	s11 =	sand.u32 @!p2 $0x1, s13;
	_ =	strace @p0 $0x9000006A  }
0x6b: {  	s11 =	sadd.s32 @!p1 $0x3, s11;
	_ =	strace @!p1 $0x8000006B  }
0x6c: {  	_ =	swait.ge @!p1 [sflag:s11], $0x4000  }
0x6d: {  	[sflag:s11] =	ssyncset.done @!p1 $0x0  }
0x6e: {  	s10 =	sadd.s32 $0x1, s10;
	[sflag:s11] =	ssyncadd.s32 @!p1 $0xFFFFC000  }
0x6f: {  	p0 =	sne.s32 s10, s6;
	_ =	strace @!p1 $0x9000006B  }
.Ltmp1:
0x70: {  	_ =	strace $0x8000006C;
	(pc) =	sbr.rel @p0 .LBB2_1-.Ltmp1, $4  }
0x71: {  	_ =	swait.ge [sflag:s9], $0x4000  }
0x72: {  	[sflag:s9] =	ssyncset.done $0x0  }
0x73: {  	[sflag:s9] =	ssyncadd.s32 $0xFFFFC000  }
0x74: {  	_ =	strace $0x9000006C  }
0x75: {  	_ =	sfence.sel $0x180000  }
0x76: {  	[bflag:$0x0] =	sbarrier.arrive $0xFFFF  }
0x77: {  	p0 =	sne.s32 s2, $0x0;
	_ =	strace $0x90000065  }
0x78: {  	s0 =	sadd.s32 @!p0 $0x100000, s0;
	[bflag:$0x2] =	sbarrier.arrive $0xFFFF  }
0x79: {  	[sflag:s0] =	ssyncadd.tile.s32 @!p0 $0x1;
	_ =	shalt  }
.Lfunc_end2:
_tile_overlayer_lowered:
.L_overlay_start_2:
0x7a: {  	(tag) =	ssettag $0x2  }
0x7b: {  	s0 =	rddreg [dreg:$0x0];
	s2 =	stileid.u32  }
0x7c: {  	s1 =	rddreg [dreg:$0x1];
	p0 =	sne.s32 s2, $0x0  }
0x7d: {  	s3 =	rddreg [dreg:$0x2];
	[bflag:$0x3] =	sbarrier.arrive $0xFFFF;
	s2 =	simm.s32 @!p0 $0x1C01  }
0x7e: {  	[timem:s3], [sflag:s2] =	dma.local @!p0 [hbm:s0], s1  }
0x7f: {  	s0 =	simm.s32 @!p0 $0x1  }
0x80: {  	_ =	swait.ge @!p0 [sflag:s0], s1  }
0x81: {  	s1 =	ssub.s32 @!p0 $0x0, s1;
	[sflag:s0] =	ssyncset.done @!p0 $0x0  }
0x82: {  	[sflag:s0] =	ssyncadd.s32 @!p0 s1  }
0x83: {  	[bflag:$0x3] =	sbarrier.arrive $0xFFFF  }
0x84: {  	_ =	shalt  }

</sc_bundles>
